<compile_context>
chip_gen: v7x
topology: tpu7x:2x2x1
jax: 0.10.2.dev20260603
libtpu: 0.0.44.dev20260713+nightly
codegen_flags: <defaults>
</compile_context>

<pallas_src>
import functools

import jax
import jax.numpy as jnp
from jax import lax
from jax.experimental import pallas as pl
from jax.experimental.pallas import tpu as pltpu
from jax.experimental.pallas import tpu_sc as plsc

_N = 10000
_E = 320000
_FIN = 128
_H = 64
_HH = _H // 2
_OUT = 32
_G = 64

_NC, _NS = 2, 16
_CH = 128
_NCH = 160
_EPW = _NCH * _CH
_EPAD = _NS * _EPW
_ACC = 10240
_ZCH = _ACC // _NS
_DCH = _NCH // _NC
_BN = 2000

_DOT = dict(preferred_element_type=jnp.float32)


def _zero_rows(buf, nrows, width):
    @pl.loop(0, nrows)
    def _(i):
        for j0 in range(0, width, 16):
            buf[i, pl.ds(j0, 16)] = jnp.zeros((16,), jnp.float32)


@functools.lru_cache(maxsize=None)
def _sc_degree_kernel():
    mesh = plsc.VectorSubcoreMesh(core_axis_name="c", subcore_axis_name="s")
    return pl.kernel(
        _sc_degree,
        out_type=jax.ShapeDtypeStruct((_NC, _ACC, 16), jnp.float32),
        mesh=mesh,
        compiler_params=pltpu.CompilerParams(use_tc_tiling_on_sc=False),
        scratch_types=[
            pltpu.VMEM((_DCH, _CH), jnp.int32),
            pltpu.VMEM((_CH, 16), jnp.float32),
            pltpu.VMEM_SHARED((_ACC, 16), jnp.float32),
        ],
    )


@functools.lru_cache(maxsize=None)
def _sc_aggregate_kernel():
    mesh = plsc.VectorSubcoreMesh(core_axis_name="c", subcore_axis_name="s")
    return pl.kernel(
        _sc_aggregate,
        out_type=jax.ShapeDtypeStruct((_NC, _ACC, _HH), jnp.float32),
        mesh=mesh,
        compiler_params=pltpu.CompilerParams(use_tc_tiling_on_sc=False),
        scratch_types=[
            pltpu.VMEM((_NCH, _CH), jnp.int32),
            pltpu.VMEM((_NCH, _CH), jnp.int32),
            pltpu.VMEM((_CH, _HH), jnp.float32),
            pltpu.VMEM_SHARED((_N, _HH), jnp.float32),
            pltpu.VMEM_SHARED((_ACC, _HH), jnp.float32),
        ],
    )


def _sc_degree(dst_hbm, out_hbm, didx, rbuf, acc):
    c = lax.axis_index("c")
    s = lax.axis_index("s")
    _zero_rows(rbuf, _CH, 16)

    @pl.loop(0, _ZCH // _CH)
    def _(k):
        pltpu.sync_copy(rbuf, acc.at[pl.ds(s * _ZCH + k * _CH, _CH)])

    lanes = lax.iota(jnp.int32, 16)
    one0 = jnp.where(lanes == 0, jnp.float32(1.0), jnp.float32(0.0))

    @pl.loop(0, _CH)
    def _(i):
        rbuf[i, pl.ds(0, 16)] = one0

    pltpu.sync_copy(dst_hbm.at[s, pl.ds(c * _DCH, _DCH)], didx)
    plsc.subcore_barrier()

    @pl.loop(0, _DCH)
    def _(j):
        pltpu.sync_copy(rbuf, acc.at[didx.at[j]], add=True)

    plsc.subcore_barrier()
    pltpu.sync_copy(acc.at[pl.ds(s * _ZCH, _ZCH)],
                    out_hbm.at[c, pl.ds(s * _ZCH, _ZCH)])


def _sc_aggregate(yl_hbm, yr_hbm, src_hbm, dst_hbm, out_hbm, sidx, didx,
                  rows, y_spm, acc):
    c = lax.axis_index("c")
    s = lax.axis_index("s")
    _zero_rows(rows, _CH, _HH)

    @pl.loop(0, _ZCH // _CH)
    def _(k):
        pltpu.sync_copy(rows, acc.at[pl.ds(s * _ZCH + k * _CH, _CH)])

    @pl.when(c == 0)
    def _():
        @pl.when(s < _NS - 1)
        def _():
            pltpu.sync_copy(yl_hbm.at[pl.ds(s * _ZCH, _ZCH)],
                            y_spm.at[pl.ds(s * _ZCH, _ZCH)])

        @pl.when(s == _NS - 1)
        def _():
            pltpu.sync_copy(yl_hbm.at[pl.ds((_NS - 1) * _ZCH, _N - (_NS - 1) * _ZCH)],
                            y_spm.at[pl.ds((_NS - 1) * _ZCH, _N - (_NS - 1) * _ZCH)])

    @pl.when(c == 1)
    def _():
        @pl.when(s < _NS - 1)
        def _():
            pltpu.sync_copy(yr_hbm.at[pl.ds(s * _ZCH, _ZCH)],
                            y_spm.at[pl.ds(s * _ZCH, _ZCH)])

        @pl.when(s == _NS - 1)
        def _():
            pltpu.sync_copy(yr_hbm.at[pl.ds((_NS - 1) * _ZCH, _N - (_NS - 1) * _ZCH)],
                            y_spm.at[pl.ds((_NS - 1) * _ZCH, _N - (_NS - 1) * _ZCH)])

    pltpu.sync_copy(src_hbm.at[s], sidx)
    pltpu.sync_copy(dst_hbm.at[s], didx)
    plsc.subcore_barrier()

    @pl.loop(0, _NCH)
    def _(j):
        pltpu.sync_copy(y_spm.at[sidx.at[j]], rows)
        pltpu.sync_copy(rows, acc.at[didx.at[j]], add=True)

    plsc.subcore_barrier()
    pltpu.sync_copy(acc.at[pl.ds(s * _ZCH, _ZCH)],
                    out_hbm.at[c, pl.ds(s * _ZCH, _ZCH)])


def _tcxw_body(x, w, xw_out):
    xw_out[...] = lax.dot_general(x[...], w[...], (((1,), (0,)), ((), ())),
                                  **_DOT)


_tcxw = pl.pallas_call(
    _tcxw_body,
    grid=(_N // _BN,),
    in_specs=[
        pl.BlockSpec((_BN, _FIN), lambda i: (i, 0)),
        pl.BlockSpec((_FIN, _H), lambda i: (0, 0)),
    ],
    out_specs=pl.BlockSpec((_BN, _H), lambda i: (i, 0)),
    out_shape=jax.ShapeDtypeStruct((_N, _H), jnp.float32),
)


def _tc1_body(d, xw, yl_out, yr_out, dinv_out):
    deg = d[0, :, 0:1] + d[1, :, 0:1] + 1.0
    dv = 1.0 / jnp.sqrt(deg)
    dinv_out[...] = dv
    y = dv * xw[...]
    yl_out[...] = y[:, :_HH]
    yr_out[...] = y[:, _HH:]


_tc1 = pl.pallas_call(
    _tc1_body,
    grid=(_N // _BN,),
    in_specs=[
        pl.BlockSpec((2, _BN, 16), lambda i: (0, i, 0)),
        pl.BlockSpec((_BN, _H), lambda i: (i, 0)),
    ],
    out_specs=[
        pl.BlockSpec((_BN, _HH), lambda i: (i, 0)),
        pl.BlockSpec((_BN, _HH), lambda i: (i, 0)),
        pl.BlockSpec((_BN, 1), lambda i: (i, 0)),
    ],
    out_shape=[
        jax.ShapeDtypeStruct((_N, _HH), jnp.float32),
        jax.ShapeDtypeStruct((_N, _HH), jnp.float32),
        jax.ShapeDtypeStruct((_N, 1), jnp.float32),
    ],
)


def _tc2_body(p, yl, yr, dinv, b, w, yln, yrn):
    dv = dinv[...]
    agg = jnp.concatenate([p[0] + yl[...], p[1] + yr[...]], axis=1)
    h = jnp.maximum(dv * agg + b[...], 0.0)
    yn = dv * lax.dot_general(h, w[...], (((1,), (0,)), ((), ())), **_DOT)
    yln[...] = yn[:, :_HH]
    yrn[...] = yn[:, _HH:]


_tc2 = pl.pallas_call(
    _tc2_body,
    grid=(_N // _BN,),
    in_specs=[
        pl.BlockSpec((2, _BN, _HH), lambda i: (0, i, 0)),
        pl.BlockSpec((_BN, _HH), lambda i: (i, 0)),
        pl.BlockSpec((_BN, _HH), lambda i: (i, 0)),
        pl.BlockSpec((_BN, 1), lambda i: (i, 0)),
        pl.BlockSpec((1, _H), lambda i: (0, 0)),
        pl.BlockSpec((_H, _H), lambda i: (0, 0)),
    ],
    out_specs=[
        pl.BlockSpec((_BN, _HH), lambda i: (i, 0)),
        pl.BlockSpec((_BN, _HH), lambda i: (i, 0)),
    ],
    out_shape=[
        jax.ShapeDtypeStruct((_N, _HH), jnp.float32),
        jax.ShapeDtypeStruct((_N, _HH), jnp.float32),
    ],
)


def _tc3_body(p, yl, yr, dinv, b3, bat, pw1, pb1, pw2, pb2, zout,
              pooled, cnt):
    i = pl.program_id(0)

    @pl.when(i == 0)
    def _():
        pooled[...] = jnp.zeros_like(pooled)
        cnt[...] = jnp.zeros_like(cnt)

    dv = dinv[...]
    agg = jnp.concatenate([p[0] + yl[...], p[1] + yr[...]], axis=1)
    h3 = dv * agg + b3[...]
    gid = lax.broadcasted_iota(jnp.int32, (_BN, _G), 1)
    oh = (bat[...] == gid).astype(jnp.float32)
    pooled[...] += lax.dot_general(oh, h3, (((0,), (0,)), ((), ())), **_DOT)
    cnt[...] += lax.dot_general(oh, jnp.ones((_BN, 1), jnp.float32),
                                (((0,), (0,)), ((), ())), **_DOT)

    @pl.when(i == _N // _BN - 1)
    def _():
        hm = pooled[...] / jnp.maximum(cnt[...], 1.0)
        z = jnp.maximum(lax.dot_general(hm, pw1[...], (((1,), (0,)), ((), ())),
                                        **_DOT) + pb1[...], 0.0)
        z = lax.dot_general(z, pw2[...], (((1,), (0,)), ((), ())), **_DOT) + pb2[...]
        nrm = jnp.sqrt(jnp.sum(z * z, axis=1, keepdims=True))
        zout[...] = z / jnp.maximum(nrm, 1e-12)


_tc3 = pl.pallas_call(
    _tc3_body,
    grid=(_N // _BN,),
    in_specs=[
        pl.BlockSpec((2, _BN, _HH), lambda i: (0, i, 0)),
        pl.BlockSpec((_BN, _HH), lambda i: (i, 0)),
        pl.BlockSpec((_BN, _HH), lambda i: (i, 0)),
        pl.BlockSpec((_BN, 1), lambda i: (i, 0)),
        pl.BlockSpec((1, _H), lambda i: (0, 0)),
        pl.BlockSpec((_BN, 1), lambda i: (i, 0)),
        pl.BlockSpec((_H, _H), lambda i: (0, 0)),
        pl.BlockSpec((1, _H), lambda i: (0, 0)),
        pl.BlockSpec((_H, _OUT), lambda i: (0, 0)),
        pl.BlockSpec((1, _OUT), lambda i: (0, 0)),
    ],
    out_specs=pl.BlockSpec((_G, _OUT), lambda i: (0, 0)),
    out_shape=jax.ShapeDtypeStruct((_G, _OUT), jnp.float32),
    scratch_shapes=[
        pltpu.VMEM((_G, _H), jnp.float32),
        pltpu.VMEM((_G, 1), jnp.float32),
    ],
)


def kernel(x, edge_index, batch, W1, b1, W2, b2, W3, b3, PW1, Pb1, PW2, Pb2):
    src = edge_index[0]
    dst = edge_index[1]
    pad = _EPAD - _E
    src_p = jnp.concatenate([src, jnp.zeros((pad,), jnp.int32)]).reshape(
        _NS, _NCH, _CH)
    dst_p = jnp.concatenate([dst, jnp.full((pad,), _N, jnp.int32)]).reshape(
        _NS, _NCH, _CH)

    sc_deg = _sc_degree_kernel()
    sc_agg = _sc_aggregate_kernel()
    xw1 = _tcxw(x, W1)
    degp = sc_deg(dst_p)
    yl, yr, dinv = _tc1(degp, xw1)
    p = sc_agg(yl, yr, src_p, dst_p)
    yl, yr = _tc2(p, yl, yr, dinv, b1.reshape(1, _H), W2)
    p = sc_agg(yl, yr, src_p, dst_p)
    yl, yr = _tc2(p, yl, yr, dinv, b2.reshape(1, _H), W3)
    p = sc_agg(yl, yr, src_p, dst_p)
    return _tc3(p, yl, yr, dinv, b3.reshape(1, _H),
                batch.reshape(_N, 1), PW1, Pb1.reshape(1, _H), PW2,
                Pb2.reshape(1, _OUT))

# --- scband reference (transcript-rebuilt; emitter-appended) ---
"""Pipeline reference for scband-graph-encoder-5677946765822 (READ-ONLY COPY).

The authoritative reference and input builder live on the scoring server;
editing this copy changes nothing except your own understanding.
"""

import jax, jax.numpy as jnp
import numpy as np

N = 10000
E = 320000
F_IN = 128
H = 64
OUT = 32
G = 64


def glorot(k, shape):
    lim = float(np.sqrt(6.0 / (shape[0] + shape[1])))
    return jax.random.uniform(k, shape, jnp.float32, -lim, lim)


def setup_inputs(seed: int = 0):
    key = jax.random.key(seed)
    ks = jax.random.split(key, 12)
    x = jax.random.normal(ks[0], (N, F_IN), dtype=jnp.float32)
    edge_index = jax.random.randint(ks[1], (2, E), 0, N, dtype=jnp.int32)
    batch = jnp.sort(jax.random.randint(ks[2], (N,), 0, G, dtype=jnp.int32))
    W1 = glorot(ks[3], (F_IN, H)); b1 = jnp.zeros((H,), jnp.float32)
    W2 = glorot(ks[4], (H, H)); b2 = jnp.zeros((H,), jnp.float32)
    W3 = glorot(ks[5], (H, H)); b3 = jnp.zeros((H,), jnp.float32)
    PW1 = glorot(ks[6], (H, H)); Pb1 = jnp.zeros((H,), jnp.float32)
    PW2 = glorot(ks[7], (H, OUT)); Pb2 = jnp.zeros((OUT,), jnp.float32)
    return {"x": x, "edge_index": edge_index, "batch": batch,
            "W1": W1, "b1": b1, "W2": W2, "b2": b2, "W3": W3, "b3": b3,
            "PW1": PW1, "Pb1": Pb1, "PW2": PW2, "Pb2": Pb2}


def gcn_conv(x, edge_index, W, b):
    # GCNConv: add self-loops, symmetric normalization D^-1/2 (A+I) D^-1/2 X W + b
    n = x.shape[0]
    loop = jnp.arange(n, dtype=edge_index.dtype)
    src = jnp.concatenate([edge_index[0], loop])
    dst = jnp.concatenate([edge_index[1], loop])
    deg = jnp.zeros((n,), jnp.float32).at[dst].add(1.0)
    dinv = jnp.where(deg > 0, 1.0 / jnp.sqrt(deg), 0.0)
    norm = dinv[src] * dinv[dst]
    xw = x @ W
    msg = xw[src] * norm[:, None]
    out = jnp.zeros((n, W.shape[1]), jnp.float32).at[dst].add(msg)
    return out + b


def forward(x, edge_index, batch, W1, b1, W2, b2, W3, b3, PW1, Pb1, PW2, Pb2):
    h = jax.nn.relu(gcn_conv(x, edge_index, W1, b1))
    h = jax.nn.relu(gcn_conv(h, edge_index, W2, b2))
    h = gcn_conv(h, edge_index, W3, b3)
    s = jax.ops.segment_sum(h, batch, num_segments=G)
    cnt = jax.ops.segment_sum(jnp.ones((h.shape[0], 1), jnp.float32), batch, num_segments=G)
    hm = s / jnp.maximum(cnt, 1.0)
    z = jax.nn.relu(hm @ PW1 + Pb1) @ PW2 + Pb2
    nrm = jnp.maximum(jnp.linalg.norm(z, axis=1, keepdims=True), 1e-12)
    return z / nrm


def reference(x, edge_index, batch, W1, b1, W2, b2, W3, b3, PW1, Pb1, PW2, Pb2):
    return forward(x, edge_index, batch, W1, b1, W2, b2, W3, b3, PW1, Pb1, PW2, Pb2)

if __name__ == "__main__":
    import jax
    _d = setup_inputs()
    print(jax.jit(kernel)(*tuple(_d.values())))

</pallas_src>

<mosaic_0001>
#map = affine_map<(d0, d1) -> (0, 0)>
#map1 = affine_map<(d0, d1) -> (0, 0, 0)>
module attributes {stable_mosaic.version = 14 : i64} {
  func.func @_sc_aggregate(%arg0: i32, %arg1: i32, %arg2: memref<10000x32xf32, #tpu.memory_space<hbm>>, %arg3: memref<10000x32xf32, #tpu.memory_space<hbm>>, %arg4: memref<16x160x128xi32, #tpu.memory_space<hbm>>, %arg5: memref<16x160x128xi32, #tpu.memory_space<hbm>>, %arg6: memref<2x10240x32xf32, #tpu.memory_space<hbm>>, %arg7: memref<160x128xi32, #tpu.memory_space<vmem>>, %arg8: memref<160x128xi32, #tpu.memory_space<vmem>>, %arg9: memref<128x32xf32, #tpu.memory_space<vmem>>, %arg10: memref<10000x32xf32, #tpu.memory_space<vmem_shared>>, %arg11: memref<10240x32xf32, #tpu.memory_space<vmem_shared>>) attributes {dimension_semantics = [#tpu.dimension_semantics<core_parallel>, #tpu.dimension_semantics<subcore_parallel>], iteration_bounds = array<i64: 2, 16>, scalar_prefetch = 0 : i64, scratch_operands = 5 : i64, tpu.core_type = #tpu.core_type<sc_vector_subcore>, window_params = [{transform_indices = #map}, {transform_indices = #map}, {transform_indices = #map1}, {transform_indices = #map1}, {transform_indices = #map1}]} {
    %scan3A = arith.constant 0 : i32
    %scan3A_0 = arith.constant 128 : i32
    %scan3A_1 = arith.addi %scan3A, %scan3A_0 : i32
    %scan3A_2 = arith.constant 1 : i32
    scf.for %scan3A_25 = %scan3A to %scan3A_1 step %scan3A_2  : i32 {
      %mul3A_26 = arith.constant 1 : i32
      %mul3A_27 = arith.muli %scan3A_25, %mul3A_26 : i32
      %add3A = arith.constant 0 : i32
      %add3A_28 = arith.addi %add3A, %mul3A_27 : i32
      %broadcast_in_dim3A = arith.constant 0.000000e+00 : f32
      %broadcast_in_dim3A_29 = vector.broadcast %broadcast_in_dim3A : f32 to vector<16xf32>
      %swap3A = arith.index_cast %add3A_28 : i32 to index
      %swap3A_30 = arith.constant 0 : index
      %swap3A_31 = tpu.vector_load %arg9[%swap3A, %swap3A_30] {strides = array<i32>} : memref<128x32xf32, #tpu.memory_space<vmem>>, vector<1x16xf32>,
      %swap3A_32 = vector.shape_cast %swap3A_31 : vector<1x16xf32> to vector<16xf32>
      %swap3A_33 = vector.shape_cast %broadcast_in_dim3A_29 : vector<16xf32> to vector<1x16xf32>
      tpu.vector_store %arg9[%swap3A, %swap3A_30], %swap3A_33 {strides = array<i32>} : memref<128x32xf32, #tpu.memory_space<vmem>>, vector<1x16xf32>,
      %broadcast_in_dim3A_34 = arith.constant 0.000000e+00 : f32
      %broadcast_in_dim3A_35 = vector.broadcast %broadcast_in_dim3A_34 : f32 to vector<16xf32>
      %swap3A_36 = arith.index_cast %add3A_28 : i32 to index
      %swap3A_37 = arith.constant 16 : index
      %swap3A_38 = tpu.vector_load %arg9[%swap3A_36, %swap3A_37] {strides = array<i32>} : memref<128x32xf32, #tpu.memory_space<vmem>>, vector<1x16xf32>,
      %swap3A_39 = vector.shape_cast %swap3A_38 : vector<1x16xf32> to vector<16xf32>
      %swap3A_40 = vector.shape_cast %broadcast_in_dim3A_35 : vector<16xf32> to vector<1x16xf32>
      tpu.vector_store %arg9[%swap3A_36, %swap3A_37], %swap3A_40 {strides = array<i32>} : memref<128x32xf32, #tpu.memory_space<vmem>>, vector<1x16xf32>,
    }
    %scan3A_3 = arith.constant 128 : i32
    %scan3A_4 = arith.constant 0 : i32
    %scan3A_5 = arith.constant 5 : i32
    %scan3A_6 = arith.addi %scan3A_4, %scan3A_5 : i32
    %scan3A_7 = arith.constant 1 : i32
    scf.for %scan3A_25 = %scan3A_4 to %scan3A_6 step %scan3A_7  : i32 {
      %mul3A_26 = arith.constant 1 : i32
      %mul3A_27 = arith.muli %scan3A_25, %mul3A_26 : i32
      %add3A = arith.constant 0 : i32
      %add3A_28 = arith.addi %add3A, %mul3A_27 : i32
      %mul3A_29 = arith.constant 640 : i32
      %mul3A_30 = arith.muli %arg1, %mul3A_29 : i32
      %mul3A_31 = arith.constant 128 : i32
      %mul3A_32 = arith.muli %add3A_28, %mul3A_31 : i32
      %add3A_33 = arith.addi %mul3A_30, %mul3A_32 : i32
      "tpu.region"() ({
        %run_scoped3A = tpu.sem_alloc : memref<!tpu.dma_semaphore, #tpu.memory_space<semaphore_mem>>
        %dma_start3A = arith.constant 0 : i32
        %dma_start3A_34 = tpu.memref_slice %arg11[%add3A_33, %dma_start3A] : memref<10240x32xf32, #tpu.memory_space<vmem_shared>> -> memref<128x32xf32, #tpu.memory_space<vmem_shared>>
        %dma_start3A_35 = arith.constant 0 : i32
        %dma_start3A_36 = tpu.memref_slice %arg11[%add3A_33, %dma_start3A_35] : memref<10240x32xf32, #tpu.memory_space<vmem_shared>> -> memref<128x32xf32, #tpu.memory_space<vmem_shared>>
        tpu.enqueue_dma source(%arg9 : memref<128x32xf32, #tpu.memory_space<vmem>>) target(%dma_start3A_36 : memref<128x32xf32, #tpu.memory_space<vmem_shared>>) target_semaphore(%run_scoped3A : memref<!tpu.dma_semaphore, #tpu.memory_space<semaphore_mem>>)
        %dma_wait3A = arith.constant 0 : i32
        %dma_wait3A_37 = tpu.memref_slice %arg11[%add3A_33, %dma_wait3A] : memref<10240x32xf32, #tpu.memory_space<vmem_shared>> -> memref<128x32xf32, #tpu.memory_space<vmem_shared>>
        %dma_wait3A_38 = arith.constant 0 : i32
        %dma_wait3A_39 = tpu.memref_slice %arg11[%add3A_33, %dma_wait3A_38] : memref<10240x32xf32, #tpu.memory_space<vmem_shared>> -> memref<128x32xf32, #tpu.memory_space<vmem_shared>>
        tpu.wait_dma2 semaphore(%run_scoped3A : memref<!tpu.dma_semaphore, #tpu.memory_space<semaphore_mem>>) src(%arg9 : memref<128x32xf32, #tpu.memory_space<vmem>>) dst(%dma_wait3A_39 : memref<128x32xf32, #tpu.memory_space<vmem_shared>>)
        tpu.yield
      }) : () -> ()
    }
    %scan3A_8 = arith.constant 5 : i32
    %eq3A = arith.constant 0 : i32
    %eq3A_9 = arith.cmpi eq, %arg0, %eq3A : i32
    %convert_element_type3A = arith.extui %eq3A_9 : i1 to i32
    %cond3A = arith.constant 0 : i32
    %cond3A_10 = arith.cmpi ne, %convert_element_type3A, %cond3A : i32
    scf.if %cond3A_10 {
      %lt3A = arith.constant 15 : i32
      %lt3A_25 = arith.cmpi slt, %arg1, %lt3A : i32
      %convert_element_type3A_26 = arith.extui %lt3A_25 : i1 to i32
      %cond3A_27 = arith.constant 0 : i32
      %cond3A_28 = arith.cmpi ne, %convert_element_type3A_26, %cond3A_27 : i32
      scf.if %cond3A_28 {
        %mul3A_34 = arith.constant 640 : i32
        %mul3A_35 = arith.muli %arg1, %mul3A_34 : i32
        %mul3A_36 = arith.constant 640 : i32
        %mul3A_37 = arith.muli %arg1, %mul3A_36 : i32
        "tpu.region"() ({
          %run_scoped3A = tpu.sem_alloc : memref<!tpu.dma_semaphore, #tpu.memory_space<semaphore_mem>>
          %dma_start3A = arith.constant 0 : i32
          %dma_start3A_38 = tpu.memref_slice %arg10[%mul3A_37, %dma_start3A] : memref<10000x32xf32, #tpu.memory_space<vmem_shared>> -> memref<640x32xf32, #tpu.memory_space<vmem_shared>>
          %dma_start3A_39 = arith.constant 0 : i32
          %dma_start3A_40 = tpu.memref_slice %arg2[%mul3A_35, %dma_start3A_39] : memref<10000x32xf32, #tpu.memory_space<hbm>> -> memref<640x32xf32, #tpu.memory_space<hbm>>
          tpu.enqueue_dma source(%dma_start3A_40 : memref<640x32xf32, #tpu.memory_space<hbm>>) target(%dma_start3A_38 : memref<640x32xf32, #tpu.memory_space<vmem_shared>>) target_semaphore(%run_scoped3A : memref<!tpu.dma_semaphore, #tpu.memory_space<semaphore_mem>>)
          %dma_wait3A = arith.constant 0 : i32
          %dma_wait3A_41 = tpu.memref_slice %arg10[%mul3A_37, %dma_wait3A] : memref<10000x32xf32, #tpu.memory_space<vmem_shared>> -> memref<640x32xf32, #tpu.memory_space<vmem_shared>>
          %dma_wait3A_42 = arith.constant 0 : i32
          %dma_wait3A_43 = tpu.memref_slice %arg2[%mul3A_35, %dma_wait3A_42] : memref<10000x32xf32, #tpu.memory_space<hbm>> -> memref<640x32xf32, #tpu.memory_space<hbm>>
          tpu.wait_dma2 semaphore(%run_scoped3A : memref<!tpu.dma_semaphore, #tpu.memory_space<semaphore_mem>>) src(%dma_wait3A_43 : memref<640x32xf32, #tpu.memory_space<hbm>>) dst(%dma_wait3A_41 : memref<640x32xf32, #tpu.memory_space<vmem_shared>>)
          tpu.yield
        }) : () -> ()
      } else {
      }
      %eq3A_29 = arith.constant 15 : i32
      %eq3A_30 = arith.cmpi eq, %arg1, %eq3A_29 : i32
      %convert_element_type3A_31 = arith.extui %eq3A_30 : i1 to i32
      %cond3A_32 = arith.constant 0 : i32
      %cond3A_33 = arith.cmpi ne, %convert_element_type3A_31, %cond3A_32 : i32
      scf.if %cond3A_33 {
        "tpu.region"() ({
          %run_scoped3A = tpu.sem_alloc : memref<!tpu.dma_semaphore, #tpu.memory_space<semaphore_mem>>
          %dma_start3A = arith.constant 9600 : i32
          %dma_start3A_34 = arith.constant 0 : i32
          %dma_start3A_35 = tpu.memref_slice %arg10[%dma_start3A, %dma_start3A_34] : memref<10000x32xf32, #tpu.memory_space<vmem_shared>> -> memref<400x32xf32, #tpu.memory_space<vmem_shared>>
          %dma_start3A_36 = arith.constant 9600 : i32
          %dma_start3A_37 = arith.constant 0 : i32
          %dma_start3A_38 = tpu.memref_slice %arg2[%dma_start3A_36, %dma_start3A_37] : memref<10000x32xf32, #tpu.memory_space<hbm>> -> memref<400x32xf32, #tpu.memory_space<hbm>>
          tpu.enqueue_dma source(%dma_start3A_38 : memref<400x32xf32, #tpu.memory_space<hbm>>) target(%dma_start3A_35 : memref<400x32xf32, #tpu.memory_space<vmem_shared>>) target_semaphore(%run_scoped3A : memref<!tpu.dma_semaphore, #tpu.memory_space<semaphore_mem>>)
          %dma_wait3A = arith.constant 9600 : i32
          %dma_wait3A_39 = arith.constant 0 : i32
          %dma_wait3A_40 = tpu.memref_slice %arg10[%dma_wait3A, %dma_wait3A_39] : memref<10000x32xf32, #tpu.memory_space<vmem_shared>> -> memref<400x32xf32, #tpu.memory_space<vmem_shared>>
          %dma_wait3A_41 = arith.constant 9600 : i32
          %dma_wait3A_42 = arith.constant 0 : i32
          %dma_wait3A_43 = tpu.memref_slice %arg2[%dma_wait3A_41, %dma_wait3A_42] : memref<10000x32xf32, #tpu.memory_space<hbm>> -> memref<400x32xf32, #tpu.memory_space<hbm>>
          tpu.wait_dma2 semaphore(%run_scoped3A : memref<!tpu.dma_semaphore, #tpu.memory_space<semaphore_mem>>) src(%dma_wait3A_43 : memref<400x32xf32, #tpu.memory_space<hbm>>) dst(%dma_wait3A_40 : memref<400x32xf32, #tpu.memory_space<vmem_shared>>)
          tpu.yield
        }) : () -> ()
      } else {
      }
    } else {
    }
    %eq3A_11 = arith.constant 1 : i32
    %eq3A_12 = arith.cmpi eq, %arg0, %eq3A_11 : i32
    %convert_element_type3A_13 = arith.extui %eq3A_12 : i1 to i32
    %cond3A_14 = arith.constant 0 : i32
    %cond3A_15 = arith.cmpi ne, %convert_element_type3A_13, %cond3A_14 : i32
    scf.if %cond3A_15 {
      %lt3A = arith.constant 15 : i32
      %lt3A_25 = arith.cmpi slt, %arg1, %lt3A : i32
      %convert_element_type3A_26 = arith.extui %lt3A_25 : i1 to i32
      %cond3A_27 = arith.constant 0 : i32
      %cond3A_28 = arith.cmpi ne, %convert_element_type3A_26, %cond3A_27 : i32
      scf.if %cond3A_28 {
        %mul3A_34 = arith.constant 640 : i32
        %mul3A_35 = arith.muli %arg1, %mul3A_34 : i32
        %mul3A_36 = arith.constant 640 : i32
        %mul3A_37 = arith.muli %arg1, %mul3A_36 : i32
        "tpu.region"() ({
          %run_scoped3A = tpu.sem_alloc : memref<!tpu.dma_semaphore, #tpu.memory_space<semaphore_mem>>
          %dma_start3A = arith.constant 0 : i32
          %dma_start3A_38 = tpu.memref_slice %arg10[%mul3A_37, %dma_start3A] : memref<10000x32xf32, #tpu.memory_space<vmem_shared>> -> memref<640x32xf32, #tpu.memory_space<vmem_shared>>
          %dma_start3A_39 = arith.constant 0 : i32
          %dma_start3A_40 = tpu.memref_slice %arg3[%mul3A_35, %dma_start3A_39] : memref<10000x32xf32, #tpu.memory_space<hbm>> -> memref<640x32xf32, #tpu.memory_space<hbm>>
          tpu.enqueue_dma source(%dma_start3A_40 : memref<640x32xf32, #tpu.memory_space<hbm>>) target(%dma_start3A_38 : memref<640x32xf32, #tpu.memory_space<vmem_shared>>) target_semaphore(%run_scoped3A : memref<!tpu.dma_semaphore, #tpu.memory_space<semaphore_mem>>)
          %dma_wait3A = arith.constant 0 : i32
          %dma_wait3A_41 = tpu.memref_slice %arg10[%mul3A_37, %dma_wait3A] : memref<10000x32xf32, #tpu.memory_space<vmem_shared>> -> memref<640x32xf32, #tpu.memory_space<vmem_shared>>
          %dma_wait3A_42 = arith.constant 0 : i32
          %dma_wait3A_43 = tpu.memref_slice %arg3[%mul3A_35, %dma_wait3A_42] : memref<10000x32xf32, #tpu.memory_space<hbm>> -> memref<640x32xf32, #tpu.memory_space<hbm>>
          tpu.wait_dma2 semaphore(%run_scoped3A : memref<!tpu.dma_semaphore, #tpu.memory_space<semaphore_mem>>) src(%dma_wait3A_43 : memref<640x32xf32, #tpu.memory_space<hbm>>) dst(%dma_wait3A_41 : memref<640x32xf32, #tpu.memory_space<vmem_shared>>)
          tpu.yield
        }) : () -> ()
      } else {
      }
      %eq3A_29 = arith.constant 15 : i32
      %eq3A_30 = arith.cmpi eq, %arg1, %eq3A_29 : i32
      %convert_element_type3A_31 = arith.extui %eq3A_30 : i1 to i32
      %cond3A_32 = arith.constant 0 : i32
      %cond3A_33 = arith.cmpi ne, %convert_element_type3A_31, %cond3A_32 : i32
      scf.if %cond3A_33 {
        "tpu.region"() ({
          %run_scoped3A = tpu.sem_alloc : memref<!tpu.dma_semaphore, #tpu.memory_space<semaphore_mem>>
          %dma_start3A = arith.constant 9600 : i32
          %dma_start3A_34 = arith.constant 0 : i32
          %dma_start3A_35 = tpu.memref_slice %arg10[%dma_start3A, %dma_start3A_34] : memref<10000x32xf32, #tpu.memory_space<vmem_shared>> -> memref<400x32xf32, #tpu.memory_space<vmem_shared>>
          %dma_start3A_36 = arith.constant 9600 : i32
          %dma_start3A_37 = arith.constant 0 : i32
          %dma_start3A_38 = tpu.memref_slice %arg3[%dma_start3A_36, %dma_start3A_37] : memref<10000x32xf32, #tpu.memory_space<hbm>> -> memref<400x32xf32, #tpu.memory_space<hbm>>
          tpu.enqueue_dma source(%dma_start3A_38 : memref<400x32xf32, #tpu.memory_space<hbm>>) target(%dma_start3A_35 : memref<400x32xf32, #tpu.memory_space<vmem_shared>>) target_semaphore(%run_scoped3A : memref<!tpu.dma_semaphore, #tpu.memory_space<semaphore_mem>>)
          %dma_wait3A = arith.constant 9600 : i32
          %dma_wait3A_39 = arith.constant 0 : i32
          %dma_wait3A_40 = tpu.memref_slice %arg10[%dma_wait3A, %dma_wait3A_39] : memref<10000x32xf32, #tpu.memory_space<vmem_shared>> -> memref<400x32xf32, #tpu.memory_space<vmem_shared>>
          %dma_wait3A_41 = arith.constant 9600 : i32
          %dma_wait3A_42 = arith.constant 0 : i32
          %dma_wait3A_43 = tpu.memref_slice %arg3[%dma_wait3A_41, %dma_wait3A_42] : memref<10000x32xf32, #tpu.memory_space<hbm>> -> memref<400x32xf32, #tpu.memory_space<hbm>>
          tpu.wait_dma2 semaphore(%run_scoped3A : memref<!tpu.dma_semaphore, #tpu.memory_space<semaphore_mem>>) src(%dma_wait3A_43 : memref<400x32xf32, #tpu.memory_space<hbm>>) dst(%dma_wait3A_40 : memref<400x32xf32, #tpu.memory_space<vmem_shared>>)
          tpu.yield
        }) : () -> ()
      } else {
      }
    } else {
    }
    "tpu.region"() ({
      %run_scoped3A = tpu.sem_alloc : memref<!tpu.dma_semaphore, #tpu.memory_space<semaphore_mem>>
      %dma_start3A = arith.constant 0 : i32
      %dma_start3A_25 = arith.constant 0 : i32
      %dma_start3A_26 = tpu.memref_slice %arg4[%arg1, %dma_start3A, %dma_start3A_25] : memref<16x160x128xi32, #tpu.memory_space<hbm>> -> memref<1x160x128xi32, #tpu.memory_space<hbm>>
      %dma_start3A_27 = tpu.memref_squeeze %dma_start3A_26 : memref<1x160x128xi32, #tpu.memory_space<hbm>> -> memref<160x128xi32, #tpu.memory_space<hbm>>
      %dma_start3A_28 = arith.constant 0 : i32
      %dma_start3A_29 = arith.constant 0 : i32
      %dma_start3A_30 = tpu.memref_slice %arg4[%arg1, %dma_start3A_28, %dma_start3A_29] : memref<16x160x128xi32, #tpu.memory_space<hbm>> -> memref<1x160x128xi32, #tpu.memory_space<hbm>>
      %dma_start3A_31 = tpu.memref_squeeze %dma_start3A_30 : memref<1x160x128xi32, #tpu.memory_space<hbm>> -> memref<160x128xi32, #tpu.memory_space<hbm>>
      tpu.enqueue_dma source(%dma_start3A_31 : memref<160x128xi32, #tpu.memory_space<hbm>>) target(%arg7 : memref<160x128xi32, #tpu.memory_space<vmem>>) target_semaphore(%run_scoped3A : memref<!tpu.dma_semaphore, #tpu.memory_space<semaphore_mem>>)
      %dma_wait3A = arith.constant 0 : i32
      %dma_wait3A_32 = arith.constant 0 : i32
      %dma_wait3A_33 = tpu.memref_slice %arg4[%arg1, %dma_wait3A, %dma_wait3A_32] : memref<16x160x128xi32, #tpu.memory_space<hbm>> -> memref<1x160x128xi32, #tpu.memory_space<hbm>>
      %dma_wait3A_34 = tpu.memref_squeeze %dma_wait3A_33 : memref<1x160x128xi32, #tpu.memory_space<hbm>> -> memref<160x128xi32, #tpu.memory_space<hbm>>
      %dma_wait3A_35 = arith.constant 0 : i32
      %dma_wait3A_36 = arith.constant 0 : i32
      %dma_wait3A_37 = tpu.memref_slice %arg4[%arg1, %dma_wait3A_35, %dma_wait3A_36] : memref<16x160x128xi32, #tpu.memory_space<hbm>> -> memref<1x160x128xi32, #tpu.memory_space<hbm>>
      %dma_wait3A_38 = tpu.memref_squeeze %dma_wait3A_37 : memref<1x160x128xi32, #tpu.memory_space<hbm>> -> memref<160x128xi32, #tpu.memory_space<hbm>>
      tpu.wait_dma2 semaphore(%run_scoped3A : memref<!tpu.dma_semaphore, #tpu.memory_space<semaphore_mem>>) src(%dma_wait3A_38 : memref<160x128xi32, #tpu.memory_space<hbm>>) dst(%arg7 : memref<160x128xi32, #tpu.memory_space<vmem>>)
      tpu.yield
    }) : () -> ()
    "tpu.region"() ({
      %run_scoped3A = tpu.sem_alloc : memref<!tpu.dma_semaphore, #tpu.memory_space<semaphore_mem>>
      %dma_start3A = arith.constant 0 : i32
      %dma_start3A_25 = arith.constant 0 : i32
      %dma_start3A_26 = tpu.memref_slice %arg5[%arg1, %dma_start3A, %dma_start3A_25] : memref<16x160x128xi32, #tpu.memory_space<hbm>> -> memref<1x160x128xi32, #tpu.memory_space<hbm>>
      %dma_start3A_27 = tpu.memref_squeeze %dma_start3A_26 : memref<1x160x128xi32, #tpu.memory_space<hbm>> -> memref<160x128xi32, #tpu.memory_space<hbm>>
      %dma_start3A_28 = arith.constant 0 : i32
      %dma_start3A_29 = arith.constant 0 : i32
      %dma_start3A_30 = tpu.memref_slice %arg5[%arg1, %dma_start3A_28, %dma_start3A_29] : memref<16x160x128xi32, #tpu.memory_space<hbm>> -> memref<1x160x128xi32, #tpu.memory_space<hbm>>
      %dma_start3A_31 = tpu.memref_squeeze %dma_start3A_30 : memref<1x160x128xi32, #tpu.memory_space<hbm>> -> memref<160x128xi32, #tpu.memory_space<hbm>>
      tpu.enqueue_dma source(%dma_start3A_31 : memref<160x128xi32, #tpu.memory_space<hbm>>) target(%arg8 : memref<160x128xi32, #tpu.memory_space<vmem>>) target_semaphore(%run_scoped3A : memref<!tpu.dma_semaphore, #tpu.memory_space<semaphore_mem>>)
      %dma_wait3A = arith.constant 0 : i32
      %dma_wait3A_32 = arith.constant 0 : i32
      %dma_wait3A_33 = tpu.memref_slice %arg5[%arg1, %dma_wait3A, %dma_wait3A_32] : memref<16x160x128xi32, #tpu.memory_space<hbm>> -> memref<1x160x128xi32, #tpu.memory_space<hbm>>
      %dma_wait3A_34 = tpu.memref_squeeze %dma_wait3A_33 : memref<1x160x128xi32, #tpu.memory_space<hbm>> -> memref<160x128xi32, #tpu.memory_space<hbm>>
      %dma_wait3A_35 = arith.constant 0 : i32
      %dma_wait3A_36 = arith.constant 0 : i32
      %dma_wait3A_37 = tpu.memref_slice %arg5[%arg1, %dma_wait3A_35, %dma_wait3A_36] : memref<16x160x128xi32, #tpu.memory_space<hbm>> -> memref<1x160x128xi32, #tpu.memory_space<hbm>>
      %dma_wait3A_38 = tpu.memref_squeeze %dma_wait3A_37 : memref<1x160x128xi32, #tpu.memory_space<hbm>> -> memref<160x128xi32, #tpu.memory_space<hbm>>
      tpu.wait_dma2 semaphore(%run_scoped3A : memref<!tpu.dma_semaphore, #tpu.memory_space<semaphore_mem>>) src(%dma_wait3A_38 : memref<160x128xi32, #tpu.memory_space<hbm>>) dst(%arg8 : memref<160x128xi32, #tpu.memory_space<vmem>>)
      tpu.yield
    }) : () -> ()
    %barrier3A = arith.constant 0 : index
    tpu.barrier barrier_id(%barrier3A)
    %scan3A_16 = arith.constant 0 : i32
    %scan3A_17 = arith.constant 160 : i32
    %scan3A_18 = arith.addi %scan3A_16, %scan3A_17 : i32
    %scan3A_19 = arith.constant 1 : i32
    scf.for %scan3A_25 = %scan3A_16 to %scan3A_18 step %scan3A_19  : i32 {
      %mul3A_26 = arith.constant 1 : i32
      %mul3A_27 = arith.muli %scan3A_25, %mul3A_26 : i32
      %add3A = arith.constant 0 : i32
      %add3A_28 = arith.addi %add3A, %mul3A_27 : i32
      "tpu.region"() ({
        %run_scoped3A = tpu.sem_alloc : memref<!tpu.dma_semaphore, #tpu.memory_space<semaphore_mem>>
        %dma_start3A = arith.constant 0 : i32
        %dma_start3A_29 = tpu.memref_slice %arg7[%add3A_28, %dma_start3A] : memref<160x128xi32, #tpu.memory_space<vmem>> -> memref<1x128xi32, #tpu.memory_space<vmem>>
        %dma_start3A_30 = tpu.memref_squeeze %dma_start3A_29 : memref<1x128xi32, #tpu.memory_space<vmem>> -> memref<128xi32, #tpu.memory_space<vmem>>
        %dma_start3A_31 = arith.constant 0 : i32
        %dma_start3A_32 = arith.constant 0 : i32
        %dma_start3A_33 = tpu.memref_slice %arg10[%dma_start3A_31, %dma_start3A_32] : memref<10000x32xf32, #tpu.memory_space<vmem_shared>> -> memref<10000x32xf32, #tpu.memory_space<vmem_shared>>
        tpu.enqueue_indirect_dma source(%dma_start3A_33 : memref<10000x32xf32, #tpu.memory_space<vmem_shared>>) target(%arg9 : memref<128x32xf32, #tpu.memory_space<vmem>>) offsets(%dma_start3A_30 : memref<128xi32, #tpu.memory_space<vmem>>) semaphore(%run_scoped3A : memref<!tpu.dma_semaphore, #tpu.memory_space<semaphore_mem>>)
        %dma_wait3A = arith.constant 0 : i32
        %dma_wait3A_34 = tpu.memref_slice %arg7[%add3A_28, %dma_wait3A] : memref<160x128xi32, #tpu.memory_space<vmem>> -> memref<1x128xi32, #tpu.memory_space<vmem>>
        %dma_wait3A_35 = tpu.memref_squeeze %dma_wait3A_34 : memref<1x128xi32, #tpu.memory_space<vmem>> -> memref<128xi32, #tpu.memory_space<vmem>>
        %dma_wait3A_36 = arith.constant 0 : i32
        %dma_wait3A_37 = arith.constant 0 : i32
        %dma_wait3A_38 = tpu.memref_slice %arg10[%dma_wait3A_36, %dma_wait3A_37] : memref<10000x32xf32, #tpu.memory_space<vmem_shared>> -> memref<10000x32xf32, #tpu.memory_space<vmem_shared>>
        tpu.wait_indirect_dma semaphore(%run_scoped3A : memref<!tpu.dma_semaphore, #tpu.memory_space<semaphore_mem>>) src(%dma_wait3A_38 : memref<10000x32xf32, #tpu.memory_space<vmem_shared>>) dst(%arg9 : memref<128x32xf32, #tpu.memory_space<vmem>>)
        tpu.yield
      }) : () -> ()
      "tpu.region"() ({
        %run_scoped3A = tpu.sem_alloc : memref<!tpu.dma_semaphore, #tpu.memory_space<semaphore_mem>>
        %dma_start3A = arith.constant 0 : i32
        %dma_start3A_29 = tpu.memref_slice %arg8[%add3A_28, %dma_start3A] : memref<160x128xi32, #tpu.memory_space<vmem>> -> memref<1x128xi32, #tpu.memory_space<vmem>>
        %dma_start3A_30 = tpu.memref_squeeze %dma_start3A_29 : memref<1x128xi32, #tpu.memory_space<vmem>> -> memref<128xi32, #tpu.memory_space<vmem>>
        %dma_start3A_31 = arith.constant 0 : i32
        %dma_start3A_32 = arith.constant 0 : i32
        %dma_start3A_33 = tpu.memref_slice %arg11[%dma_start3A_31, %dma_start3A_32] : memref<10240x32xf32, #tpu.memory_space<vmem_shared>> -> memref<10240x32xf32, #tpu.memory_space<vmem_shared>>
        tpu.enqueue_indirect_dma source(%arg9 : memref<128x32xf32, #tpu.memory_space<vmem>>) target(%dma_start3A_33 : memref<10240x32xf32, #tpu.memory_space<vmem_shared>>) offsets(%dma_start3A_30 : memref<128xi32, #tpu.memory_space<vmem>>) semaphore(%run_scoped3A : memref<!tpu.dma_semaphore, #tpu.memory_space<semaphore_mem>>) {add = true}
        %dma_wait3A = arith.constant 0 : i32
        %dma_wait3A_34 = tpu.memref_slice %arg8[%add3A_28, %dma_wait3A] : memref<160x128xi32, #tpu.memory_space<vmem>> -> memref<1x128xi32, #tpu.memory_space<vmem>>
        %dma_wait3A_35 = tpu.memref_squeeze %dma_wait3A_34 : memref<1x128xi32, #tpu.memory_space<vmem>> -> memref<128xi32, #tpu.memory_space<vmem>>
        %dma_wait3A_36 = arith.constant 0 : i32
        %dma_wait3A_37 = arith.constant 0 : i32
        %dma_wait3A_38 = tpu.memref_slice %arg11[%dma_wait3A_36, %dma_wait3A_37] : memref<10240x32xf32, #tpu.memory_space<vmem_shared>> -> memref<10240x32xf32, #tpu.memory_space<vmem_shared>>
        tpu.wait_indirect_dma semaphore(%run_scoped3A : memref<!tpu.dma_semaphore, #tpu.memory_space<semaphore_mem>>) src(%arg9 : memref<128x32xf32, #tpu.memory_space<vmem>>) dst(%dma_wait3A_38 : memref<10240x32xf32, #tpu.memory_space<vmem_shared>>)
        tpu.yield
      }) : () -> ()
    }
    %scan3A_20 = arith.constant 160 : i32
    %barrier3A_21 = arith.constant 0 : index
    tpu.barrier barrier_id(%barrier3A_21)
    %mul3A = arith.constant 640 : i32
    %mul3A_22 = arith.muli %arg1, %mul3A : i32
    %mul3A_23 = arith.constant 640 : i32
    %mul3A_24 = arith.muli %arg1, %mul3A_23 : i32
    "tpu.region"() ({
      %run_scoped3A = tpu.sem_alloc : memref<!tpu.dma_semaphore, #tpu.memory_space<semaphore_mem>>
      %dma_start3A = arith.constant 0 : i32
      %dma_start3A_25 = tpu.memref_slice %arg6[%arg0, %mul3A_24, %dma_start3A] : memref<2x10240x32xf32, #tpu.memory_space<hbm>> -> memref<1x640x32xf32, #tpu.memory_space<hbm>>
      %dma_start3A_26 = tpu.memref_squeeze %dma_start3A_25 : memref<1x640x32xf32, #tpu.memory_space<hbm>> -> memref<640x32xf32, #tpu.memory_space<hbm>>
      %dma_start3A_27 = arith.constant 0 : i32
      %dma_start3A_28 = tpu.memref_slice %arg11[%mul3A_22, %dma_start3A_27] : memref<10240x32xf32, #tpu.memory_space<vmem_shared>> -> memref<640x32xf32, #tpu.memory_space<vmem_shared>>
      tpu.enqueue_dma source(%dma_start3A_28 : memref<640x32xf32, #tpu.memory_space<vmem_shared>>) target(%dma_start3A_26 : memref<640x32xf32, #tpu.memory_space<hbm>>) target_semaphore(%run_scoped3A : memref<!tpu.dma_semaphore, #tpu.memory_space<semaphore_mem>>)
      %dma_wait3A = arith.constant 0 : i32
      %dma_wait3A_29 = tpu.memref_slice %arg6[%arg0, %mul3A_24, %dma_wait3A] : memref<2x10240x32xf32, #tpu.memory_space<hbm>> -> memref<1x640x32xf32, #tpu.memory_space<hbm>>
      %dma_wait3A_30 = tpu.memref_squeeze %dma_wait3A_29 : memref<1x640x32xf32, #tpu.memory_space<hbm>> -> memref<640x32xf32, #tpu.memory_space<hbm>>
      %dma_wait3A_31 = arith.constant 0 : i32
      %dma_wait3A_32 = tpu.memref_slice %arg11[%mul3A_22, %dma_wait3A_31] : memref<10240x32xf32, #tpu.memory_space<vmem_shared>> -> memref<640x32xf32, #tpu.memory_space<vmem_shared>>
      tpu.wait_dma2 semaphore(%run_scoped3A : memref<!tpu.dma_semaphore, #tpu.memory_space<semaphore_mem>>) src(%dma_wait3A_32 : memref<640x32xf32, #tpu.memory_space<vmem_shared>>) dst(%dma_wait3A_30 : memref<640x32xf32, #tpu.memory_space<hbm>>)
      tpu.yield
    }) : () -> ()
    return
  }
}

#map = affine_map<(d0, d1) -> (0, 0, 0)>
module attributes {stable_mosaic.version = 14 : i64} {
  func.func @_sc_degree(%arg0: i32, %arg1: i32, %arg2: memref<16x160x128xi32, #tpu.memory_space<hbm>>, %arg3: memref<2x10240x16xf32, #tpu.memory_space<hbm>>, %arg4: memref<80x128xi32, #tpu.memory_space<vmem>>, %arg5: memref<128x16xf32, #tpu.memory_space<vmem>>, %arg6: memref<10240x16xf32, #tpu.memory_space<vmem_shared>>) attributes {dimension_semantics = [#tpu.dimension_semantics<core_parallel>, #tpu.dimension_semantics<subcore_parallel>], iteration_bounds = array<i64: 2, 16>, scalar_prefetch = 0 : i64, scratch_operands = 3 : i64, tpu.core_type = #tpu.core_type<sc_vector_subcore>, window_params = [{transform_indices = #map}, {transform_indices = #map}]} {
    %scan3A = arith.constant 0 : i32
    %scan3A_0 = arith.constant 128 : i32
    %scan3A_1 = arith.addi %scan3A, %scan3A_0 : i32
    %scan3A_2 = arith.constant 1 : i32
    scf.for %scan3A_29 = %scan3A to %scan3A_1 step %scan3A_2  : i32 {
      %mul3A_30 = arith.constant 1 : i32
      %mul3A_31 = arith.muli %scan3A_29, %mul3A_30 : i32
      %add3A = arith.constant 0 : i32
      %add3A_32 = arith.addi %add3A, %mul3A_31 : i32
      %broadcast_in_dim3A_33 = arith.constant 0.000000e+00 : f32
      %broadcast_in_dim3A_34 = vector.broadcast %broadcast_in_dim3A_33 : f32 to vector<16xf32>
      %swap3A = arith.index_cast %add3A_32 : i32 to index
      %swap3A_35 = arith.constant 0 : index
      %swap3A_36 = tpu.vector_load %arg5[%swap3A, %swap3A_35] {strides = array<i32>} : memref<128x16xf32, #tpu.memory_space<vmem>>, vector<1x16xf32>,
      %swap3A_37 = vector.shape_cast %swap3A_36 : vector<1x16xf32> to vector<16xf32>
      %swap3A_38 = vector.shape_cast %broadcast_in_dim3A_34 : vector<16xf32> to vector<1x16xf32>
      tpu.vector_store %arg5[%swap3A, %swap3A_35], %swap3A_38 {strides = array<i32>} : memref<128x16xf32, #tpu.memory_space<vmem>>, vector<1x16xf32>,
    }
    %scan3A_3 = arith.constant 128 : i32
    %scan3A_4 = arith.constant 0 : i32
    %scan3A_5 = arith.constant 5 : i32
    %scan3A_6 = arith.addi %scan3A_4, %scan3A_5 : i32
    %scan3A_7 = arith.constant 1 : i32
    scf.for %scan3A_29 = %scan3A_4 to %scan3A_6 step %scan3A_7  : i32 {
      %mul3A_30 = arith.constant 1 : i32
      %mul3A_31 = arith.muli %scan3A_29, %mul3A_30 : i32
      %add3A = arith.constant 0 : i32
      %add3A_32 = arith.addi %add3A, %mul3A_31 : i32
      %mul3A_33 = arith.constant 640 : i32
      %mul3A_34 = arith.muli %arg1, %mul3A_33 : i32
      %mul3A_35 = arith.constant 128 : i32
      %mul3A_36 = arith.muli %add3A_32, %mul3A_35 : i32
      %add3A_37 = arith.addi %mul3A_34, %mul3A_36 : i32
      "tpu.region"() ({
        %run_scoped3A = tpu.sem_alloc : memref<!tpu.dma_semaphore, #tpu.memory_space<semaphore_mem>>
        %dma_start3A = arith.constant 0 : i32
        %dma_start3A_38 = tpu.memref_slice %arg6[%add3A_37, %dma_start3A] : memref<10240x16xf32, #tpu.memory_space<vmem_shared>> -> memref<128x16xf32, #tpu.memory_space<vmem_shared>>
        %dma_start3A_39 = arith.constant 0 : i32
        %dma_start3A_40 = tpu.memref_slice %arg6[%add3A_37, %dma_start3A_39] : memref<10240x16xf32, #tpu.memory_space<vmem_shared>> -> memref<128x16xf32, #tpu.memory_space<vmem_shared>>
        tpu.enqueue_dma source(%arg5 : memref<128x16xf32, #tpu.memory_space<vmem>>) target(%dma_start3A_40 : memref<128x16xf32, #tpu.memory_space<vmem_shared>>) target_semaphore(%run_scoped3A : memref<!tpu.dma_semaphore, #tpu.memory_space<semaphore_mem>>)
        %dma_wait3A = arith.constant 0 : i32
        %dma_wait3A_41 = tpu.memref_slice %arg6[%add3A_37, %dma_wait3A] : memref<10240x16xf32, #tpu.memory_space<vmem_shared>> -> memref<128x16xf32, #tpu.memory_space<vmem_shared>>
        %dma_wait3A_42 = arith.constant 0 : i32
        %dma_wait3A_43 = tpu.memref_slice %arg6[%add3A_37, %dma_wait3A_42] : memref<10240x16xf32, #tpu.memory_space<vmem_shared>> -> memref<128x16xf32, #tpu.memory_space<vmem_shared>>
        tpu.wait_dma2 semaphore(%run_scoped3A : memref<!tpu.dma_semaphore, #tpu.memory_space<semaphore_mem>>) src(%arg5 : memref<128x16xf32, #tpu.memory_space<vmem>>) dst(%dma_wait3A_43 : memref<128x16xf32, #tpu.memory_space<vmem_shared>>)
        tpu.yield
      }) : () -> ()
    }
    %scan3A_8 = arith.constant 5 : i32
    %iota3A = tpu.iota {dimensions = array<i32: 0>} : vector<16xi32>
    %eq3A = arith.constant 0 : i32
    %eq3A_9 = vector.broadcast %eq3A : i32 to vector<16xi32>
    %eq3A_10 = arith.cmpi eq, %iota3A, %eq3A_9 : vector<16xi32>
    %jit3A = arith.constant 1.000000e+00 : f32
    %jit3A_11 = arith.constant 0.000000e+00 : f32
    %broadcast_in_dim3A = vector.broadcast %jit3A : f32 to vector<16xf32>
    %broadcast_in_dim3A_12 = vector.broadcast %jit3A_11 : f32 to vector<16xf32>
    %select_n3A = arith.select %eq3A_10, %broadcast_in_dim3A, %broadcast_in_dim3A_12 : vector<16xi1>, vector<16xf32>
    %scan3A_13 = arith.constant 0 : i32
    %scan3A_14 = arith.constant 128 : i32
    %scan3A_15 = arith.addi %scan3A_13, %scan3A_14 : i32
    %scan3A_16 = arith.constant 1 : i32
    scf.for %scan3A_29 = %scan3A_13 to %scan3A_15 step %scan3A_16  : i32 {
      %mul3A_30 = arith.constant 1 : i32
      %mul3A_31 = arith.muli %scan3A_29, %mul3A_30 : i32
      %add3A = arith.constant 0 : i32
      %add3A_32 = arith.addi %add3A, %mul3A_31 : i32
      %swap3A = arith.index_cast %add3A_32 : i32 to index
      %swap3A_33 = arith.constant 0 : index
      %swap3A_34 = tpu.vector_load %arg5[%swap3A, %swap3A_33] {strides = array<i32>} : memref<128x16xf32, #tpu.memory_space<vmem>>, vector<1x16xf32>,
      %swap3A_35 = vector.shape_cast %swap3A_34 : vector<1x16xf32> to vector<16xf32>
      %swap3A_36 = vector.shape_cast %select_n3A : vector<16xf32> to vector<1x16xf32>
      tpu.vector_store %arg5[%swap3A, %swap3A_33], %swap3A_36 {strides = array<i32>} : memref<128x16xf32, #tpu.memory_space<vmem>>, vector<1x16xf32>,
    }
    %scan3A_17 = arith.constant 128 : i32
    %mul3A = arith.constant 80 : i32
    %mul3A_18 = arith.muli %arg0, %mul3A : i32
    "tpu.region"() ({
      %run_scoped3A = tpu.sem_alloc : memref<!tpu.dma_semaphore, #tpu.memory_space<semaphore_mem>>
      %dma_start3A = arith.constant 0 : i32
      %dma_start3A_29 = tpu.memref_slice %arg2[%arg1, %mul3A_18, %dma_start3A] : memref<16x160x128xi32, #tpu.memory_space<hbm>> -> memref<1x80x128xi32, #tpu.memory_space<hbm>>
      %dma_start3A_30 = tpu.memref_squeeze %dma_start3A_29 : memref<1x80x128xi32, #tpu.memory_space<hbm>> -> memref<80x128xi32, #tpu.memory_space<hbm>>
      %dma_start3A_31 = arith.constant 0 : i32
      %dma_start3A_32 = tpu.memref_slice %arg2[%arg1, %mul3A_18, %dma_start3A_31] : memref<16x160x128xi32, #tpu.memory_space<hbm>> -> memref<1x80x128xi32, #tpu.memory_space<hbm>>
      %dma_start3A_33 = tpu.memref_squeeze %dma_start3A_32 : memref<1x80x128xi32, #tpu.memory_space<hbm>> -> memref<80x128xi32, #tpu.memory_space<hbm>>
      tpu.enqueue_dma source(%dma_start3A_33 : memref<80x128xi32, #tpu.memory_space<hbm>>) target(%arg4 : memref<80x128xi32, #tpu.memory_space<vmem>>) target_semaphore(%run_scoped3A : memref<!tpu.dma_semaphore, #tpu.memory_space<semaphore_mem>>)
      %dma_wait3A = arith.constant 0 : i32
      %dma_wait3A_34 = tpu.memref_slice %arg2[%arg1, %mul3A_18, %dma_wait3A] : memref<16x160x128xi32, #tpu.memory_space<hbm>> -> memref<1x80x128xi32, #tpu.memory_space<hbm>>
      %dma_wait3A_35 = tpu.memref_squeeze %dma_wait3A_34 : memref<1x80x128xi32, #tpu.memory_space<hbm>> -> memref<80x128xi32, #tpu.memory_space<hbm>>
      %dma_wait3A_36 = arith.constant 0 : i32
      %dma_wait3A_37 = tpu.memref_slice %arg2[%arg1, %mul3A_18, %dma_wait3A_36] : memref<16x160x128xi32, #tpu.memory_space<hbm>> -> memref<1x80x128xi32, #tpu.memory_space<hbm>>
      %dma_wait3A_38 = tpu.memref_squeeze %dma_wait3A_37 : memref<1x80x128xi32, #tpu.memory_space<hbm>> -> memref<80x128xi32, #tpu.memory_space<hbm>>
      tpu.wait_dma2 semaphore(%run_scoped3A : memref<!tpu.dma_semaphore, #tpu.memory_space<semaphore_mem>>) src(%dma_wait3A_38 : memref<80x128xi32, #tpu.memory_space<hbm>>) dst(%arg4 : memref<80x128xi32, #tpu.memory_space<vmem>>)
      tpu.yield
    }) : () -> ()
    %barrier3A = arith.constant 0 : index
    tpu.barrier barrier_id(%barrier3A)
    %scan3A_19 = arith.constant 0 : i32
    %scan3A_20 = arith.constant 80 : i32
    %scan3A_21 = arith.addi %scan3A_19, %scan3A_20 : i32
    %scan3A_22 = arith.constant 1 : i32
    scf.for %scan3A_29 = %scan3A_19 to %scan3A_21 step %scan3A_22  : i32 {
      %mul3A_30 = arith.constant 1 : i32
      %mul3A_31 = arith.muli %scan3A_29, %mul3A_30 : i32
      %add3A = arith.constant 0 : i32
      %add3A_32 = arith.addi %add3A, %mul3A_31 : i32
      "tpu.region"() ({
        %run_scoped3A = tpu.sem_alloc : memref<!tpu.dma_semaphore, #tpu.memory_space<semaphore_mem>>
        %dma_start3A = arith.constant 0 : i32
        %dma_start3A_33 = tpu.memref_slice %arg4[%add3A_32, %dma_start3A] : memref<80x128xi32, #tpu.memory_space<vmem>> -> memref<1x128xi32, #tpu.memory_space<vmem>>
        %dma_start3A_34 = tpu.memref_squeeze %dma_start3A_33 : memref<1x128xi32, #tpu.memory_space<vmem>> -> memref<128xi32, #tpu.memory_space<vmem>>
        %dma_start3A_35 = arith.constant 0 : i32
        %dma_start3A_36 = arith.constant 0 : i32
        %dma_start3A_37 = tpu.memref_slice %arg6[%dma_start3A_35, %dma_start3A_36] : memref<10240x16xf32, #tpu.memory_space<vmem_shared>> -> memref<10240x16xf32, #tpu.memory_space<vmem_shared>>
        tpu.enqueue_indirect_dma source(%arg5 : memref<128x16xf32, #tpu.memory_space<vmem>>) target(%dma_start3A_37 : memref<10240x16xf32, #tpu.memory_space<vmem_shared>>) offsets(%dma_start3A_34 : memref<128xi32, #tpu.memory_space<vmem>>) semaphore(%run_scoped3A : memref<!tpu.dma_semaphore, #tpu.memory_space<semaphore_mem>>) {add = true}
        %dma_wait3A = arith.constant 0 : i32
        %dma_wait3A_38 = tpu.memref_slice %arg4[%add3A_32, %dma_wait3A] : memref<80x128xi32, #tpu.memory_space<vmem>> -> memref<1x128xi32, #tpu.memory_space<vmem>>
        %dma_wait3A_39 = tpu.memref_squeeze %dma_wait3A_38 : memref<1x128xi32, #tpu.memory_space<vmem>> -> memref<128xi32, #tpu.memory_space<vmem>>
        %dma_wait3A_40 = arith.constant 0 : i32
        %dma_wait3A_41 = arith.constant 0 : i32
        %dma_wait3A_42 = tpu.memref_slice %arg6[%dma_wait3A_40, %dma_wait3A_41] : memref<10240x16xf32, #tpu.memory_space<vmem_shared>> -> memref<10240x16xf32, #tpu.memory_space<vmem_shared>>
        tpu.wait_indirect_dma semaphore(%run_scoped3A : memref<!tpu.dma_semaphore, #tpu.memory_space<semaphore_mem>>) src(%arg5 : memref<128x16xf32, #tpu.memory_space<vmem>>) dst(%dma_wait3A_42 : memref<10240x16xf32, #tpu.memory_space<vmem_shared>>)
        tpu.yield
      }) : () -> ()
    }
    %scan3A_23 = arith.constant 80 : i32
    %barrier3A_24 = arith.constant 0 : index
    tpu.barrier barrier_id(%barrier3A_24)
    %mul3A_25 = arith.constant 640 : i32
    %mul3A_26 = arith.muli %arg1, %mul3A_25 : i32
    %mul3A_27 = arith.constant 640 : i32
    %mul3A_28 = arith.muli %arg1, %mul3A_27 : i32
    "tpu.region"() ({
      %run_scoped3A = tpu.sem_alloc : memref<!tpu.dma_semaphore, #tpu.memory_space<semaphore_mem>>
      %dma_start3A = arith.constant 0 : i32
      %dma_start3A_29 = tpu.memref_slice %arg3[%arg0, %mul3A_28, %dma_start3A] : memref<2x10240x16xf32, #tpu.memory_space<hbm>> -> memref<1x640x16xf32, #tpu.memory_space<hbm>>
      %dma_start3A_30 = tpu.memref_squeeze %dma_start3A_29 : memref<1x640x16xf32, #tpu.memory_space<hbm>> -> memref<640x16xf32, #tpu.memory_space<hbm>>
      %dma_start3A_31 = arith.constant 0 : i32
      %dma_start3A_32 = tpu.memref_slice %arg6[%mul3A_26, %dma_start3A_31] : memref<10240x16xf32, #tpu.memory_space<vmem_shared>> -> memref<640x16xf32, #tpu.memory_space<vmem_shared>>
      tpu.enqueue_dma source(%dma_start3A_32 : memref<640x16xf32, #tpu.memory_space<vmem_shared>>) target(%dma_start3A_30 : memref<640x16xf32, #tpu.memory_space<hbm>>) target_semaphore(%run_scoped3A : memref<!tpu.dma_semaphore, #tpu.memory_space<semaphore_mem>>)
      %dma_wait3A = arith.constant 0 : i32
      %dma_wait3A_33 = tpu.memref_slice %arg3[%arg0, %mul3A_28, %dma_wait3A] : memref<2x10240x16xf32, #tpu.memory_space<hbm>> -> memref<1x640x16xf32, #tpu.memory_space<hbm>>
      %dma_wait3A_34 = tpu.memref_squeeze %dma_wait3A_33 : memref<1x640x16xf32, #tpu.memory_space<hbm>> -> memref<640x16xf32, #tpu.memory_space<hbm>>
      %dma_wait3A_35 = arith.constant 0 : i32
      %dma_wait3A_36 = tpu.memref_slice %arg6[%mul3A_26, %dma_wait3A_35] : memref<10240x16xf32, #tpu.memory_space<vmem_shared>> -> memref<640x16xf32, #tpu.memory_space<vmem_shared>>
      tpu.wait_dma2 semaphore(%run_scoped3A : memref<!tpu.dma_semaphore, #tpu.memory_space<semaphore_mem>>) src(%dma_wait3A_36 : memref<640x16xf32, #tpu.memory_space<vmem_shared>>) dst(%dma_wait3A_34 : memref<640x16xf32, #tpu.memory_space<hbm>>)
      tpu.yield
    }) : () -> ()
    return
  }
}

#map = affine_map<(d0, d1) -> (0, 0)>
#map1 = affine_map<(d0, d1) -> (0, 0, 0)>
module attributes {stable_mosaic.version = 14 : i64} {
  func.func @_sc_aggregate(%arg0: i32, %arg1: i32, %arg2: memref<10000x32xf32, #tpu.memory_space<hbm>>, %arg3: memref<10000x32xf32, #tpu.memory_space<hbm>>, %arg4: memref<16x160x128xi32, #tpu.memory_space<hbm>>, %arg5: memref<16x160x128xi32, #tpu.memory_space<hbm>>, %arg6: memref<2x10240x32xf32, #tpu.memory_space<hbm>>, %arg7: memref<160x128xi32, #tpu.memory_space<vmem>>, %arg8: memref<160x128xi32, #tpu.memory_space<vmem>>, %arg9: memref<128x32xf32, #tpu.memory_space<vmem>>, %arg10: memref<10000x32xf32, #tpu.memory_space<vmem_shared>>, %arg11: memref<10240x32xf32, #tpu.memory_space<vmem_shared>>) attributes {dimension_semantics = [#tpu.dimension_semantics<core_parallel>, #tpu.dimension_semantics<subcore_parallel>], iteration_bounds = array<i64: 2, 16>, scalar_prefetch = 0 : i64, scratch_operands = 5 : i64, tpu.core_type = #tpu.core_type<sc_vector_subcore>, window_params = [{transform_indices = #map}, {transform_indices = #map}, {transform_indices = #map1}, {transform_indices = #map1}, {transform_indices = #map1}]} {
    %scan3A = arith.constant 0 : i32
    %scan3A_0 = arith.constant 128 : i32
    %scan3A_1 = arith.addi %scan3A, %scan3A_0 : i32
    %scan3A_2 = arith.constant 1 : i32
    scf.for %scan3A_25 = %scan3A to %scan3A_1 step %scan3A_2  : i32 {
      %mul3A_26 = arith.constant 1 : i32
      %mul3A_27 = arith.muli %scan3A_25, %mul3A_26 : i32
      %add3A = arith.constant 0 : i32
      %add3A_28 = arith.addi %add3A, %mul3A_27 : i32
      %broadcast_in_dim3A = arith.constant 0.000000e+00 : f32
      %broadcast_in_dim3A_29 = vector.broadcast %broadcast_in_dim3A : f32 to vector<16xf32>
      %swap3A = arith.index_cast %add3A_28 : i32 to index
      %swap3A_30 = arith.constant 0 : index
      %swap3A_31 = tpu.vector_load %arg9[%swap3A, %swap3A_30] {strides = array<i32>} : memref<128x32xf32, #tpu.memory_space<vmem>>, vector<1x16xf32>,
      %swap3A_32 = vector.shape_cast %swap3A_31 : vector<1x16xf32> to vector<16xf32>
      %swap3A_33 = vector.shape_cast %broadcast_in_dim3A_29 : vector<16xf32> to vector<1x16xf32>
      tpu.vector_store %arg9[%swap3A, %swap3A_30], %swap3A_33 {strides = array<i32>} : memref<128x32xf32, #tpu.memory_space<vmem>>, vector<1x16xf32>,
      %broadcast_in_dim3A_34 = arith.constant 0.000000e+00 : f32
      %broadcast_in_dim3A_35 = vector.broadcast %broadcast_in_dim3A_34 : f32 to vector<16xf32>
      %swap3A_36 = arith.index_cast %add3A_28 : i32 to index
      %swap3A_37 = arith.constant 16 : index
      %swap3A_38 = tpu.vector_load %arg9[%swap3A_36, %swap3A_37] {strides = array<i32>} : memref<128x32xf32, #tpu.memory_space<vmem>>, vector<1x16xf32>,
      %swap3A_39 = vector.shape_cast %swap3A_38 : vector<1x16xf32> to vector<16xf32>
      %swap3A_40 = vector.shape_cast %broadcast_in_dim3A_35 : vector<16xf32> to vector<1x16xf32>
      tpu.vector_store %arg9[%swap3A_36, %swap3A_37], %swap3A_40 {strides = array<i32>} : memref<128x32xf32, #tpu.memory_space<vmem>>, vector<1x16xf32>,
    }
    %scan3A_3 = arith.constant 128 : i32
    %scan3A_4 = arith.constant 0 : i32
    %scan3A_5 = arith.constant 5 : i32
    %scan3A_6 = arith.addi %scan3A_4, %scan3A_5 : i32
    %scan3A_7 = arith.constant 1 : i32
    scf.for %scan3A_25 = %scan3A_4 to %scan3A_6 step %scan3A_7  : i32 {
      %mul3A_26 = arith.constant 1 : i32
      %mul3A_27 = arith.muli %scan3A_25, %mul3A_26 : i32
      %add3A = arith.constant 0 : i32
      %add3A_28 = arith.addi %add3A, %mul3A_27 : i32
      %mul3A_29 = arith.constant 640 : i32
      %mul3A_30 = arith.muli %arg1, %mul3A_29 : i32
      %mul3A_31 = arith.constant 128 : i32
      %mul3A_32 = arith.muli %add3A_28, %mul3A_31 : i32
      %add3A_33 = arith.addi %mul3A_30, %mul3A_32 : i32
      "tpu.region"() ({
        %run_scoped3A = tpu.sem_alloc : memref<!tpu.dma_semaphore, #tpu.memory_space<semaphore_mem>>
        %dma_start3A = arith.constant 0 : i32
        %dma_start3A_34 = tpu.memref_slice %arg11[%add3A_33, %dma_start3A] : memref<10240x32xf32, #tpu.memory_space<vmem_shared>> -> memref<128x32xf32, #tpu.memory_space<vmem_shared>>
        %dma_start3A_35 = arith.constant 0 : i32
        %dma_start3A_36 = tpu.memref_slice %arg11[%add3A_33, %dma_start3A_35] : memref<10240x32xf32, #tpu.memory_space<vmem_shared>> -> memref<128x32xf32, #tpu.memory_space<vmem_shared>>
        tpu.enqueue_dma source(%arg9 : memref<128x32xf32, #tpu.memory_space<vmem>>) target(%dma_start3A_36 : memref<128x32xf32, #tpu.memory_space<vmem_shared>>) target_semaphore(%run_scoped3A : memref<!tpu.dma_semaphore, #tpu.memory_space<semaphore_mem>>)
        %dma_wait3A = arith.constant 0 : i32
        %dma_wait3A_37 = tpu.memref_slice %arg11[%add3A_33, %dma_wait3A] : memref<10240x32xf32, #tpu.memory_space<vmem_shared>> -> memref<128x32xf32, #tpu.memory_space<vmem_shared>>
        %dma_wait3A_38 = arith.constant 0 : i32
        %dma_wait3A_39 = tpu.memref_slice %arg11[%add3A_33, %dma_wait3A_38] : memref<10240x32xf32, #tpu.memory_space<vmem_shared>> -> memref<128x32xf32, #tpu.memory_space<vmem_shared>>
        tpu.wait_dma2 semaphore(%run_scoped3A : memref<!tpu.dma_semaphore, #tpu.memory_space<semaphore_mem>>) src(%arg9 : memref<128x32xf32, #tpu.memory_space<vmem>>) dst(%dma_wait3A_39 : memref<128x32xf32, #tpu.memory_space<vmem_shared>>)
        tpu.yield
      }) : () -> ()
    }
    %scan3A_8 = arith.constant 5 : i32
    %eq3A = arith.constant 0 : i32
    %eq3A_9 = arith.cmpi eq, %arg0, %eq3A : i32
    %convert_element_type3A = arith.extui %eq3A_9 : i1 to i32
    %cond3A = arith.constant 0 : i32
    %cond3A_10 = arith.cmpi ne, %convert_element_type3A, %cond3A : i32
    scf.if %cond3A_10 {
      %lt3A = arith.constant 15 : i32
      %lt3A_25 = arith.cmpi slt, %arg1, %lt3A : i32
      %convert_element_type3A_26 = arith.extui %lt3A_25 : i1 to i32
      %cond3A_27 = arith.constant 0 : i32
      %cond3A_28 = arith.cmpi ne, %convert_element_type3A_26, %cond3A_27 : i32
      scf.if %cond3A_28 {
        %mul3A_34 = arith.constant 640 : i32
        %mul3A_35 = arith.muli %arg1, %mul3A_34 : i32
        %mul3A_36 = arith.constant 640 : i32
        %mul3A_37 = arith.muli %arg1, %mul3A_36 : i32
        "tpu.region"() ({
          %run_scoped3A = tpu.sem_alloc : memref<!tpu.dma_semaphore, #tpu.memory_space<semaphore_mem>>
          %dma_start3A = arith.constant 0 : i32
          %dma_start3A_38 = tpu.memref_slice %arg10[%mul3A_37, %dma_start3A] : memref<10000x32xf32, #tpu.memory_space<vmem_shared>> -> memref<640x32xf32, #tpu.memory_space<vmem_shared>>
          %dma_start3A_39 = arith.constant 0 : i32
          %dma_start3A_40 = tpu.memref_slice %arg2[%mul3A_35, %dma_start3A_39] : memref<10000x32xf32, #tpu.memory_space<hbm>> -> memref<640x32xf32, #tpu.memory_space<hbm>>
          tpu.enqueue_dma source(%dma_start3A_40 : memref<640x32xf32, #tpu.memory_space<hbm>>) target(%dma_start3A_38 : memref<640x32xf32, #tpu.memory_space<vmem_shared>>) target_semaphore(%run_scoped3A : memref<!tpu.dma_semaphore, #tpu.memory_space<semaphore_mem>>)
          %dma_wait3A = arith.constant 0 : i32
          %dma_wait3A_41 = tpu.memref_slice %arg10[%mul3A_37, %dma_wait3A] : memref<10000x32xf32, #tpu.memory_space<vmem_shared>> -> memref<640x32xf32, #tpu.memory_space<vmem_shared>>
          %dma_wait3A_42 = arith.constant 0 : i32
          %dma_wait3A_43 = tpu.memref_slice %arg2[%mul3A_35, %dma_wait3A_42] : memref<10000x32xf32, #tpu.memory_space<hbm>> -> memref<640x32xf32, #tpu.memory_space<hbm>>
          tpu.wait_dma2 semaphore(%run_scoped3A : memref<!tpu.dma_semaphore, #tpu.memory_space<semaphore_mem>>) src(%dma_wait3A_43 : memref<640x32xf32, #tpu.memory_space<hbm>>) dst(%dma_wait3A_41 : memref<640x32xf32, #tpu.memory_space<vmem_shared>>)
          tpu.yield
        }) : () -> ()
      } else {
      }
      %eq3A_29 = arith.constant 15 : i32
      %eq3A_30 = arith.cmpi eq, %arg1, %eq3A_29 : i32
      %convert_element_type3A_31 = arith.extui %eq3A_30 : i1 to i32
      %cond3A_32 = arith.constant 0 : i32
      %cond3A_33 = arith.cmpi ne, %convert_element_type3A_31, %cond3A_32 : i32
      scf.if %cond3A_33 {
        "tpu.region"() ({
          %run_scoped3A = tpu.sem_alloc : memref<!tpu.dma_semaphore, #tpu.memory_space<semaphore_mem>>
          %dma_start3A = arith.constant 9600 : i32
          %dma_start3A_34 = arith.constant 0 : i32
          %dma_start3A_35 = tpu.memref_slice %arg10[%dma_start3A, %dma_start3A_34] : memref<10000x32xf32, #tpu.memory_space<vmem_shared>> -> memref<400x32xf32, #tpu.memory_space<vmem_shared>>
          %dma_start3A_36 = arith.constant 9600 : i32
          %dma_start3A_37 = arith.constant 0 : i32
          %dma_start3A_38 = tpu.memref_slice %arg2[%dma_start3A_36, %dma_start3A_37] : memref<10000x32xf32, #tpu.memory_space<hbm>> -> memref<400x32xf32, #tpu.memory_space<hbm>>
          tpu.enqueue_dma source(%dma_start3A_38 : memref<400x32xf32, #tpu.memory_space<hbm>>) target(%dma_start3A_35 : memref<400x32xf32, #tpu.memory_space<vmem_shared>>) target_semaphore(%run_scoped3A : memref<!tpu.dma_semaphore, #tpu.memory_space<semaphore_mem>>)
          %dma_wait3A = arith.constant 9600 : i32
          %dma_wait3A_39 = arith.constant 0 : i32
          %dma_wait3A_40 = tpu.memref_slice %arg10[%dma_wait3A, %dma_wait3A_39] : memref<10000x32xf32, #tpu.memory_space<vmem_shared>> -> memref<400x32xf32, #tpu.memory_space<vmem_shared>>
          %dma_wait3A_41 = arith.constant 9600 : i32
          %dma_wait3A_42 = arith.constant 0 : i32
          %dma_wait3A_43 = tpu.memref_slice %arg2[%dma_wait3A_41, %dma_wait3A_42] : memref<10000x32xf32, #tpu.memory_space<hbm>> -> memref<400x32xf32, #tpu.memory_space<hbm>>
          tpu.wait_dma2 semaphore(%run_scoped3A : memref<!tpu.dma_semaphore, #tpu.memory_space<semaphore_mem>>) src(%dma_wait3A_43 : memref<400x32xf32, #tpu.memory_space<hbm>>) dst(%dma_wait3A_40 : memref<400x32xf32, #tpu.memory_space<vmem_shared>>)
          tpu.yield
        }) : () -> ()
      } else {
      }
    } else {
    }
    %eq3A_11 = arith.constant 1 : i32
    %eq3A_12 = arith.cmpi eq, %arg0, %eq3A_11 : i32
    %convert_element_type3A_13 = arith.extui %eq3A_12 : i1 to i32
    %cond3A_14 = arith.constant 0 : i32
    %cond3A_15 = arith.cmpi ne, %convert_element_type3A_13, %cond3A_14 : i32
    scf.if %cond3A_15 {
      %lt3A = arith.constant 15 : i32
      %lt3A_25 = arith.cmpi slt, %arg1, %lt3A : i32
      %convert_element_type3A_26 = arith.extui %lt3A_25 : i1 to i32
      %cond3A_27 = arith.constant 0 : i32
      %cond3A_28 = arith.cmpi ne, %convert_element_type3A_26, %cond3A_27 : i32
      scf.if %cond3A_28 {
        %mul3A_34 = arith.constant 640 : i32
        %mul3A_35 = arith.muli %arg1, %mul3A_34 : i32
        %mul3A_36 = arith.constant 640 : i32
        %mul3A_37 = arith.muli %arg1, %mul3A_36 : i32
        "tpu.region"() ({
          %run_scoped3A = tpu.sem_alloc : memref<!tpu.dma_semaphore, #tpu.memory_space<semaphore_mem>>
          %dma_start3A = arith.constant 0 : i32
          %dma_start3A_38 = tpu.memref_slice %arg10[%mul3A_37, %dma_start3A] : memref<10000x32xf32, #tpu.memory_space<vmem_shared>> -> memref<640x32xf32, #tpu.memory_space<vmem_shared>>
          %dma_start3A_39 = arith.constant 0 : i32
          %dma_start3A_40 = tpu.memref_slice %arg3[%mul3A_35, %dma_start3A_39] : memref<10000x32xf32, #tpu.memory_space<hbm>> -> memref<640x32xf32, #tpu.memory_space<hbm>>
          tpu.enqueue_dma source(%dma_start3A_40 : memref<640x32xf32, #tpu.memory_space<hbm>>) target(%dma_start3A_38 : memref<640x32xf32, #tpu.memory_space<vmem_shared>>) target_semaphore(%run_scoped3A : memref<!tpu.dma_semaphore, #tpu.memory_space<semaphore_mem>>)
          %dma_wait3A = arith.constant 0 : i32
          %dma_wait3A_41 = tpu.memref_slice %arg10[%mul3A_37, %dma_wait3A] : memref<10000x32xf32, #tpu.memory_space<vmem_shared>> -> memref<640x32xf32, #tpu.memory_space<vmem_shared>>
          %dma_wait3A_42 = arith.constant 0 : i32
          %dma_wait3A_43 = tpu.memref_slice %arg3[%mul3A_35, %dma_wait3A_42] : memref<10000x32xf32, #tpu.memory_space<hbm>> -> memref<640x32xf32, #tpu.memory_space<hbm>>
          tpu.wait_dma2 semaphore(%run_scoped3A : memref<!tpu.dma_semaphore, #tpu.memory_space<semaphore_mem>>) src(%dma_wait3A_43 : memref<640x32xf32, #tpu.memory_space<hbm>>) dst(%dma_wait3A_41 : memref<640x32xf32, #tpu.memory_space<vmem_shared>>)
          tpu.yield
        }) : () -> ()
      } else {
      }
      %eq3A_29 = arith.constant 15 : i32
      %eq3A_30 = arith.cmpi eq, %arg1, %eq3A_29 : i32
      %convert_element_type3A_31 = arith.extui %eq3A_30 : i1 to i32
      %cond3A_32 = arith.constant 0 : i32
      %cond3A_33 = arith.cmpi ne, %convert_element_type3A_31, %cond3A_32 : i32
      scf.if %cond3A_33 {
        "tpu.region"() ({
          %run_scoped3A = tpu.sem_alloc : memref<!tpu.dma_semaphore, #tpu.memory_space<semaphore_mem>>
          %dma_start3A = arith.constant 9600 : i32
          %dma_start3A_34 = arith.constant 0 : i32
          %dma_start3A_35 = tpu.memref_slice %arg10[%dma_start3A, %dma_start3A_34] : memref<10000x32xf32, #tpu.memory_space<vmem_shared>> -> memref<400x32xf32, #tpu.memory_space<vmem_shared>>
          %dma_start3A_36 = arith.constant 9600 : i32
          %dma_start3A_37 = arith.constant 0 : i32
          %dma_start3A_38 = tpu.memref_slice %arg3[%dma_start3A_36, %dma_start3A_37] : memref<10000x32xf32, #tpu.memory_space<hbm>> -> memref<400x32xf32, #tpu.memory_space<hbm>>
          tpu.enqueue_dma source(%dma_start3A_38 : memref<400x32xf32, #tpu.memory_space<hbm>>) target(%dma_start3A_35 : memref<400x32xf32, #tpu.memory_space<vmem_shared>>) target_semaphore(%run_scoped3A : memref<!tpu.dma_semaphore, #tpu.memory_space<semaphore_mem>>)
          %dma_wait3A = arith.constant 9600 : i32
          %dma_wait3A_39 = arith.constant 0 : i32
          %dma_wait3A_40 = tpu.memref_slice %arg10[%dma_wait3A, %dma_wait3A_39] : memref<10000x32xf32, #tpu.memory_space<vmem_shared>> -> memref<400x32xf32, #tpu.memory_space<vmem_shared>>
          %dma_wait3A_41 = arith.constant 9600 : i32
          %dma_wait3A_42 = arith.constant 0 : i32
          %dma_wait3A_43 = tpu.memref_slice %arg3[%dma_wait3A_41, %dma_wait3A_42] : memref<10000x32xf32, #tpu.memory_space<hbm>> -> memref<400x32xf32, #tpu.memory_space<hbm>>
          tpu.wait_dma2 semaphore(%run_scoped3A : memref<!tpu.dma_semaphore, #tpu.memory_space<semaphore_mem>>) src(%dma_wait3A_43 : memref<400x32xf32, #tpu.memory_space<hbm>>) dst(%dma_wait3A_40 : memref<400x32xf32, #tpu.memory_space<vmem_shared>>)
          tpu.yield
        }) : () -> ()
      } else {
      }
    } else {
    }
    "tpu.region"() ({
      %run_scoped3A = tpu.sem_alloc : memref<!tpu.dma_semaphore, #tpu.memory_space<semaphore_mem>>
      %dma_start3A = arith.constant 0 : i32
      %dma_start3A_25 = arith.constant 0 : i32
      %dma_start3A_26 = tpu.memref_slice %arg4[%arg1, %dma_start3A, %dma_start3A_25] : memref<16x160x128xi32, #tpu.memory_space<hbm>> -> memref<1x160x128xi32, #tpu.memory_space<hbm>>
      %dma_start3A_27 = tpu.memref_squeeze %dma_start3A_26 : memref<1x160x128xi32, #tpu.memory_space<hbm>> -> memref<160x128xi32, #tpu.memory_space<hbm>>
      %dma_start3A_28 = arith.constant 0 : i32
      %dma_start3A_29 = arith.constant 0 : i32
      %dma_start3A_30 = tpu.memref_slice %arg4[%arg1, %dma_start3A_28, %dma_start3A_29] : memref<16x160x128xi32, #tpu.memory_space<hbm>> -> memref<1x160x128xi32, #tpu.memory_space<hbm>>
      %dma_start3A_31 = tpu.memref_squeeze %dma_start3A_30 : memref<1x160x128xi32, #tpu.memory_space<hbm>> -> memref<160x128xi32, #tpu.memory_space<hbm>>
      tpu.enqueue_dma source(%dma_start3A_31 : memref<160x128xi32, #tpu.memory_space<hbm>>) target(%arg7 : memref<160x128xi32, #tpu.memory_space<vmem>>) target_semaphore(%run_scoped3A : memref<!tpu.dma_semaphore, #tpu.memory_space<semaphore_mem>>)
      %dma_wait3A = arith.constant 0 : i32
      %dma_wait3A_32 = arith.constant 0 : i32
      %dma_wait3A_33 = tpu.memref_slice %arg4[%arg1, %dma_wait3A, %dma_wait3A_32] : memref<16x160x128xi32, #tpu.memory_space<hbm>> -> memref<1x160x128xi32, #tpu.memory_space<hbm>>
      %dma_wait3A_34 = tpu.memref_squeeze %dma_wait3A_33 : memref<1x160x128xi32, #tpu.memory_space<hbm>> -> memref<160x128xi32, #tpu.memory_space<hbm>>
      %dma_wait3A_35 = arith.constant 0 : i32
      %dma_wait3A_36 = arith.constant 0 : i32
      %dma_wait3A_37 = tpu.memref_slice %arg4[%arg1, %dma_wait3A_35, %dma_wait3A_36] : memref<16x160x128xi32, #tpu.memory_space<hbm>> -> memref<1x160x128xi32, #tpu.memory_space<hbm>>
      %dma_wait3A_38 = tpu.memref_squeeze %dma_wait3A_37 : memref<1x160x128xi32, #tpu.memory_space<hbm>> -> memref<160x128xi32, #tpu.memory_space<hbm>>
      tpu.wait_dma2 semaphore(%run_scoped3A : memref<!tpu.dma_semaphore, #tpu.memory_space<semaphore_mem>>) src(%dma_wait3A_38 : memref<160x128xi32, #tpu.memory_space<hbm>>) dst(%arg7 : memref<160x128xi32, #tpu.memory_space<vmem>>)
      tpu.yield
    }) : () -> ()
    "tpu.region"() ({
      %run_scoped3A = tpu.sem_alloc : memref<!tpu.dma_semaphore, #tpu.memory_space<semaphore_mem>>
      %dma_start3A = arith.constant 0 : i32
      %dma_start3A_25 = arith.constant 0 : i32
      %dma_start3A_26 = tpu.memref_slice %arg5[%arg1, %dma_start3A, %dma_start3A_25] : memref<16x160x128xi32, #tpu.memory_space<hbm>> -> memref<1x160x128xi32, #tpu.memory_space<hbm>>
      %dma_start3A_27 = tpu.memref_squeeze %dma_start3A_26 : memref<1x160x128xi32, #tpu.memory_space<hbm>> -> memref<160x128xi32, #tpu.memory_space<hbm>>
      %dma_start3A_28 = arith.constant 0 : i32
      %dma_start3A_29 = arith.constant 0 : i32
      %dma_start3A_30 = tpu.memref_slice %arg5[%arg1, %dma_start3A_28, %dma_start3A_29] : memref<16x160x128xi32, #tpu.memory_space<hbm>> -> memref<1x160x128xi32, #tpu.memory_space<hbm>>
      %dma_start3A_31 = tpu.memref_squeeze %dma_start3A_30 : memref<1x160x128xi32, #tpu.memory_space<hbm>> -> memref<160x128xi32, #tpu.memory_space<hbm>>
      tpu.enqueue_dma source(%dma_start3A_31 : memref<160x128xi32, #tpu.memory_space<hbm>>) target(%arg8 : memref<160x128xi32, #tpu.memory_space<vmem>>) target_semaphore(%run_scoped3A : memref<!tpu.dma_semaphore, #tpu.memory_space<semaphore_mem>>)
      %dma_wait3A = arith.constant 0 : i32
      %dma_wait3A_32 = arith.constant 0 : i32
      %dma_wait3A_33 = tpu.memref_slice %arg5[%arg1, %dma_wait3A, %dma_wait3A_32] : memref<16x160x128xi32, #tpu.memory_space<hbm>> -> memref<1x160x128xi32, #tpu.memory_space<hbm>>
      %dma_wait3A_34 = tpu.memref_squeeze %dma_wait3A_33 : memref<1x160x128xi32, #tpu.memory_space<hbm>> -> memref<160x128xi32, #tpu.memory_space<hbm>>
      %dma_wait3A_35 = arith.constant 0 : i32
      %dma_wait3A_36 = arith.constant 0 : i32
      %dma_wait3A_37 = tpu.memref_slice %arg5[%arg1, %dma_wait3A_35, %dma_wait3A_36] : memref<16x160x128xi32, #tpu.memory_space<hbm>> -> memref<1x160x128xi32, #tpu.memory_space<hbm>>
      %dma_wait3A_38 = tpu.memref_squeeze %dma_wait3A_37 : memref<1x160x128xi32, #tpu.memory_space<hbm>> -> memref<160x128xi32, #tpu.memory_space<hbm>>
      tpu.wait_dma2 semaphore(%run_scoped3A : memref<!tpu.dma_semaphore, #tpu.memory_space<semaphore_mem>>) src(%dma_wait3A_38 : memref<160x128xi32, #tpu.memory_space<hbm>>) dst(%arg8 : memref<160x128xi32, #tpu.memory_space<vmem>>)
      tpu.yield
    }) : () -> ()
    %barrier3A = arith.constant 0 : index
    tpu.barrier barrier_id(%barrier3A)
    %scan3A_16 = arith.constant 0 : i32
    %scan3A_17 = arith.constant 160 : i32
    %scan3A_18 = arith.addi %scan3A_16, %scan3A_17 : i32
    %scan3A_19 = arith.constant 1 : i32
    scf.for %scan3A_25 = %scan3A_16 to %scan3A_18 step %scan3A_19  : i32 {
      %mul3A_26 = arith.constant 1 : i32
      %mul3A_27 = arith.muli %scan3A_25, %mul3A_26 : i32
      %add3A = arith.constant 0 : i32
      %add3A_28 = arith.addi %add3A, %mul3A_27 : i32
      "tpu.region"() ({
        %run_scoped3A = tpu.sem_alloc : memref<!tpu.dma_semaphore, #tpu.memory_space<semaphore_mem>>
        %dma_start3A = arith.constant 0 : i32
        %dma_start3A_29 = tpu.memref_slice %arg7[%add3A_28, %dma_start3A] : memref<160x128xi32, #tpu.memory_space<vmem>> -> memref<1x128xi32, #tpu.memory_space<vmem>>
        %dma_start3A_30 = tpu.memref_squeeze %dma_start3A_29 : memref<1x128xi32, #tpu.memory_space<vmem>> -> memref<128xi32, #tpu.memory_space<vmem>>
        %dma_start3A_31 = arith.constant 0 : i32
        %dma_start3A_32 = arith.constant 0 : i32
        %dma_start3A_33 = tpu.memref_slice %arg10[%dma_start3A_31, %dma_start3A_32] : memref<10000x32xf32, #tpu.memory_space<vmem_shared>> -> memref<10000x32xf32, #tpu.memory_space<vmem_shared>>
        tpu.enqueue_indirect_dma source(%dma_start3A_33 : memref<10000x32xf32, #tpu.memory_space<vmem_shared>>) target(%arg9 : memref<128x32xf32, #tpu.memory_space<vmem>>) offsets(%dma_start3A_30 : memref<128xi32, #tpu.memory_space<vmem>>) semaphore(%run_scoped3A : memref<!tpu.dma_semaphore, #tpu.memory_space<semaphore_mem>>)
        %dma_wait3A = arith.constant 0 : i32
        %dma_wait3A_34 = tpu.memref_slice %arg7[%add3A_28, %dma_wait3A] : memref<160x128xi32, #tpu.memory_space<vmem>> -> memref<1x128xi32, #tpu.memory_space<vmem>>
        %dma_wait3A_35 = tpu.memref_squeeze %dma_wait3A_34 : memref<1x128xi32, #tpu.memory_space<vmem>> -> memref<128xi32, #tpu.memory_space<vmem>>
        %dma_wait3A_36 = arith.constant 0 : i32
        %dma_wait3A_37 = arith.constant 0 : i32
        %dma_wait3A_38 = tpu.memref_slice %arg10[%dma_wait3A_36, %dma_wait3A_37] : memref<10000x32xf32, #tpu.memory_space<vmem_shared>> -> memref<10000x32xf32, #tpu.memory_space<vmem_shared>>
        tpu.wait_indirect_dma semaphore(%run_scoped3A : memref<!tpu.dma_semaphore, #tpu.memory_space<semaphore_mem>>) src(%dma_wait3A_38 : memref<10000x32xf32, #tpu.memory_space<vmem_shared>>) dst(%arg9 : memref<128x32xf32, #tpu.memory_space<vmem>>)
        tpu.yield
      }) : () -> ()
      "tpu.region"() ({
        %run_scoped3A = tpu.sem_alloc : memref<!tpu.dma_semaphore, #tpu.memory_space<semaphore_mem>>
        %dma_start3A = arith.constant 0 : i32
        %dma_start3A_29 = tpu.memref_slice %arg8[%add3A_28, %dma_start3A] : memref<160x128xi32, #tpu.memory_space<vmem>> -> memref<1x128xi32, #tpu.memory_space<vmem>>
        %dma_start3A_30 = tpu.memref_squeeze %dma_start3A_29 : memref<1x128xi32, #tpu.memory_space<vmem>> -> memref<128xi32, #tpu.memory_space<vmem>>
        %dma_start3A_31 = arith.constant 0 : i32
        %dma_start3A_32 = arith.constant 0 : i32
        %dma_start3A_33 = tpu.memref_slice %arg11[%dma_start3A_31, %dma_start3A_32] : memref<10240x32xf32, #tpu.memory_space<vmem_shared>> -> memref<10240x32xf32, #tpu.memory_space<vmem_shared>>
        tpu.enqueue_indirect_dma source(%arg9 : memref<128x32xf32, #tpu.memory_space<vmem>>) target(%dma_start3A_33 : memref<10240x32xf32, #tpu.memory_space<vmem_shared>>) offsets(%dma_start3A_30 : memref<128xi32, #tpu.memory_space<vmem>>) semaphore(%run_scoped3A : memref<!tpu.dma_semaphore, #tpu.memory_space<semaphore_mem>>) {add = true}
        %dma_wait3A = arith.constant 0 : i32
        %dma_wait3A_34 = tpu.memref_slice %arg8[%add3A_28, %dma_wait3A] : memref<160x128xi32, #tpu.memory_space<vmem>> -> memref<1x128xi32, #tpu.memory_space<vmem>>
        %dma_wait3A_35 = tpu.memref_squeeze %dma_wait3A_34 : memref<1x128xi32, #tpu.memory_space<vmem>> -> memref<128xi32, #tpu.memory_space<vmem>>
        %dma_wait3A_36 = arith.constant 0 : i32
        %dma_wait3A_37 = arith.constant 0 : i32
        %dma_wait3A_38 = tpu.memref_slice %arg11[%dma_wait3A_36, %dma_wait3A_37] : memref<10240x32xf32, #tpu.memory_space<vmem_shared>> -> memref<10240x32xf32, #tpu.memory_space<vmem_shared>>
        tpu.wait_indirect_dma semaphore(%run_scoped3A : memref<!tpu.dma_semaphore, #tpu.memory_space<semaphore_mem>>) src(%arg9 : memref<128x32xf32, #tpu.memory_space<vmem>>) dst(%dma_wait3A_38 : memref<10240x32xf32, #tpu.memory_space<vmem_shared>>)
        tpu.yield
      }) : () -> ()
    }
    %scan3A_20 = arith.constant 160 : i32
    %barrier3A_21 = arith.constant 0 : index
    tpu.barrier barrier_id(%barrier3A_21)
    %mul3A = arith.constant 640 : i32
    %mul3A_22 = arith.muli %arg1, %mul3A : i32
    %mul3A_23 = arith.constant 640 : i32
    %mul3A_24 = arith.muli %arg1, %mul3A_23 : i32
    "tpu.region"() ({
      %run_scoped3A = tpu.sem_alloc : memref<!tpu.dma_semaphore, #tpu.memory_space<semaphore_mem>>
      %dma_start3A = arith.constant 0 : i32
      %dma_start3A_25 = tpu.memref_slice %arg6[%arg0, %mul3A_24, %dma_start3A] : memref<2x10240x32xf32, #tpu.memory_space<hbm>> -> memref<1x640x32xf32, #tpu.memory_space<hbm>>
      %dma_start3A_26 = tpu.memref_squeeze %dma_start3A_25 : memref<1x640x32xf32, #tpu.memory_space<hbm>> -> memref<640x32xf32, #tpu.memory_space<hbm>>
      %dma_start3A_27 = arith.constant 0 : i32
      %dma_start3A_28 = tpu.memref_slice %arg11[%mul3A_22, %dma_start3A_27] : memref<10240x32xf32, #tpu.memory_space<vmem_shared>> -> memref<640x32xf32, #tpu.memory_space<vmem_shared>>
      tpu.enqueue_dma source(%dma_start3A_28 : memref<640x32xf32, #tpu.memory_space<vmem_shared>>) target(%dma_start3A_26 : memref<640x32xf32, #tpu.memory_space<hbm>>) target_semaphore(%run_scoped3A : memref<!tpu.dma_semaphore, #tpu.memory_space<semaphore_mem>>)
      %dma_wait3A = arith.constant 0 : i32
      %dma_wait3A_29 = tpu.memref_slice %arg6[%arg0, %mul3A_24, %dma_wait3A] : memref<2x10240x32xf32, #tpu.memory_space<hbm>> -> memref<1x640x32xf32, #tpu.memory_space<hbm>>
      %dma_wait3A_30 = tpu.memref_squeeze %dma_wait3A_29 : memref<1x640x32xf32, #tpu.memory_space<hbm>> -> memref<640x32xf32, #tpu.memory_space<hbm>>
      %dma_wait3A_31 = arith.constant 0 : i32
      %dma_wait3A_32 = tpu.memref_slice %arg11[%mul3A_22, %dma_wait3A_31] : memref<10240x32xf32, #tpu.memory_space<vmem_shared>> -> memref<640x32xf32, #tpu.memory_space<vmem_shared>>
      tpu.wait_dma2 semaphore(%run_scoped3A : memref<!tpu.dma_semaphore, #tpu.memory_space<semaphore_mem>>) src(%dma_wait3A_32 : memref<640x32xf32, #tpu.memory_space<vmem_shared>>) dst(%dma_wait3A_30 : memref<640x32xf32, #tpu.memory_space<hbm>>)
      tpu.yield
    }) : () -> ()
    return
  }
}

#map = affine_map<(d0, d1) -> (0, 0)>
#map1 = affine_map<(d0, d1) -> (0, 0, 0)>
module attributes {stable_mosaic.version = 14 : i64} {
  func.func @_sc_aggregate(%arg0: i32, %arg1: i32, %arg2: memref<10000x32xf32, #tpu.memory_space<hbm>>, %arg3: memref<10000x32xf32, #tpu.memory_space<hbm>>, %arg4: memref<16x160x128xi32, #tpu.memory_space<hbm>>, %arg5: memref<16x160x128xi32, #tpu.memory_space<hbm>>, %arg6: memref<2x10240x32xf32, #tpu.memory_space<hbm>>, %arg7: memref<160x128xi32, #tpu.memory_space<vmem>>, %arg8: memref<160x128xi32, #tpu.memory_space<vmem>>, %arg9: memref<128x32xf32, #tpu.memory_space<vmem>>, %arg10: memref<10000x32xf32, #tpu.memory_space<vmem_shared>>, %arg11: memref<10240x32xf32, #tpu.memory_space<vmem_shared>>) attributes {dimension_semantics = [#tpu.dimension_semantics<core_parallel>, #tpu.dimension_semantics<subcore_parallel>], iteration_bounds = array<i64: 2, 16>, scalar_prefetch = 0 : i64, scratch_operands = 5 : i64, tpu.core_type = #tpu.core_type<sc_vector_subcore>, window_params = [{transform_indices = #map}, {transform_indices = #map}, {transform_indices = #map1}, {transform_indices = #map1}, {transform_indices = #map1}]} {
    %scan3A = arith.constant 0 : i32
    %scan3A_0 = arith.constant 128 : i32
    %scan3A_1 = arith.addi %scan3A, %scan3A_0 : i32
    %scan3A_2 = arith.constant 1 : i32
    scf.for %scan3A_25 = %scan3A to %scan3A_1 step %scan3A_2  : i32 {
      %mul3A_26 = arith.constant 1 : i32
      %mul3A_27 = arith.muli %scan3A_25, %mul3A_26 : i32
      %add3A = arith.constant 0 : i32
      %add3A_28 = arith.addi %add3A, %mul3A_27 : i32
      %broadcast_in_dim3A = arith.constant 0.000000e+00 : f32
      %broadcast_in_dim3A_29 = vector.broadcast %broadcast_in_dim3A : f32 to vector<16xf32>
      %swap3A = arith.index_cast %add3A_28 : i32 to index
      %swap3A_30 = arith.constant 0 : index
      %swap3A_31 = tpu.vector_load %arg9[%swap3A, %swap3A_30] {strides = array<i32>} : memref<128x32xf32, #tpu.memory_space<vmem>>, vector<1x16xf32>,
      %swap3A_32 = vector.shape_cast %swap3A_31 : vector<1x16xf32> to vector<16xf32>
      %swap3A_33 = vector.shape_cast %broadcast_in_dim3A_29 : vector<16xf32> to vector<1x16xf32>
      tpu.vector_store %arg9[%swap3A, %swap3A_30], %swap3A_33 {strides = array<i32>} : memref<128x32xf32, #tpu.memory_space<vmem>>, vector<1x16xf32>,
      %broadcast_in_dim3A_34 = arith.constant 0.000000e+00 : f32
      %broadcast_in_dim3A_35 = vector.broadcast %broadcast_in_dim3A_34 : f32 to vector<16xf32>
      %swap3A_36 = arith.index_cast %add3A_28 : i32 to index
      %swap3A_37 = arith.constant 16 : index
      %swap3A_38 = tpu.vector_load %arg9[%swap3A_36, %swap3A_37] {strides = array<i32>} : memref<128x32xf32, #tpu.memory_space<vmem>>, vector<1x16xf32>,
      %swap3A_39 = vector.shape_cast %swap3A_38 : vector<1x16xf32> to vector<16xf32>
      %swap3A_40 = vector.shape_cast %broadcast_in_dim3A_35 : vector<16xf32> to vector<1x16xf32>
      tpu.vector_store %arg9[%swap3A_36, %swap3A_37], %swap3A_40 {strides = array<i32>} : memref<128x32xf32, #tpu.memory_space<vmem>>, vector<1x16xf32>,
    }
    %scan3A_3 = arith.constant 128 : i32
    %scan3A_4 = arith.constant 0 : i32
    %scan3A_5 = arith.constant 5 : i32
    %scan3A_6 = arith.addi %scan3A_4, %scan3A_5 : i32
    %scan3A_7 = arith.constant 1 : i32
    scf.for %scan3A_25 = %scan3A_4 to %scan3A_6 step %scan3A_7  : i32 {
      %mul3A_26 = arith.constant 1 : i32
      %mul3A_27 = arith.muli %scan3A_25, %mul3A_26 : i32
      %add3A = arith.constant 0 : i32
      %add3A_28 = arith.addi %add3A, %mul3A_27 : i32
      %mul3A_29 = arith.constant 640 : i32
      %mul3A_30 = arith.muli %arg1, %mul3A_29 : i32
      %mul3A_31 = arith.constant 128 : i32
      %mul3A_32 = arith.muli %add3A_28, %mul3A_31 : i32
      %add3A_33 = arith.addi %mul3A_30, %mul3A_32 : i32
      "tpu.region"() ({
        %run_scoped3A = tpu.sem_alloc : memref<!tpu.dma_semaphore, #tpu.memory_space<semaphore_mem>>
        %dma_start3A = arith.constant 0 : i32
        %dma_start3A_34 = tpu.memref_slice %arg11[%add3A_33, %dma_start3A] : memref<10240x32xf32, #tpu.memory_space<vmem_shared>> -> memref<128x32xf32, #tpu.memory_space<vmem_shared>>
        %dma_start3A_35 = arith.constant 0 : i32
        %dma_start3A_36 = tpu.memref_slice %arg11[%add3A_33, %dma_start3A_35] : memref<10240x32xf32, #tpu.memory_space<vmem_shared>> -> memref<128x32xf32, #tpu.memory_space<vmem_shared>>
        tpu.enqueue_dma source(%arg9 : memref<128x32xf32, #tpu.memory_space<vmem>>) target(%dma_start3A_36 : memref<128x32xf32, #tpu.memory_space<vmem_shared>>) target_semaphore(%run_scoped3A : memref<!tpu.dma_semaphore, #tpu.memory_space<semaphore_mem>>)
        %dma_wait3A = arith.constant 0 : i32
        %dma_wait3A_37 = tpu.memref_slice %arg11[%add3A_33, %dma_wait3A] : memref<10240x32xf32, #tpu.memory_space<vmem_shared>> -> memref<128x32xf32, #tpu.memory_space<vmem_shared>>
        %dma_wait3A_38 = arith.constant 0 : i32
        %dma_wait3A_39 = tpu.memref_slice %arg11[%add3A_33, %dma_wait3A_38] : memref<10240x32xf32, #tpu.memory_space<vmem_shared>> -> memref<128x32xf32, #tpu.memory_space<vmem_shared>>
        tpu.wait_dma2 semaphore(%run_scoped3A : memref<!tpu.dma_semaphore, #tpu.memory_space<semaphore_mem>>) src(%arg9 : memref<128x32xf32, #tpu.memory_space<vmem>>) dst(%dma_wait3A_39 : memref<128x32xf32, #tpu.memory_space<vmem_shared>>)
        tpu.yield
      }) : () -> ()
    }
    %scan3A_8 = arith.constant 5 : i32
    %eq3A = arith.constant 0 : i32
    %eq3A_9 = arith.cmpi eq, %arg0, %eq3A : i32
    %convert_element_type3A = arith.extui %eq3A_9 : i1 to i32
    %cond3A = arith.constant 0 : i32
    %cond3A_10 = arith.cmpi ne, %convert_element_type3A, %cond3A : i32
    scf.if %cond3A_10 {
      %lt3A = arith.constant 15 : i32
      %lt3A_25 = arith.cmpi slt, %arg1, %lt3A : i32
      %convert_element_type3A_26 = arith.extui %lt3A_25 : i1 to i32
      %cond3A_27 = arith.constant 0 : i32
      %cond3A_28 = arith.cmpi ne, %convert_element_type3A_26, %cond3A_27 : i32
      scf.if %cond3A_28 {
        %mul3A_34 = arith.constant 640 : i32
        %mul3A_35 = arith.muli %arg1, %mul3A_34 : i32
        %mul3A_36 = arith.constant 640 : i32
        %mul3A_37 = arith.muli %arg1, %mul3A_36 : i32
        "tpu.region"() ({
          %run_scoped3A = tpu.sem_alloc : memref<!tpu.dma_semaphore, #tpu.memory_space<semaphore_mem>>
          %dma_start3A = arith.constant 0 : i32
          %dma_start3A_38 = tpu.memref_slice %arg10[%mul3A_37, %dma_start3A] : memref<10000x32xf32, #tpu.memory_space<vmem_shared>> -> memref<640x32xf32, #tpu.memory_space<vmem_shared>>
          %dma_start3A_39 = arith.constant 0 : i32
          %dma_start3A_40 = tpu.memref_slice %arg2[%mul3A_35, %dma_start3A_39] : memref<10000x32xf32, #tpu.memory_space<hbm>> -> memref<640x32xf32, #tpu.memory_space<hbm>>
          tpu.enqueue_dma source(%dma_start3A_40 : memref<640x32xf32, #tpu.memory_space<hbm>>) target(%dma_start3A_38 : memref<640x32xf32, #tpu.memory_space<vmem_shared>>) target_semaphore(%run_scoped3A : memref<!tpu.dma_semaphore, #tpu.memory_space<semaphore_mem>>)
          %dma_wait3A = arith.constant 0 : i32
          %dma_wait3A_41 = tpu.memref_slice %arg10[%mul3A_37, %dma_wait3A] : memref<10000x32xf32, #tpu.memory_space<vmem_shared>> -> memref<640x32xf32, #tpu.memory_space<vmem_shared>>
          %dma_wait3A_42 = arith.constant 0 : i32
          %dma_wait3A_43 = tpu.memref_slice %arg2[%mul3A_35, %dma_wait3A_42] : memref<10000x32xf32, #tpu.memory_space<hbm>> -> memref<640x32xf32, #tpu.memory_space<hbm>>
          tpu.wait_dma2 semaphore(%run_scoped3A : memref<!tpu.dma_semaphore, #tpu.memory_space<semaphore_mem>>) src(%dma_wait3A_43 : memref<640x32xf32, #tpu.memory_space<hbm>>) dst(%dma_wait3A_41 : memref<640x32xf32, #tpu.memory_space<vmem_shared>>)
          tpu.yield
        }) : () -> ()
      } else {
      }
      %eq3A_29 = arith.constant 15 : i32
      %eq3A_30 = arith.cmpi eq, %arg1, %eq3A_29 : i32
      %convert_element_type3A_31 = arith.extui %eq3A_30 : i1 to i32
      %cond3A_32 = arith.constant 0 : i32
      %cond3A_33 = arith.cmpi ne, %convert_element_type3A_31, %cond3A_32 : i32
      scf.if %cond3A_33 {
        "tpu.region"() ({
          %run_scoped3A = tpu.sem_alloc : memref<!tpu.dma_semaphore, #tpu.memory_space<semaphore_mem>>
          %dma_start3A = arith.constant 9600 : i32
          %dma_start3A_34 = arith.constant 0 : i32
          %dma_start3A_35 = tpu.memref_slice %arg10[%dma_start3A, %dma_start3A_34] : memref<10000x32xf32, #tpu.memory_space<vmem_shared>> -> memref<400x32xf32, #tpu.memory_space<vmem_shared>>
          %dma_start3A_36 = arith.constant 9600 : i32
          %dma_start3A_37 = arith.constant 0 : i32
          %dma_start3A_38 = tpu.memref_slice %arg2[%dma_start3A_36, %dma_start3A_37] : memref<10000x32xf32, #tpu.memory_space<hbm>> -> memref<400x32xf32, #tpu.memory_space<hbm>>
          tpu.enqueue_dma source(%dma_start3A_38 : memref<400x32xf32, #tpu.memory_space<hbm>>) target(%dma_start3A_35 : memref<400x32xf32, #tpu.memory_space<vmem_shared>>) target_semaphore(%run_scoped3A : memref<!tpu.dma_semaphore, #tpu.memory_space<semaphore_mem>>)
          %dma_wait3A = arith.constant 9600 : i32
          %dma_wait3A_39 = arith.constant 0 : i32
          %dma_wait3A_40 = tpu.memref_slice %arg10[%dma_wait3A, %dma_wait3A_39] : memref<10000x32xf32, #tpu.memory_space<vmem_shared>> -> memref<400x32xf32, #tpu.memory_space<vmem_shared>>
          %dma_wait3A_41 = arith.constant 9600 : i32
          %dma_wait3A_42 = arith.constant 0 : i32
          %dma_wait3A_43 = tpu.memref_slice %arg2[%dma_wait3A_41, %dma_wait3A_42] : memref<10000x32xf32, #tpu.memory_space<hbm>> -> memref<400x32xf32, #tpu.memory_space<hbm>>
          tpu.wait_dma2 semaphore(%run_scoped3A : memref<!tpu.dma_semaphore, #tpu.memory_space<semaphore_mem>>) src(%dma_wait3A_43 : memref<400x32xf32, #tpu.memory_space<hbm>>) dst(%dma_wait3A_40 : memref<400x32xf32, #tpu.memory_space<vmem_shared>>)
          tpu.yield
        }) : () -> ()
      } else {
      }
    } else {
    }
    %eq3A_11 = arith.constant 1 : i32
    %eq3A_12 = arith.cmpi eq, %arg0, %eq3A_11 : i32
    %convert_element_type3A_13 = arith.extui %eq3A_12 : i1 to i32
    %cond3A_14 = arith.constant 0 : i32
    %cond3A_15 = arith.cmpi ne, %convert_element_type3A_13, %cond3A_14 : i32
    scf.if %cond3A_15 {
      %lt3A = arith.constant 15 : i32
      %lt3A_25 = arith.cmpi slt, %arg1, %lt3A : i32
      %convert_element_type3A_26 = arith.extui %lt3A_25 : i1 to i32
      %cond3A_27 = arith.constant 0 : i32
      %cond3A_28 = arith.cmpi ne, %convert_element_type3A_26, %cond3A_27 : i32
      scf.if %cond3A_28 {
        %mul3A_34 = arith.constant 640 : i32
        %mul3A_35 = arith.muli %arg1, %mul3A_34 : i32
        %mul3A_36 = arith.constant 640 : i32
        %mul3A_37 = arith.muli %arg1, %mul3A_36 : i32
        "tpu.region"() ({
          %run_scoped3A = tpu.sem_alloc : memref<!tpu.dma_semaphore, #tpu.memory_space<semaphore_mem>>
          %dma_start3A = arith.constant 0 : i32
          %dma_start3A_38 = tpu.memref_slice %arg10[%mul3A_37, %dma_start3A] : memref<10000x32xf32, #tpu.memory_space<vmem_shared>> -> memref<640x32xf32, #tpu.memory_space<vmem_shared>>
          %dma_start3A_39 = arith.constant 0 : i32
          %dma_start3A_40 = tpu.memref_slice %arg3[%mul3A_35, %dma_start3A_39] : memref<10000x32xf32, #tpu.memory_space<hbm>> -> memref<640x32xf32, #tpu.memory_space<hbm>>
          tpu.enqueue_dma source(%dma_start3A_40 : memref<640x32xf32, #tpu.memory_space<hbm>>) target(%dma_start3A_38 : memref<640x32xf32, #tpu.memory_space<vmem_shared>>) target_semaphore(%run_scoped3A : memref<!tpu.dma_semaphore, #tpu.memory_space<semaphore_mem>>)
          %dma_wait3A = arith.constant 0 : i32
          %dma_wait3A_41 = tpu.memref_slice %arg10[%mul3A_37, %dma_wait3A] : memref<10000x32xf32, #tpu.memory_space<vmem_shared>> -> memref<640x32xf32, #tpu.memory_space<vmem_shared>>
          %dma_wait3A_42 = arith.constant 0 : i32
          %dma_wait3A_43 = tpu.memref_slice %arg3[%mul3A_35, %dma_wait3A_42] : memref<10000x32xf32, #tpu.memory_space<hbm>> -> memref<640x32xf32, #tpu.memory_space<hbm>>
          tpu.wait_dma2 semaphore(%run_scoped3A : memref<!tpu.dma_semaphore, #tpu.memory_space<semaphore_mem>>) src(%dma_wait3A_43 : memref<640x32xf32, #tpu.memory_space<hbm>>) dst(%dma_wait3A_41 : memref<640x32xf32, #tpu.memory_space<vmem_shared>>)
          tpu.yield
        }) : () -> ()
      } else {
      }
      %eq3A_29 = arith.constant 15 : i32
      %eq3A_30 = arith.cmpi eq, %arg1, %eq3A_29 : i32
      %convert_element_type3A_31 = arith.extui %eq3A_30 : i1 to i32
      %cond3A_32 = arith.constant 0 : i32
      %cond3A_33 = arith.cmpi ne, %convert_element_type3A_31, %cond3A_32 : i32
      scf.if %cond3A_33 {
        "tpu.region"() ({
          %run_scoped3A = tpu.sem_alloc : memref<!tpu.dma_semaphore, #tpu.memory_space<semaphore_mem>>
          %dma_start3A = arith.constant 9600 : i32
          %dma_start3A_34 = arith.constant 0 : i32
          %dma_start3A_35 = tpu.memref_slice %arg10[%dma_start3A, %dma_start3A_34] : memref<10000x32xf32, #tpu.memory_space<vmem_shared>> -> memref<400x32xf32, #tpu.memory_space<vmem_shared>>
          %dma_start3A_36 = arith.constant 9600 : i32
          %dma_start3A_37 = arith.constant 0 : i32
          %dma_start3A_38 = tpu.memref_slice %arg3[%dma_start3A_36, %dma_start3A_37] : memref<10000x32xf32, #tpu.memory_space<hbm>> -> memref<400x32xf32, #tpu.memory_space<hbm>>
          tpu.enqueue_dma source(%dma_start3A_38 : memref<400x32xf32, #tpu.memory_space<hbm>>) target(%dma_start3A_35 : memref<400x32xf32, #tpu.memory_space<vmem_shared>>) target_semaphore(%run_scoped3A : memref<!tpu.dma_semaphore, #tpu.memory_space<semaphore_mem>>)
          %dma_wait3A = arith.constant 9600 : i32
          %dma_wait3A_39 = arith.constant 0 : i32
          %dma_wait3A_40 = tpu.memref_slice %arg10[%dma_wait3A, %dma_wait3A_39] : memref<10000x32xf32, #tpu.memory_space<vmem_shared>> -> memref<400x32xf32, #tpu.memory_space<vmem_shared>>
          %dma_wait3A_41 = arith.constant 9600 : i32
          %dma_wait3A_42 = arith.constant 0 : i32
          %dma_wait3A_43 = tpu.memref_slice %arg3[%dma_wait3A_41, %dma_wait3A_42] : memref<10000x32xf32, #tpu.memory_space<hbm>> -> memref<400x32xf32, #tpu.memory_space<hbm>>
          tpu.wait_dma2 semaphore(%run_scoped3A : memref<!tpu.dma_semaphore, #tpu.memory_space<semaphore_mem>>) src(%dma_wait3A_43 : memref<400x32xf32, #tpu.memory_space<hbm>>) dst(%dma_wait3A_40 : memref<400x32xf32, #tpu.memory_space<vmem_shared>>)
          tpu.yield
        }) : () -> ()
      } else {
      }
    } else {
    }
    "tpu.region"() ({
      %run_scoped3A = tpu.sem_alloc : memref<!tpu.dma_semaphore, #tpu.memory_space<semaphore_mem>>
      %dma_start3A = arith.constant 0 : i32
      %dma_start3A_25 = arith.constant 0 : i32
      %dma_start3A_26 = tpu.memref_slice %arg4[%arg1, %dma_start3A, %dma_start3A_25] : memref<16x160x128xi32, #tpu.memory_space<hbm>> -> memref<1x160x128xi32, #tpu.memory_space<hbm>>
      %dma_start3A_27 = tpu.memref_squeeze %dma_start3A_26 : memref<1x160x128xi32, #tpu.memory_space<hbm>> -> memref<160x128xi32, #tpu.memory_space<hbm>>
      %dma_start3A_28 = arith.constant 0 : i32
      %dma_start3A_29 = arith.constant 0 : i32
      %dma_start3A_30 = tpu.memref_slice %arg4[%arg1, %dma_start3A_28, %dma_start3A_29] : memref<16x160x128xi32, #tpu.memory_space<hbm>> -> memref<1x160x128xi32, #tpu.memory_space<hbm>>
      %dma_start3A_31 = tpu.memref_squeeze %dma_start3A_30 : memref<1x160x128xi32, #tpu.memory_space<hbm>> -> memref<160x128xi32, #tpu.memory_space<hbm>>
      tpu.enqueue_dma source(%dma_start3A_31 : memref<160x128xi32, #tpu.memory_space<hbm>>) target(%arg7 : memref<160x128xi32, #tpu.memory_space<vmem>>) target_semaphore(%run_scoped3A : memref<!tpu.dma_semaphore, #tpu.memory_space<semaphore_mem>>)
      %dma_wait3A = arith.constant 0 : i32
      %dma_wait3A_32 = arith.constant 0 : i32
      %dma_wait3A_33 = tpu.memref_slice %arg4[%arg1, %dma_wait3A, %dma_wait3A_32] : memref<16x160x128xi32, #tpu.memory_space<hbm>> -> memref<1x160x128xi32, #tpu.memory_space<hbm>>
      %dma_wait3A_34 = tpu.memref_squeeze %dma_wait3A_33 : memref<1x160x128xi32, #tpu.memory_space<hbm>> -> memref<160x128xi32, #tpu.memory_space<hbm>>
      %dma_wait3A_35 = arith.constant 0 : i32
      %dma_wait3A_36 = arith.constant 0 : i32
      %dma_wait3A_37 = tpu.memref_slice %arg4[%arg1, %dma_wait3A_35, %dma_wait3A_36] : memref<16x160x128xi32, #tpu.memory_space<hbm>> -> memref<1x160x128xi32, #tpu.memory_space<hbm>>
      %dma_wait3A_38 = tpu.memref_squeeze %dma_wait3A_37 : memref<1x160x128xi32, #tpu.memory_space<hbm>> -> memref<160x128xi32, #tpu.memory_space<hbm>>
      tpu.wait_dma2 semaphore(%run_scoped3A : memref<!tpu.dma_semaphore, #tpu.memory_space<semaphore_mem>>) src(%dma_wait3A_38 : memref<160x128xi32, #tpu.memory_space<hbm>>) dst(%arg7 : memref<160x128xi32, #tpu.memory_space<vmem>>)
      tpu.yield
    }) : () -> ()
    "tpu.region"() ({
      %run_scoped3A = tpu.sem_alloc : memref<!tpu.dma_semaphore, #tpu.memory_space<semaphore_mem>>
      %dma_start3A = arith.constant 0 : i32
      %dma_start3A_25 = arith.constant 0 : i32
      %dma_start3A_26 = tpu.memref_slice %arg5[%arg1, %dma_start3A, %dma_start3A_25] : memref<16x160x128xi32, #tpu.memory_space<hbm>> -> memref<1x160x128xi32, #tpu.memory_space<hbm>>
      %dma_start3A_27 = tpu.memref_squeeze %dma_start3A_26 : memref<1x160x128xi32, #tpu.memory_space<hbm>> -> memref<160x128xi32, #tpu.memory_space<hbm>>
      %dma_start3A_28 = arith.constant 0 : i32
      %dma_start3A_29 = arith.constant 0 : i32
      %dma_start3A_30 = tpu.memref_slice %arg5[%arg1, %dma_start3A_28, %dma_start3A_29] : memref<16x160x128xi32, #tpu.memory_space<hbm>> -> memref<1x160x128xi32, #tpu.memory_space<hbm>>
      %dma_start3A_31 = tpu.memref_squeeze %dma_start3A_30 : memref<1x160x128xi32, #tpu.memory_space<hbm>> -> memref<160x128xi32, #tpu.memory_space<hbm>>
      tpu.enqueue_dma source(%dma_start3A_31 : memref<160x128xi32, #tpu.memory_space<hbm>>) target(%arg8 : memref<160x128xi32, #tpu.memory_space<vmem>>) target_semaphore(%run_scoped3A : memref<!tpu.dma_semaphore, #tpu.memory_space<semaphore_mem>>)
      %dma_wait3A = arith.constant 0 : i32
      %dma_wait3A_32 = arith.constant 0 : i32
      %dma_wait3A_33 = tpu.memref_slice %arg5[%arg1, %dma_wait3A, %dma_wait3A_32] : memref<16x160x128xi32, #tpu.memory_space<hbm>> -> memref<1x160x128xi32, #tpu.memory_space<hbm>>
      %dma_wait3A_34 = tpu.memref_squeeze %dma_wait3A_33 : memref<1x160x128xi32, #tpu.memory_space<hbm>> -> memref<160x128xi32, #tpu.memory_space<hbm>>
      %dma_wait3A_35 = arith.constant 0 : i32
      %dma_wait3A_36 = arith.constant 0 : i32
      %dma_wait3A_37 = tpu.memref_slice %arg5[%arg1, %dma_wait3A_35, %dma_wait3A_36] : memref<16x160x128xi32, #tpu.memory_space<hbm>> -> memref<1x160x128xi32, #tpu.memory_space<hbm>>
      %dma_wait3A_38 = tpu.memref_squeeze %dma_wait3A_37 : memref<1x160x128xi32, #tpu.memory_space<hbm>> -> memref<160x128xi32, #tpu.memory_space<hbm>>
      tpu.wait_dma2 semaphore(%run_scoped3A : memref<!tpu.dma_semaphore, #tpu.memory_space<semaphore_mem>>) src(%dma_wait3A_38 : memref<160x128xi32, #tpu.memory_space<hbm>>) dst(%arg8 : memref<160x128xi32, #tpu.memory_space<vmem>>)
      tpu.yield
    }) : () -> ()
    %barrier3A = arith.constant 0 : index
    tpu.barrier barrier_id(%barrier3A)
    %scan3A_16 = arith.constant 0 : i32
    %scan3A_17 = arith.constant 160 : i32
    %scan3A_18 = arith.addi %scan3A_16, %scan3A_17 : i32
    %scan3A_19 = arith.constant 1 : i32
    scf.for %scan3A_25 = %scan3A_16 to %scan3A_18 step %scan3A_19  : i32 {
      %mul3A_26 = arith.constant 1 : i32
      %mul3A_27 = arith.muli %scan3A_25, %mul3A_26 : i32
      %add3A = arith.constant 0 : i32
      %add3A_28 = arith.addi %add3A, %mul3A_27 : i32
      "tpu.region"() ({
        %run_scoped3A = tpu.sem_alloc : memref<!tpu.dma_semaphore, #tpu.memory_space<semaphore_mem>>
        %dma_start3A = arith.constant 0 : i32
        %dma_start3A_29 = tpu.memref_slice %arg7[%add3A_28, %dma_start3A] : memref<160x128xi32, #tpu.memory_space<vmem>> -> memref<1x128xi32, #tpu.memory_space<vmem>>
        %dma_start3A_30 = tpu.memref_squeeze %dma_start3A_29 : memref<1x128xi32, #tpu.memory_space<vmem>> -> memref<128xi32, #tpu.memory_space<vmem>>
        %dma_start3A_31 = arith.constant 0 : i32
        %dma_start3A_32 = arith.constant 0 : i32
        %dma_start3A_33 = tpu.memref_slice %arg10[%dma_start3A_31, %dma_start3A_32] : memref<10000x32xf32, #tpu.memory_space<vmem_shared>> -> memref<10000x32xf32, #tpu.memory_space<vmem_shared>>
        tpu.enqueue_indirect_dma source(%dma_start3A_33 : memref<10000x32xf32, #tpu.memory_space<vmem_shared>>) target(%arg9 : memref<128x32xf32, #tpu.memory_space<vmem>>) offsets(%dma_start3A_30 : memref<128xi32, #tpu.memory_space<vmem>>) semaphore(%run_scoped3A : memref<!tpu.dma_semaphore, #tpu.memory_space<semaphore_mem>>)
        %dma_wait3A = arith.constant 0 : i32
        %dma_wait3A_34 = tpu.memref_slice %arg7[%add3A_28, %dma_wait3A] : memref<160x128xi32, #tpu.memory_space<vmem>> -> memref<1x128xi32, #tpu.memory_space<vmem>>
        %dma_wait3A_35 = tpu.memref_squeeze %dma_wait3A_34 : memref<1x128xi32, #tpu.memory_space<vmem>> -> memref<128xi32, #tpu.memory_space<vmem>>
        %dma_wait3A_36 = arith.constant 0 : i32
        %dma_wait3A_37 = arith.constant 0 : i32
        %dma_wait3A_38 = tpu.memref_slice %arg10[%dma_wait3A_36, %dma_wait3A_37] : memref<10000x32xf32, #tpu.memory_space<vmem_shared>> -> memref<10000x32xf32, #tpu.memory_space<vmem_shared>>
        tpu.wait_indirect_dma semaphore(%run_scoped3A : memref<!tpu.dma_semaphore, #tpu.memory_space<semaphore_mem>>) src(%dma_wait3A_38 : memref<10000x32xf32, #tpu.memory_space<vmem_shared>>) dst(%arg9 : memref<128x32xf32, #tpu.memory_space<vmem>>)
        tpu.yield
      }) : () -> ()
      "tpu.region"() ({
        %run_scoped3A = tpu.sem_alloc : memref<!tpu.dma_semaphore, #tpu.memory_space<semaphore_mem>>
        %dma_start3A = arith.constant 0 : i32
        %dma_start3A_29 = tpu.memref_slice %arg8[%add3A_28, %dma_start3A] : memref<160x128xi32, #tpu.memory_space<vmem>> -> memref<1x128xi32, #tpu.memory_space<vmem>>
        %dma_start3A_30 = tpu.memref_squeeze %dma_start3A_29 : memref<1x128xi32, #tpu.memory_space<vmem>> -> memref<128xi32, #tpu.memory_space<vmem>>
        %dma_start3A_31 = arith.constant 0 : i32
        %dma_start3A_32 = arith.constant 0 : i32
        %dma_start3A_33 = tpu.memref_slice %arg11[%dma_start3A_31, %dma_start3A_32] : memref<10240x32xf32, #tpu.memory_space<vmem_shared>> -> memref<10240x32xf32, #tpu.memory_space<vmem_shared>>
        tpu.enqueue_indirect_dma source(%arg9 : memref<128x32xf32, #tpu.memory_space<vmem>>) target(%dma_start3A_33 : memref<10240x32xf32, #tpu.memory_space<vmem_shared>>) offsets(%dma_start3A_30 : memref<128xi32, #tpu.memory_space<vmem>>) semaphore(%run_scoped3A : memref<!tpu.dma_semaphore, #tpu.memory_space<semaphore_mem>>) {add = true}
        %dma_wait3A = arith.constant 0 : i32
        %dma_wait3A_34 = tpu.memref_slice %arg8[%add3A_28, %dma_wait3A] : memref<160x128xi32, #tpu.memory_space<vmem>> -> memref<1x128xi32, #tpu.memory_space<vmem>>
        %dma_wait3A_35 = tpu.memref_squeeze %dma_wait3A_34 : memref<1x128xi32, #tpu.memory_space<vmem>> -> memref<128xi32, #tpu.memory_space<vmem>>
        %dma_wait3A_36 = arith.constant 0 : i32
        %dma_wait3A_37 = arith.constant 0 : i32
        %dma_wait3A_38 = tpu.memref_slice %arg11[%dma_wait3A_36, %dma_wait3A_37] : memref<10240x32xf32, #tpu.memory_space<vmem_shared>> -> memref<10240x32xf32, #tpu.memory_space<vmem_shared>>
        tpu.wait_indirect_dma semaphore(%run_scoped3A : memref<!tpu.dma_semaphore, #tpu.memory_space<semaphore_mem>>) src(%arg9 : memref<128x32xf32, #tpu.memory_space<vmem>>) dst(%dma_wait3A_38 : memref<10240x32xf32, #tpu.memory_space<vmem_shared>>)
        tpu.yield
      }) : () -> ()
    }
    %scan3A_20 = arith.constant 160 : i32
    %barrier3A_21 = arith.constant 0 : index
    tpu.barrier barrier_id(%barrier3A_21)
    %mul3A = arith.constant 640 : i32
    %mul3A_22 = arith.muli %arg1, %mul3A : i32
    %mul3A_23 = arith.constant 640 : i32
    %mul3A_24 = arith.muli %arg1, %mul3A_23 : i32
    "tpu.region"() ({
      %run_scoped3A = tpu.sem_alloc : memref<!tpu.dma_semaphore, #tpu.memory_space<semaphore_mem>>
      %dma_start3A = arith.constant 0 : i32
      %dma_start3A_25 = tpu.memref_slice %arg6[%arg0, %mul3A_24, %dma_start3A] : memref<2x10240x32xf32, #tpu.memory_space<hbm>> -> memref<1x640x32xf32, #tpu.memory_space<hbm>>
      %dma_start3A_26 = tpu.memref_squeeze %dma_start3A_25 : memref<1x640x32xf32, #tpu.memory_space<hbm>> -> memref<640x32xf32, #tpu.memory_space<hbm>>
      %dma_start3A_27 = arith.constant 0 : i32
      %dma_start3A_28 = tpu.memref_slice %arg11[%mul3A_22, %dma_start3A_27] : memref<10240x32xf32, #tpu.memory_space<vmem_shared>> -> memref<640x32xf32, #tpu.memory_space<vmem_shared>>
      tpu.enqueue_dma source(%dma_start3A_28 : memref<640x32xf32, #tpu.memory_space<vmem_shared>>) target(%dma_start3A_26 : memref<640x32xf32, #tpu.memory_space<hbm>>) target_semaphore(%run_scoped3A : memref<!tpu.dma_semaphore, #tpu.memory_space<semaphore_mem>>)
      %dma_wait3A = arith.constant 0 : i32
      %dma_wait3A_29 = tpu.memref_slice %arg6[%arg0, %mul3A_24, %dma_wait3A] : memref<2x10240x32xf32, #tpu.memory_space<hbm>> -> memref<1x640x32xf32, #tpu.memory_space<hbm>>
      %dma_wait3A_30 = tpu.memref_squeeze %dma_wait3A_29 : memref<1x640x32xf32, #tpu.memory_space<hbm>> -> memref<640x32xf32, #tpu.memory_space<hbm>>
      %dma_wait3A_31 = arith.constant 0 : i32
      %dma_wait3A_32 = tpu.memref_slice %arg11[%mul3A_22, %dma_wait3A_31] : memref<10240x32xf32, #tpu.memory_space<vmem_shared>> -> memref<640x32xf32, #tpu.memory_space<vmem_shared>>
      tpu.wait_dma2 semaphore(%run_scoped3A : memref<!tpu.dma_semaphore, #tpu.memory_space<semaphore_mem>>) src(%dma_wait3A_32 : memref<640x32xf32, #tpu.memory_space<vmem_shared>>) dst(%dma_wait3A_30 : memref<640x32xf32, #tpu.memory_space<hbm>>)
      tpu.yield
    }) : () -> ()
    return
  }
}

module attributes {stable_mosaic.version = 14 : i64} {
  func.func @_tcxw_body(%arg0: i32, %arg1: memref<2000x128xf32, #tpu.memory_space<vmem>>, %arg2: memref<128x64xf32, #tpu.memory_space<vmem>>, %arg3: memref<2000x64xf32, #tpu.memory_space<vmem>>) attributes {dimension_semantics = [#tpu.dimension_semantics<arbitrary>], iteration_bounds = array<i64: 5>, scalar_prefetch = 0 : i64, scratch_operands = 0 : i64, tpu.core_type = #tpu.core_type<tc>, window_params = [{transform_indices = @transform_0, window_bounds = array<i64: 2000, 128>}, {pipeline_mode = #tpu.pipeline_mode<synchronous>, transform_indices = @transform_1, window_bounds = array<i64: 128, 64>}, {transform_indices = @transform_2, window_bounds = array<i64: 2000, 64>}]} {
    %get3A = arith.constant 0 : index
    %get3A_0 = arith.constant 0 : index
    %get3A_1 = vector.load %arg1[%get3A, %get3A_0] : memref<2000x128xf32, #tpu.memory_space<vmem>>, vector<2000x128xf32>
    %get3A_2 = arith.constant 0 : index
    %get3A_3 = arith.constant 0 : index
    %get3A_4 = vector.load %arg2[%get3A_2, %get3A_3] : memref<128x64xf32, #tpu.memory_space<vmem>>, vector<128x64xf32>
    %dot_general3A = arith.constant dense<0.000000e+00> : vector<2000x64xf32>
    %dot_general3A_5 = tpu.matmul %get3A_1, %get3A_4, %dot_general3A {dimension_numbers = #tpu.dot_dimension_numbers<[1], [0], [0], [1], [0, 0, 1, 1], [], []>, transpose_lhs_hint = false} : vector<2000x128xf32>, vector<128x64xf32>, vector<2000x64xf32> -> vector<2000x64xf32>
    %swap3A = arith.constant 0 : index
    %swap3A_6 = arith.constant 0 : index
    %swap3A_7 = vector.load %arg3[%swap3A, %swap3A_6] : memref<2000x64xf32, #tpu.memory_space<vmem>>, vector<2000x64xf32>
    tpu.vector_store %arg3[%swap3A, %swap3A_6], %dot_general3A_5 {strides = array<i32>} : memref<2000x64xf32, #tpu.memory_space<vmem>>, vector<2000x64xf32>,
    return
  }
  func.func @transform_0(%arg0: i32) -> (i32, i32) {
    %c0_i32 = arith.constant 0 : i32
    %c0_i32_0 = arith.constant 0 : i32
    return %arg0, %c0_i32 : i32, i32
  }
  func.func @transform_1(%arg0: i32) -> (i32, i32) {
    %c0_i32 = arith.constant 0 : i32
    %c0_i32_0 = arith.constant 0 : i32
    %c0_i32_1 = arith.constant 0 : i32
    return %c0_i32, %c0_i32_0 : i32, i32
  }
  func.func @transform_2(%arg0: i32) -> (i32, i32) {
    %c0_i32 = arith.constant 0 : i32
    %c0_i32_0 = arith.constant 0 : i32
    return %arg0, %c0_i32 : i32, i32
  }
}

module attributes {stable_mosaic.version = 14 : i64} {
  func.func @_tc1_body(%arg0: i32, %arg1: memref<2x2000x16xf32, #tpu.memory_space<vmem>>, %arg2: memref<2000x64xf32, #tpu.memory_space<vmem>>, %arg3: memref<2000x32xf32, #tpu.memory_space<vmem>>, %arg4: memref<2000x32xf32, #tpu.memory_space<vmem>>, %arg5: memref<2000x1xf32, #tpu.memory_space<vmem>>) attributes {dimension_semantics = [#tpu.dimension_semantics<arbitrary>], iteration_bounds = array<i64: 5>, scalar_prefetch = 0 : i64, scratch_operands = 0 : i64, tpu.core_type = #tpu.core_type<tc>, window_params = [{transform_indices = @transform_0, window_bounds = array<i64: 2, 2000, 16>}, {transform_indices = @transform_1, window_bounds = array<i64: 2000, 64>}, {transform_indices = @transform_2, window_bounds = array<i64: 2000, 32>}, {transform_indices = @transform_3, window_bounds = array<i64: 2000, 32>}, {transform_indices = @transform_4, window_bounds = array<i64: 2000, 1>}]} {
    %get3A = arith.constant 0 : index
    %get3A_0 = arith.constant 0 : index
    %get3A_1 = arith.constant 0 : index
    %get3A_2 = vector.load %arg1[%get3A, %get3A_0, %get3A_1] : memref<2x2000x16xf32, #tpu.memory_space<vmem>>, vector<1x2000x1xf32>
    %get3A_3 = vector.shape_cast %get3A_2 : vector<1x2000x1xf32> to vector<2000x1xf32>
    %get3A_4 = arith.constant 1 : index
    %get3A_5 = arith.constant 0 : index
    %get3A_6 = arith.constant 0 : index
    %get3A_7 = vector.load %arg1[%get3A_4, %get3A_5, %get3A_6] : memref<2x2000x16xf32, #tpu.memory_space<vmem>>, vector<1x2000x1xf32>
    %get3A_8 = vector.shape_cast %get3A_7 : vector<1x2000x1xf32> to vector<2000x1xf32>
    %add3A = arith.addf %get3A_3, %get3A_8 : vector<2000x1xf32>
    %add3A_9 = arith.constant 1.000000e+00 : f32
    %add3A_10 = vector.broadcast %add3A_9 : f32 to vector<2000x1xf32>
    %add3A_11 = arith.addf %add3A, %add3A_10 : vector<2000x1xf32>
    %sqrt3A = math.sqrt %add3A_11 : vector<2000x1xf32>
    %div3A = arith.constant 1.000000e+00 : f32
    %div3A_12 = vector.broadcast %div3A : f32 to vector<2000x1xf32>
    %div3A_13 = arith.divf %div3A_12, %sqrt3A : vector<2000x1xf32>
    %swap3A = arith.constant 0 : index
    %swap3A_14 = arith.constant 0 : index
    %swap3A_15 = vector.load %arg5[%swap3A, %swap3A_14] : memref<2000x1xf32, #tpu.memory_space<vmem>>, vector<2000x1xf32>
    tpu.vector_store %arg5[%swap3A, %swap3A_14], %div3A_13 {strides = array<i32>} : memref<2000x1xf32, #tpu.memory_space<vmem>>, vector<2000x1xf32>,
    %get3A_16 = arith.constant 0 : index
    %get3A_17 = arith.constant 0 : index
    %get3A_18 = vector.load %arg2[%get3A_16, %get3A_17] : memref<2000x64xf32, #tpu.memory_space<vmem>>, vector<2000x64xf32>
    %mul3A = vector.broadcast %div3A_13 : vector<2000x1xf32> to vector<2000x64xf32>
    %mul3A_19 = arith.mulf %mul3A, %get3A_18 : vector<2000x64xf32>
    %slice3A = vector.extract_strided_slice %mul3A_19 {offsets = [0, 0], sizes = [2000, 32], strides = [1, 1]} : vector<2000x64xf32> to vector<2000x32xf32>
    %swap3A_20 = arith.constant 0 : index
    %swap3A_21 = arith.constant 0 : index
    %swap3A_22 = vector.load %arg3[%swap3A_20, %swap3A_21] : memref<2000x32xf32, #tpu.memory_space<vmem>>, vector<2000x32xf32>
    tpu.vector_store %arg3[%swap3A_20, %swap3A_21], %slice3A {strides = array<i32>} : memref<2000x32xf32, #tpu.memory_space<vmem>>, vector<2000x32xf32>,
    %slice3A_23 = vector.extract_strided_slice %mul3A_19 {offsets = [0, 32], sizes = [2000, 32], strides = [1, 1]} : vector<2000x64xf32> to vector<2000x32xf32>
    %swap3A_24 = arith.constant 0 : index
    %swap3A_25 = arith.constant 0 : index
    %swap3A_26 = vector.load %arg4[%swap3A_24, %swap3A_25] : memref<2000x32xf32, #tpu.memory_space<vmem>>, vector<2000x32xf32>
    tpu.vector_store %arg4[%swap3A_24, %swap3A_25], %slice3A_23 {strides = array<i32>} : memref<2000x32xf32, #tpu.memory_space<vmem>>, vector<2000x32xf32>,
    return
  }
  func.func @transform_0(%arg0: i32) -> (i32, i32, i32) {
    %c0_i32 = arith.constant 0 : i32
    %c0_i32_0 = arith.constant 0 : i32
    %c0_i32_1 = arith.constant 0 : i32
    return %c0_i32, %arg0, %c0_i32_0 : i32, i32, i32
  }
  func.func @transform_1(%arg0: i32) -> (i32, i32) {
    %c0_i32 = arith.constant 0 : i32
    %c0_i32_0 = arith.constant 0 : i32
    return %arg0, %c0_i32 : i32, i32
  }
  func.func @transform_2(%arg0: i32) -> (i32, i32) {
    %c0_i32 = arith.constant 0 : i32
    %c0_i32_0 = arith.constant 0 : i32
    return %arg0, %c0_i32 : i32, i32
  }
  func.func @transform_3(%arg0: i32) -> (i32, i32) {
    %c0_i32 = arith.constant 0 : i32
    %c0_i32_0 = arith.constant 0 : i32
    return %arg0, %c0_i32 : i32, i32
  }
  func.func @transform_4(%arg0: i32) -> (i32, i32) {
    %c0_i32 = arith.constant 0 : i32
    %c0_i32_0 = arith.constant 0 : i32
    return %arg0, %c0_i32 : i32, i32
  }
}

module attributes {stable_mosaic.version = 14 : i64} {
  func.func @_tc2_body(%arg0: i32, %arg1: memref<2x2000x32xf32, #tpu.memory_space<vmem>>, %arg2: memref<2000x32xf32, #tpu.memory_space<vmem>>, %arg3: memref<2000x32xf32, #tpu.memory_space<vmem>>, %arg4: memref<2000x1xf32, #tpu.memory_space<vmem>>, %arg5: memref<1x64xf32, #tpu.memory_space<vmem>>, %arg6: memref<64x64xf32, #tpu.memory_space<vmem>>, %arg7: memref<2000x32xf32, #tpu.memory_space<vmem>>, %arg8: memref<2000x32xf32, #tpu.memory_space<vmem>>) attributes {dimension_semantics = [#tpu.dimension_semantics<arbitrary>], iteration_bounds = array<i64: 5>, scalar_prefetch = 0 : i64, scratch_operands = 0 : i64, tpu.core_type = #tpu.core_type<tc>, window_params = [{transform_indices = @transform_0, window_bounds = array<i64: 2, 2000, 32>}, {transform_indices = @transform_1, window_bounds = array<i64: 2000, 32>}, {transform_indices = @transform_2, window_bounds = array<i64: 2000, 32>}, {transform_indices = @transform_3, window_bounds = array<i64: 2000, 1>}, {pipeline_mode = #tpu.pipeline_mode<synchronous>, transform_indices = @transform_4, window_bounds = array<i64: 1, 64>}, {pipeline_mode = #tpu.pipeline_mode<synchronous>, transform_indices = @transform_5, window_bounds = array<i64: 64, 64>}, {transform_indices = @transform_6, window_bounds = array<i64: 2000, 32>}, {transform_indices = @transform_7, window_bounds = array<i64: 2000, 32>}]} {
    %get3A = arith.constant 0 : index
    %get3A_0 = arith.constant 0 : index
    %get3A_1 = vector.load %arg4[%get3A, %get3A_0] : memref<2000x1xf32, #tpu.memory_space<vmem>>, vector<2000x1xf32>
    %get3A_2 = arith.constant 0 : index
    %get3A_3 = arith.constant 0 : index
    %get3A_4 = arith.constant 0 : index
    %get3A_5 = vector.load %arg1[%get3A_2, %get3A_3, %get3A_4] : memref<2x2000x32xf32, #tpu.memory_space<vmem>>, vector<1x2000x32xf32>
    %get3A_6 = vector.shape_cast %get3A_5 : vector<1x2000x32xf32> to vector<2000x32xf32>
    %get3A_7 = arith.constant 0 : index
    %get3A_8 = arith.constant 0 : index
    %get3A_9 = vector.load %arg2[%get3A_7, %get3A_8] : memref<2000x32xf32, #tpu.memory_space<vmem>>, vector<2000x32xf32>
    %add3A = arith.addf %get3A_6, %get3A_9 : vector<2000x32xf32>
    %get3A_10 = arith.constant 1 : index
    %get3A_11 = arith.constant 0 : index
    %get3A_12 = arith.constant 0 : index
    %get3A_13 = vector.load %arg1[%get3A_10, %get3A_11, %get3A_12] : memref<2x2000x32xf32, #tpu.memory_space<vmem>>, vector<1x2000x32xf32>
    %get3A_14 = vector.shape_cast %get3A_13 : vector<1x2000x32xf32> to vector<2000x32xf32>
    %get3A_15 = arith.constant 0 : index
    %get3A_16 = arith.constant 0 : index
    %get3A_17 = vector.load %arg3[%get3A_15, %get3A_16] : memref<2000x32xf32, #tpu.memory_space<vmem>>, vector<2000x32xf32>
    %add3A_18 = arith.addf %get3A_14, %get3A_17 : vector<2000x32xf32>
    %concatenate3A = tpu.concatenate %add3A, %add3A_18 in 1 : vector<2000x32xf32>, vector<2000x32xf32> -> vector<2000x64xf32>
    %mul3A = vector.broadcast %get3A_1 : vector<2000x1xf32> to vector<2000x64xf32>
    %mul3A_19 = arith.mulf %mul3A, %concatenate3A : vector<2000x64xf32>
    %get3A_20 = arith.constant 0 : index
    %get3A_21 = arith.constant 0 : index
    %get3A_22 = vector.load %arg5[%get3A_20, %get3A_21] : memref<1x64xf32, #tpu.memory_space<vmem>>, vector<1x64xf32>
    %add3A_23 = vector.broadcast %get3A_22 : vector<1x64xf32> to vector<2000x64xf32>
    %add3A_24 = arith.addf %mul3A_19, %add3A_23 : vector<2000x64xf32>
    %max3A = arith.constant 0.000000e+00 : f32
    %max3A_25 = vector.broadcast %max3A : f32 to vector<2000x64xf32>
    %max3A_26 = arith.maximumf %add3A_24, %max3A_25 : vector<2000x64xf32>
    %get3A_27 = arith.constant 0 : index
    %get3A_28 = arith.constant 0 : index
    %get3A_29 = vector.load %arg6[%get3A_27, %get3A_28] : memref<64x64xf32, #tpu.memory_space<vmem>>, vector<64x64xf32>
    %dot_general3A = arith.constant dense<0.000000e+00> : vector<2000x64xf32>
    %dot_general3A_30 = tpu.matmul %max3A_26, %get3A_29, %dot_general3A {dimension_numbers = #tpu.dot_dimension_numbers<[1], [0], [0], [1], [0, 0, 1, 1], [], []>, transpose_lhs_hint = false} : vector<2000x64xf32>, vector<64x64xf32>, vector<2000x64xf32> -> vector<2000x64xf32>
    %mul3A_31 = vector.broadcast %get3A_1 : vector<2000x1xf32> to vector<2000x64xf32>
    %mul3A_32 = arith.mulf %mul3A_31, %dot_general3A_30 : vector<2000x64xf32>
    %slice3A = vector.extract_strided_slice %mul3A_32 {offsets = [0, 0], sizes = [2000, 32], strides = [1, 1]} : vector<2000x64xf32> to vector<2000x32xf32>
    %swap3A = arith.constant 0 : index
    %swap3A_33 = arith.constant 0 : index
    %swap3A_34 = vector.load %arg7[%swap3A, %swap3A_33] : memref<2000x32xf32, #tpu.memory_space<vmem>>, vector<2000x32xf32>
    tpu.vector_store %arg7[%swap3A, %swap3A_33], %slice3A {strides = array<i32>} : memref<2000x32xf32, #tpu.memory_space<vmem>>, vector<2000x32xf32>,
    %slice3A_35 = vector.extract_strided_slice %mul3A_32 {offsets = [0, 32], sizes = [2000, 32], strides = [1, 1]} : vector<2000x64xf32> to vector<2000x32xf32>
    %swap3A_36 = arith.constant 0 : index
    %swap3A_37 = arith.constant 0 : index
    %swap3A_38 = vector.load %arg8[%swap3A_36, %swap3A_37] : memref<2000x32xf32, #tpu.memory_space<vmem>>, vector<2000x32xf32>
    tpu.vector_store %arg8[%swap3A_36, %swap3A_37], %slice3A_35 {strides = array<i32>} : memref<2000x32xf32, #tpu.memory_space<vmem>>, vector<2000x32xf32>,
    return
  }
  func.func @transform_0(%arg0: i32) -> (i32, i32, i32) {
    %c0_i32 = arith.constant 0 : i32
    %c0_i32_0 = arith.constant 0 : i32
    %c0_i32_1 = arith.constant 0 : i32
    return %c0_i32, %arg0, %c0_i32_0 : i32, i32, i32
  }
  func.func @transform_1(%arg0: i32) -> (i32, i32) {
    %c0_i32 = arith.constant 0 : i32
    %c0_i32_0 = arith.constant 0 : i32
    return %arg0, %c0_i32 : i32, i32
  }
  func.func @transform_2(%arg0: i32) -> (i32, i32) {
    %c0_i32 = arith.constant 0 : i32
    %c0_i32_0 = arith.constant 0 : i32
    return %arg0, %c0_i32 : i32, i32
  }
  func.func @transform_3(%arg0: i32) -> (i32, i32) {
    %c0_i32 = arith.constant 0 : i32
    %c0_i32_0 = arith.constant 0 : i32
    return %arg0, %c0_i32 : i32, i32
  }
  func.func @transform_4(%arg0: i32) -> (i32, i32) {
    %c0_i32 = arith.constant 0 : i32
    %c0_i32_0 = arith.constant 0 : i32
    %c0_i32_1 = arith.constant 0 : i32
    return %c0_i32, %c0_i32_0 : i32, i32
  }
  func.func @transform_5(%arg0: i32) -> (i32, i32) {
    %c0_i32 = arith.constant 0 : i32
    %c0_i32_0 = arith.constant 0 : i32
    %c0_i32_1 = arith.constant 0 : i32
    return %c0_i32, %c0_i32_0 : i32, i32
  }
  func.func @transform_6(%arg0: i32) -> (i32, i32) {
    %c0_i32 = arith.constant 0 : i32
    %c0_i32_0 = arith.constant 0 : i32
    return %arg0, %c0_i32 : i32, i32
  }
  func.func @transform_7(%arg0: i32) -> (i32, i32) {
    %c0_i32 = arith.constant 0 : i32
    %c0_i32_0 = arith.constant 0 : i32
    return %arg0, %c0_i32 : i32, i32
  }
}

module attributes {stable_mosaic.version = 14 : i64} {
  func.func @_tc3_body(%arg0: i32, %arg1: memref<2x2000x32xf32, #tpu.memory_space<vmem>>, %arg2: memref<2000x32xf32, #tpu.memory_space<vmem>>, %arg3: memref<2000x32xf32, #tpu.memory_space<vmem>>, %arg4: memref<2000x1xf32, #tpu.memory_space<vmem>>, %arg5: memref<1x64xf32, #tpu.memory_space<vmem>>, %arg6: memref<2000x1xi32, #tpu.memory_space<vmem>>, %arg7: memref<64x64xf32, #tpu.memory_space<vmem>>, %arg8: memref<1x64xf32, #tpu.memory_space<vmem>>, %arg9: memref<64x32xf32, #tpu.memory_space<vmem>>, %arg10: memref<1x32xf32, #tpu.memory_space<vmem>>, %arg11: memref<64x32xf32, #tpu.memory_space<vmem>>, %arg12: memref<64x64xf32, #tpu.memory_space<vmem>>, %arg13: memref<64x1xf32, #tpu.memory_space<vmem>>) attributes {dimension_semantics = [#tpu.dimension_semantics<arbitrary>], iteration_bounds = array<i64: 5>, scalar_prefetch = 0 : i64, scratch_operands = 2 : i64, tpu.core_type = #tpu.core_type<tc>, window_params = [{transform_indices = @transform_0, window_bounds = array<i64: 2, 2000, 32>}, {transform_indices = @transform_1, window_bounds = array<i64: 2000, 32>}, {transform_indices = @transform_2, window_bounds = array<i64: 2000, 32>}, {transform_indices = @transform_3, window_bounds = array<i64: 2000, 1>}, {pipeline_mode = #tpu.pipeline_mode<synchronous>, transform_indices = @transform_4, window_bounds = array<i64: 1, 64>}, {transform_indices = @transform_5, window_bounds = array<i64: 2000, 1>}, {pipeline_mode = #tpu.pipeline_mode<synchronous>, transform_indices = @transform_6, window_bounds = array<i64: 64, 64>}, {pipeline_mode = #tpu.pipeline_mode<synchronous>, transform_indices = @transform_7, window_bounds = array<i64: 1, 64>}, {pipeline_mode = #tpu.pipeline_mode<synchronous>, transform_indices = @transform_8, window_bounds = array<i64: 64, 32>}, {pipeline_mode = #tpu.pipeline_mode<synchronous>, transform_indices = @transform_9, window_bounds = array<i64: 1, 32>}, {pipeline_mode = #tpu.pipeline_mode<synchronous>, transform_indices = @transform_10, window_bounds = array<i64: 64, 32>}]} {
    %eq3A = arith.constant 0 : i32
    %eq3A_0 = arith.cmpi eq, %arg0, %eq3A : i32
    %convert_element_type3A = arith.extui %eq3A_0 : i1 to i32
    %cond3A = arith.constant 0 : i32
    %cond3A_1 = arith.cmpi ne, %convert_element_type3A, %cond3A : i32
    scf.if %cond3A_1 {
      %broadcast_in_dim3A_56 = arith.constant 0.000000e+00 : f32
      %broadcast_in_dim3A_57 = vector.broadcast %broadcast_in_dim3A_56 : f32 to vector<64x64xf32>
      %swap3A_58 = arith.constant 0 : index
      %swap3A_59 = arith.constant 0 : index
      %swap3A_60 = vector.load %arg12[%swap3A_58, %swap3A_59] : memref<64x64xf32, #tpu.memory_space<vmem>>, vector<64x64xf32>
      tpu.vector_store %arg12[%swap3A_58, %swap3A_59], %broadcast_in_dim3A_57 {strides = array<i32>} : memref<64x64xf32, #tpu.memory_space<vmem>>, vector<64x64xf32>,
      %broadcast_in_dim3A_61 = arith.constant 0.000000e+00 : f32
      %broadcast_in_dim3A_62 = vector.broadcast %broadcast_in_dim3A_61 : f32 to vector<64x1xf32>
      %swap3A_63 = arith.constant 0 : index
      %swap3A_64 = arith.constant 0 : index
      %swap3A_65 = vector.load %arg13[%swap3A_63, %swap3A_64] : memref<64x1xf32, #tpu.memory_space<vmem>>, vector<64x1xf32>
      tpu.vector_store %arg13[%swap3A_63, %swap3A_64], %broadcast_in_dim3A_62 {strides = array<i32>} : memref<64x1xf32, #tpu.memory_space<vmem>>, vector<64x1xf32>,
    } else {
    }
    %get3A = arith.constant 0 : index
    %get3A_2 = arith.constant 0 : index
    %get3A_3 = vector.load %arg4[%get3A, %get3A_2] : memref<2000x1xf32, #tpu.memory_space<vmem>>, vector<2000x1xf32>
    %get3A_4 = arith.constant 0 : index
    %get3A_5 = arith.constant 0 : index
    %get3A_6 = arith.constant 0 : index
    %get3A_7 = vector.load %arg1[%get3A_4, %get3A_5, %get3A_6] : memref<2x2000x32xf32, #tpu.memory_space<vmem>>, vector<1x2000x32xf32>
    %get3A_8 = vector.shape_cast %get3A_7 : vector<1x2000x32xf32> to vector<2000x32xf32>
    %get3A_9 = arith.constant 0 : index
    %get3A_10 = arith.constant 0 : index
    %get3A_11 = vector.load %arg2[%get3A_9, %get3A_10] : memref<2000x32xf32, #tpu.memory_space<vmem>>, vector<2000x32xf32>
    %add3A = arith.addf %get3A_8, %get3A_11 : vector<2000x32xf32>
    %get3A_12 = arith.constant 1 : index
    %get3A_13 = arith.constant 0 : index
    %get3A_14 = arith.constant 0 : index
    %get3A_15 = vector.load %arg1[%get3A_12, %get3A_13, %get3A_14] : memref<2x2000x32xf32, #tpu.memory_space<vmem>>, vector<1x2000x32xf32>
    %get3A_16 = vector.shape_cast %get3A_15 : vector<1x2000x32xf32> to vector<2000x32xf32>
    %get3A_17 = arith.constant 0 : index
    %get3A_18 = arith.constant 0 : index
    %get3A_19 = vector.load %arg3[%get3A_17, %get3A_18] : memref<2000x32xf32, #tpu.memory_space<vmem>>, vector<2000x32xf32>
    %add3A_20 = arith.addf %get3A_16, %get3A_19 : vector<2000x32xf32>
    %concatenate3A = tpu.concatenate %add3A, %add3A_20 in 1 : vector<2000x32xf32>, vector<2000x32xf32> -> vector<2000x64xf32>
    %mul3A = vector.broadcast %get3A_3 : vector<2000x1xf32> to vector<2000x64xf32>
    %mul3A_21 = arith.mulf %mul3A, %concatenate3A : vector<2000x64xf32>
    %get3A_22 = arith.constant 0 : index
    %get3A_23 = arith.constant 0 : index
    %get3A_24 = vector.load %arg5[%get3A_22, %get3A_23] : memref<1x64xf32, #tpu.memory_space<vmem>>, vector<1x64xf32>
    %add3A_25 = vector.broadcast %get3A_24 : vector<1x64xf32> to vector<2000x64xf32>
    %add3A_26 = arith.addf %mul3A_21, %add3A_25 : vector<2000x64xf32>
    %iota3A = tpu.iota {dimensions = array<i32: 1>} : vector<2000x64xi32>
    %get3A_27 = arith.constant 0 : index
    %get3A_28 = arith.constant 0 : index
    %get3A_29 = vector.load %arg6[%get3A_27, %get3A_28] : memref<2000x1xi32, #tpu.memory_space<vmem>>, vector<2000x1xi32>
    %eq3A_30 = vector.broadcast %get3A_29 : vector<2000x1xi32> to vector<2000x64xi32>
    %eq3A_31 = arith.cmpi eq, %eq3A_30, %iota3A : vector<2000x64xi32>
    %convert_element_type3A_32 = arith.extui %eq3A_31 : vector<2000x64xi1> to vector<2000x64xi32>
    %convert_element_type3A_33 = arith.sitofp %convert_element_type3A_32 : vector<2000x64xi32> to vector<2000x64xf32>
    %get3A_34 = arith.constant 0 : index
    %get3A_35 = arith.constant 0 : index
    %get3A_36 = vector.load %arg12[%get3A_34, %get3A_35] : memref<64x64xf32, #tpu.memory_space<vmem>>, vector<64x64xf32>
    %dot_general3A = arith.constant dense<0.000000e+00> : vector<64x64xf32>
    %dot_general3A_37 = tpu.matmul %convert_element_type3A_33, %add3A_26, %dot_general3A {dimension_numbers = #tpu.dot_dimension_numbers<[0], [0], [1], [1], [0, 1, 1, 1], [], []>, transpose_lhs_hint = false} : vector<2000x64xf32>, vector<2000x64xf32>, vector<64x64xf32> -> vector<64x64xf32>
    %add3A_38 = arith.addf %get3A_36, %dot_general3A_37 : vector<64x64xf32>
    %swap3A = arith.constant 0 : index
    %swap3A_39 = arith.constant 0 : index
    %swap3A_40 = vector.load %arg12[%swap3A, %swap3A_39] : memref<64x64xf32, #tpu.memory_space<vmem>>, vector<64x64xf32>
    tpu.vector_store %arg12[%swap3A, %swap3A_39], %add3A_38 {strides = array<i32>} : memref<64x64xf32, #tpu.memory_space<vmem>>, vector<64x64xf32>,
    %get3A_41 = arith.constant 0 : index
    %get3A_42 = arith.constant 0 : index
    %get3A_43 = vector.load %arg13[%get3A_41, %get3A_42] : memref<64x1xf32, #tpu.memory_space<vmem>>, vector<64x1xf32>
    %broadcast_in_dim3A = arith.constant 1.000000e+00 : f32
    %broadcast_in_dim3A_44 = vector.broadcast %broadcast_in_dim3A : f32 to vector<2000x1xf32>
    %dot_general3A_45 = arith.constant dense<0.000000e+00> : vector<64x1xf32>
    %dot_general3A_46 = tpu.matmul %convert_element_type3A_33, %broadcast_in_dim3A_44, %dot_general3A_45 {dimension_numbers = #tpu.dot_dimension_numbers<[0], [0], [1], [1], [0, 1, 1, 1], [], []>, transpose_lhs_hint = false} : vector<2000x64xf32>, vector<2000x1xf32>, vector<64x1xf32> -> vector<64x1xf32>
    %add3A_47 = arith.addf %get3A_43, %dot_general3A_46 : vector<64x1xf32>
    %swap3A_48 = arith.constant 0 : index
    %swap3A_49 = arith.constant 0 : index
    %swap3A_50 = vector.load %arg13[%swap3A_48, %swap3A_49] : memref<64x1xf32, #tpu.memory_space<vmem>>, vector<64x1xf32>
    tpu.vector_store %arg13[%swap3A_48, %swap3A_49], %add3A_47 {strides = array<i32>} : memref<64x1xf32, #tpu.memory_space<vmem>>, vector<64x1xf32>,
    %eq3A_51 = arith.constant 4 : i32
    %eq3A_52 = arith.cmpi eq, %arg0, %eq3A_51 : i32
    %convert_element_type3A_53 = arith.extui %eq3A_52 : i1 to i32
    %cond3A_54 = arith.constant 0 : i32
    %cond3A_55 = arith.cmpi ne, %convert_element_type3A_53, %cond3A_54 : i32
    scf.if %cond3A_55 {
      %get3A_56 = arith.constant 0 : index
      %get3A_57 = arith.constant 0 : index
      %get3A_58 = vector.load %arg12[%get3A_56, %get3A_57] : memref<64x64xf32, #tpu.memory_space<vmem>>, vector<64x64xf32>
      %get3A_59 = arith.constant 0 : index
      %get3A_60 = arith.constant 0 : index
      %get3A_61 = vector.load %arg13[%get3A_59, %get3A_60] : memref<64x1xf32, #tpu.memory_space<vmem>>, vector<64x1xf32>
      %max3A = arith.constant 1.000000e+00 : f32
      %max3A_62 = vector.broadcast %max3A : f32 to vector<64x1xf32>
      %max3A_63 = arith.maximumf %get3A_61, %max3A_62 : vector<64x1xf32>
      %div3A = vector.broadcast %max3A_63 : vector<64x1xf32> to vector<64x64xf32>
      %div3A_64 = arith.divf %get3A_58, %div3A : vector<64x64xf32>
      %get3A_65 = arith.constant 0 : index
      %get3A_66 = arith.constant 0 : index
      %get3A_67 = vector.load %arg7[%get3A_65, %get3A_66] : memref<64x64xf32, #tpu.memory_space<vmem>>, vector<64x64xf32>
      %dot_general3A_68 = arith.constant dense<0.000000e+00> : vector<64x64xf32>
      %dot_general3A_69 = tpu.matmul %div3A_64, %get3A_67, %dot_general3A_68 {dimension_numbers = #tpu.dot_dimension_numbers<[1], [0], [0], [1], [0, 0, 1, 1], [], []>, transpose_lhs_hint = false} : vector<64x64xf32>, vector<64x64xf32>, vector<64x64xf32> -> vector<64x64xf32>
      %get3A_70 = arith.constant 0 : index
      %get3A_71 = arith.constant 0 : index
      %get3A_72 = vector.load %arg8[%get3A_70, %get3A_71] : memref<1x64xf32, #tpu.memory_space<vmem>>, vector<1x64xf32>
      %add3A_73 = vector.broadcast %get3A_72 : vector<1x64xf32> to vector<64x64xf32>
      %add3A_74 = arith.addf %dot_general3A_69, %add3A_73 : vector<64x64xf32>
      %max3A_75 = arith.constant 0.000000e+00 : f32
      %max3A_76 = vector.broadcast %max3A_75 : f32 to vector<64x64xf32>
      %max3A_77 = arith.maximumf %add3A_74, %max3A_76 : vector<64x64xf32>
      %get3A_78 = arith.constant 0 : index
      %get3A_79 = arith.constant 0 : index
      %get3A_80 = vector.load %arg9[%get3A_78, %get3A_79] : memref<64x32xf32, #tpu.memory_space<vmem>>, vector<64x32xf32>
      %dot_general3A_81 = arith.constant dense<0.000000e+00> : vector<64x32xf32>
      %dot_general3A_82 = tpu.matmul %max3A_77, %get3A_80, %dot_general3A_81 {dimension_numbers = #tpu.dot_dimension_numbers<[1], [0], [0], [1], [0, 0, 1, 1], [], []>, transpose_lhs_hint = false} : vector<64x64xf32>, vector<64x32xf32>, vector<64x32xf32> -> vector<64x32xf32>
      %get3A_83 = arith.constant 0 : index
      %get3A_84 = arith.constant 0 : index
      %get3A_85 = vector.load %arg10[%get3A_83, %get3A_84] : memref<1x32xf32, #tpu.memory_space<vmem>>, vector<1x32xf32>
      %add3A_86 = vector.broadcast %get3A_85 : vector<1x32xf32> to vector<64x32xf32>
      %add3A_87 = arith.addf %dot_general3A_82, %add3A_86 : vector<64x32xf32>
      %mul3A_88 = arith.mulf %add3A_87, %add3A_87 : vector<64x32xf32>
      %reduce_sum3A = arith.constant dense<0.000000e+00> : vector<64xf32>
      %reduce_sum3A_89 = vector.multi_reduction <add>, %mul3A_88, %reduce_sum3A [1] : vector<64x32xf32> to vector<64xf32>
      %broadcast_in_dim3A_90 = vector.shape_cast %reduce_sum3A_89 : vector<64xf32> to vector<64x1xf32>
      %sqrt3A = math.sqrt %broadcast_in_dim3A_90 : vector<64x1xf32>
      %max3A_91 = arith.constant 9.99999996E-13 : f32
      %max3A_92 = vector.broadcast %max3A_91 : f32 to vector<64x1xf32>
      %max3A_93 = arith.maximumf %sqrt3A, %max3A_92 : vector<64x1xf32>
      %div3A_94 = vector.broadcast %max3A_93 : vector<64x1xf32> to vector<64x32xf32>
      %div3A_95 = arith.divf %add3A_87, %div3A_94 : vector<64x32xf32>
      %swap3A_96 = arith.constant 0 : index
      %swap3A_97 = arith.constant 0 : index
      %swap3A_98 = vector.load %arg11[%swap3A_96, %swap3A_97] : memref<64x32xf32, #tpu.memory_space<vmem>>, vector<64x32xf32>
      tpu.vector_store %arg11[%swap3A_96, %swap3A_97], %div3A_95 {strides = array<i32>} : memref<64x32xf32, #tpu.memory_space<vmem>>, vector<64x32xf32>,
    } else {
    }
    return
  }
  func.func @transform_0(%arg0: i32) -> (i32, i32, i32) {
    %c0_i32 = arith.constant 0 : i32
    %c0_i32_0 = arith.constant 0 : i32
    %c0_i32_1 = arith.constant 0 : i32
    return %c0_i32, %arg0, %c0_i32_0 : i32, i32, i32
  }
  func.func @transform_1(%arg0: i32) -> (i32, i32) {
    %c0_i32 = arith.constant 0 : i32
    %c0_i32_0 = arith.constant 0 : i32
    return %arg0, %c0_i32 : i32, i32
  }
  func.func @transform_2(%arg0: i32) -> (i32, i32) {
    %c0_i32 = arith.constant 0 : i32
    %c0_i32_0 = arith.constant 0 : i32
    return %arg0, %c0_i32 : i32, i32
  }
  func.func @transform_3(%arg0: i32) -> (i32, i32) {
    %c0_i32 = arith.constant 0 : i32
    %c0_i32_0 = arith.constant 0 : i32
    return %arg0, %c0_i32 : i32, i32
  }
  func.func @transform_4(%arg0: i32) -> (i32, i32) {
    %c0_i32 = arith.constant 0 : i32
    %c0_i32_0 = arith.constant 0 : i32
    %c0_i32_1 = arith.constant 0 : i32
    return %c0_i32, %c0_i32_0 : i32, i32
  }
  func.func @transform_5(%arg0: i32) -> (i32, i32) {
    %c0_i32 = arith.constant 0 : i32
    %c0_i32_0 = arith.constant 0 : i32
    return %arg0, %c0_i32 : i32, i32
  }
  func.func @transform_6(%arg0: i32) -> (i32, i32) {
    %c0_i32 = arith.constant 0 : i32
    %c0_i32_0 = arith.constant 0 : i32
    %c0_i32_1 = arith.constant 0 : i32
    return %c0_i32, %c0_i32_0 : i32, i32
  }
  func.func @transform_7(%arg0: i32) -> (i32, i32) {
    %c0_i32 = arith.constant 0 : i32
    %c0_i32_0 = arith.constant 0 : i32
    %c0_i32_1 = arith.constant 0 : i32
    return %c0_i32, %c0_i32_0 : i32, i32
  }
  func.func @transform_8(%arg0: i32) -> (i32, i32) {
    %c0_i32 = arith.constant 0 : i32
    %c0_i32_0 = arith.constant 0 : i32
    %c0_i32_1 = arith.constant 0 : i32
    return %c0_i32, %c0_i32_0 : i32, i32
  }
  func.func @transform_9(%arg0: i32) -> (i32, i32) {
    %c0_i32 = arith.constant 0 : i32
    %c0_i32_0 = arith.constant 0 : i32
    %c0_i32_1 = arith.constant 0 : i32
    return %c0_i32, %c0_i32_0 : i32, i32
  }
  func.func @transform_10(%arg0: i32) -> (i32, i32) {
    %c0_i32 = arith.constant 0 : i32
    %c0_i32_0 = arith.constant 0 : i32
    %c0_i32_1 = arith.constant 0 : i32
    return %c0_i32, %c0_i32_0 : i32, i32
  }
}

</mosaic_0001>

<sc_bundles>
// kernel: kernel.11.cloned.1.call-start
scs
__scs_entry_jumppad:
0x0: {  	(pc) =	sbr.rel $0x88, $3  }
0x1: {  	(tag) =	ssettag $0x0;
	lr =	simm.s32 $0x1  }
0x2: {  	[smem:$0x3F94] =	sst lr;
	_ =	strace $0xD0000000  }
0x3: {  	_ = 	snop  }
0x4: {  	_ = 	snop  }
0x5: {  	_ = 	snop  }
0x6: {  	_ = 	snop  }
0x7: {  	_ = 	snop  }
__scs_overlays_trampoline_lowered:
0x8: {  	[smem:$0x3FA3] =	sst s0  }
0x9: {  	[smem:$0x3FA4] =	sst s1  }
0xa: {  	[smem:$0x3FA5] =	sst s2  }
0xb: {  	[smem:$0x3FA6] =	sst s3  }
0xc: {  	[smem:$0x3FA7] =	sst s4  }
0xd: {  	[smem:$0x3FA8] =	sst s5  }
0xe: {  	[smem:$0x3FA9] =	sst s6  }
0xf: {  	[smem:$0x3FAA] =	sst s7  }
0x10: {  	[smem:$0x3FAB] =	sst s8  }
0x11: {  	[smem:$0x3FAC] =	sst s9;
	s0 =	simm.s32 @!p0 $0x0  }
0x12: {  	s1 =	sld [smem:$0x3F92];
	s0 =	simm.s32 @p0 $0x1  }
0x13: {  	[smem:$0x3FAD] =	sst s0;
	s0 =	simm.s32 @!p1 $0x0  }
0x14: {  	s2 =	sld [smem:$0x3F91];
	s0 =	simm.s32 @p1 $0x1  }
0x15: {  	[smem:$0x3FAE] =	sst s0;
	s0 =	simm.s32 @!p2 $0x0  }
0x16: {  	s3 =	sld [smem:$0x3FDB];
	s0 =	simm.s32 @p2 $0x1  }
0x17: {  	s4 =	simm.s32 $0x1BF5;
	[smem:$0x3FB0] =	sst s0  }
0x18: {  	s0 =	sld [smem:$0x3F93];
	_ =	swait.ge [sflag:s4], $0x0  }
0x19: {  	s7 =	sld [smem:$0x3F94]  }
0x1a: {  	s8 =	sadd.s32 $0xFFFFE003, lr  }
0x1b: {  	s9 =	sadd.s32 $0xFFFFFEF7, lr;
	s5 =	simm.s32 $0xFFFFFFFF;
	p2 =	slt.u32 s8, $0xFFFFF086  }
0x1c: {  	p1 =	slt.u32 s9, $0xF7A;
	s5 =	simm.s32 @!p2 $0x0  }
0x1d: {  	s5 =	simm.s32 @p1 $0x1;
	p0 =	seq.s32 s7, s2  }
0x1e: {  	s7 =	smul.u32 @!p0 $0xF7A, s2;
	p2 =	seq.s32 @!p0 s5, $0x0  }
0x1f: {  	s9 =	smul.u32 $0xF7A, s1;
	s8 =	simm.s32 @!p0 $0x1BF5;
	p2 =	por !p2, p0  }
0x20: {  	[sflag:s8] =	ssyncset.s32 @!p0 $0xFFFFF086;
	s6 =	sadd.s32 @!p0 s3, s7;
	s7 =	simm.s32 @!p0 $0x108  }
0x21: {  	s3 =	sadd.s32 s3, s9;
	s6 =	sadd.s32 @!p0 $0x88, s6;
	s7 =	simm.s32 @p2 $0x1082  }
0x22: {  	[simem:s7], [sflag:s8] =	dma.local @!p0 [hbm:s6], $0xF7A  }
0x23: {  	s9 =	sor.u32 $0xD0000000, s2;
	s6 =	simm.s32 $0x108;
	_ =	swait.ge @!p0 [sflag:s8], $0x0  }
0x24: {  	s3 =	sadd.s32 $0x88, s3;
	s6 =	simm.s32 @!p1 $0x1082;
	[sflag:s4] =	ssyncset.s32 $0xFFFFF086  }
0x25: {  	[simem:s6], [sflag:s4] =	dma.local [hbm:s3], $0xF7A  }
0x26: {  	[smem:$0x3F94] =	sst s1;
	(tag) =	ssettag s2;
	_ =	strace s9  }
0x27: {  	s1 =	sld [smem:$0x3FA4]  }
0x28: {  	s2 =	sld [smem:$0x3FA5]  }
0x29: {  	s4 =	sld [smem:$0x3FA7]  }
0x2a: {  	p0 =	seq.s32 s5, $0x0;
	s5 =	sld [smem:$0x3FA8]  }
0x2b: {  	s6 =	sld [smem:$0x3FA9]  }
0x2c: {  	s7 =	sld [smem:$0x3FAA]  }
0x2d: {  	s3 =	simm.s32 $0x108;
	s8 =	sld [smem:$0x3FAB]  }
0x2e: {  	s3 =	simm.s32 @!p0 $0x1082;
	s9 =	sld [smem:$0x3FAC]  }
0x2f: {  	lr =	sadd.s32 s0, s3;
	s0 =	sld [smem:$0x3FA3]  }
0x30: {  	s3 =	sld [smem:$0x3FA6]  }
0x31: {  	[smem:$0x3FAF] =	sst s10  }
0x32: {  	s10 =	sld [smem:$0x3FAD];
	_ =	sdelay $0x3  }
0x33: {  	p0 =	seq.s32 s10, $0x1;
	s10 =	sld [smem:$0x3FAF];
	_ =	sdelay $0x3  }
0x34: {  	[smem:$0x3FAF] =	sst s10  }
0x35: {  	s10 =	sld [smem:$0x3FAE];
	_ =	sdelay $0x3  }
0x36: {  	p1 =	seq.s32 s10, $0x1;
	s10 =	sld [smem:$0x3FAF];
	_ =	sdelay $0x3  }
0x37: {  	[smem:$0x3FAF] =	sst s10  }
0x38: {  	s10 =	sld [smem:$0x3FB0]  }
0x39: {  	_ = 	snop;
	(pc) =	sbr.ind lr, $3  }
0x3a: {  	_ = 	snop  }
0x3b: {  	_ = 	snop  }
0x3c: {  	p2 =	seq.s32 s10, $0x1;
	s10 =	sld [smem:$0x3FAF]  }
0x3d: {  	_ =	shalt  }
0x3e: {  	_ =	shalt  }
0x3f: {  	_ =	shalt  }
0x40: {  	_ =	shalt  }
0x41: {  	_ =	shalt  }
0x42: {  	_ =	shalt  }
0x43: {  	_ =	shalt  }
0x44: {  	_ =	shalt  }
0x45: {  	_ =	shalt  }
0x46: {  	_ =	shalt  }
0x47: {  	_ =	shalt  }
0x48: {  	_ =	shalt  }
0x49: {  	_ =	shalt  }
0x4a: {  	_ =	shalt  }
0x4b: {  	_ =	shalt  }
0x4c: {  	_ =	shalt  }
0x4d: {  	_ =	shalt  }
0x4e: {  	_ =	shalt  }
0x4f: {  	_ =	shalt  }
0x50: {  	_ =	shalt  }
0x51: {  	_ =	shalt  }
0x52: {  	_ =	shalt  }
0x53: {  	_ =	shalt  }
0x54: {  	_ =	shalt  }
0x55: {  	_ =	shalt  }
0x56: {  	_ =	shalt  }
0x57: {  	_ =	shalt  }
0x58: {  	_ =	shalt  }
0x59: {  	_ =	shalt  }
0x5a: {  	_ =	shalt  }
0x5b: {  	_ =	shalt  }
0x5c: {  	_ =	shalt  }
0x5d: {  	_ =	shalt  }
0x5e: {  	_ =	shalt  }
0x5f: {  	_ =	shalt  }
0x60: {  	_ =	shalt  }
0x61: {  	_ =	shalt  }
0x62: {  	_ =	shalt  }
0x63: {  	_ =	shalt  }
0x64: {  	_ =	shalt  }
0x65: {  	_ =	shalt  }
0x66: {  	_ =	shalt  }
0x67: {  	_ =	shalt  }
0x68: {  	_ =	shalt  }
0x69: {  	_ =	shalt  }
0x6a: {  	_ =	shalt  }
0x6b: {  	_ =	shalt  }
0x6c: {  	_ =	shalt  }
0x6d: {  	_ =	shalt  }
0x6e: {  	_ =	shalt  }
0x6f: {  	_ =	shalt  }
0x70: {  	_ =	shalt  }
0x71: {  	_ =	shalt  }
0x72: {  	_ =	shalt  }
0x73: {  	_ =	shalt  }
0x74: {  	_ =	shalt  }
0x75: {  	_ =	shalt  }
0x76: {  	_ =	shalt  }
0x77: {  	_ =	shalt  }
0x78: {  	_ =	shalt  }
0x79: {  	_ =	shalt  }
0x7a: {  	_ =	shalt  }
0x7b: {  	_ =	shalt  }
0x7c: {  	_ =	shalt  }
0x7d: {  	_ =	shalt  }
0x7e: {  	_ =	shalt  }
0x7f: {  	_ =	shalt  }
0x80: {  	_ =	shalt  }
0x81: {  	_ =	shalt  }
0x82: {  	_ =	shalt  }
0x83: {  	_ =	shalt  }
0x84: {  	_ =	shalt  }
0x85: {  	_ =	shalt  }
0x86: {  	_ =	shalt  }
0x87: {  	_ =	shalt  }
.Lfunc_end0:
.L_simem_size_0:
called_computation_lowered:
.L_overlay_start_0:
0x88: {  	s2 =	sld [smem:$0x3FD9]  }
0x89: {  	s3 =	sld [smem:$0x3FFE];
	_ =	sdelay $0x1  }
0x8a: {  	s1 =	srdreg.scid  }
0x8b: {  	s0 =	sand.u32 $0x1, s1  }
0x8c: {  	s16 =	sshll.u32 s0, $0xA;
	s2 =	sadd.s32 s3, s2  }
0x8d: {  	s2 =	sadd.s32 s2, s16  }
0x8e: {  	[smem:$0x3FBB] =	sst s2  }
0x8f: {  	_ = 	snop  }
0x90: {  	(tm) =	ssettm $0x1  }
0x91: {  	s17 =	sld [smem:$0x3FFB];
	_ =	sdelay $0x3  }
0x92: {  	_ =	strace s17  }
0x93: {  	s2 =	sld [smem:$0x3FFC];
	_ =	sdelay $0x3  }
0x94: {  	_ =	strace s2  }
0x95: {  	s2 =	sld [smem:$0x3FFD];
	_ =	sdelay $0x3  }
0x96: {  	_ =	strace s2  }
0x97: {  	_ =	strace $0x8FFFFFFF  }
0x98: {  	s18 =	sld [smem:$0x3FDB];
	_ =	sdelay $0x1  }
0x99: {  	s19 =	simm.s32 $_scs_section_size  }
0x9a: {  	s4 =	simm.s32 $_size__tile_overlayer_lowered;
	s5 =	simm.s32 $_tile_overlayer_lowered  }
0x9b: {  	s22 =	simm.s32 $0x1BFF;
	s21 =	sshll.u32 s5, $0x1;
	s2 =	sadd.s32 s19, s18  }
0x9c: {  	s6 =	simm.s32 $0x0;
	s20 =	sshll.u32 s4, $0x1;
	s4 =	sadd.s32 s21, s2  }
0x9d: {  	[timem:s6], [sflag:s22] =	dma.local [hbm:s4], s20  }
0x9e: {  	_ =	swait.ge [sflag:s22], s20  }
0x9f: {  	s3 =	ssub.s32 $0x0, s20;
	[sflag:s22] =	ssyncset.done $0x0  }
0xa0: {  	[sflag:s22] =	ssyncadd.s32 s3;
	_ =	sdelay $0x1  }
0xa1: {  	s23 =	simm.s32 $0x1B8B  }
0xa2: {  	_ =	swait.ge [sflag:s23], $0x1  }
0xa3: {  	[sflag:s23] =	ssyncset.done $0x0  }
0xa4: {  	s25 =	simm.s32 $0x1B8E;
	s24 =	sld [smem:$0x3FFE];
	[sflag:s23] =	ssyncadd.s32 $0xFFFFFFFF  }
0xa5: {  	s26 =	simm.s32 $execute0_lowered;
	[smem:$0x3FD2] =	sst s25  }
0xa6: {  	s4 =	sshll.u32 s26, $0x1;
	_ =	strace $0x80000046;
	[dreg:$0x1] =	wrdreg $0xFFFFFFFF  }
0xa7: {  	s28 =	simm.s32 $_size_execute0_lowered;
	s2 =	sadd.s32 s2, s4;
	[dreg:$0x0] =	wrdreg $0x0  }
0xa8: {  	s4 =	sshll.u32 s28, $0x1;
	[dreg:$0x2] =	wrdreg s2  }
0xa9: {  	[dreg:$0x3] =	wrdreg s4  }
0xaa: {  	[dreg:$0x4] =	wrdreg $0xC0  }
0xab: {  	_ =	task [dreg:s6], $0x5FFFF  }
0xac: {  	[dreg:$0x1] =	wrdreg $0xFFFFFFFF  }
0xad: {  	[dreg:$0x0] =	wrdreg $0x60  }
0xae: {  	[dreg:$0x2] =	wrdreg s24  }
0xaf: {  	[dreg:$0x3] =	wrdreg $0x30000  }
0xb0: {  	[dreg:$0x4] =	wrdreg $0x9  }
0xb1: {  	_ =	task.clear_ibuf [dreg:s6], $0x5FFFF;
	_ =	strace $0x90000046  }
0xb2: {  	s29 =	simm.s32 $0x9;
	_ =	strace $0x80000048  }
0xb3: {  	_ =	swait.ge [sflag:s29], $0x1  }
0xb4: {  	[sflag:s29] =	ssyncadd.s32 $0xFFFFFFFF  }
0xb5: {  	_ =	strace $0x90000048  }
0xb6: {  	_ =	sfence  }
0xb7: {  	s30 =	sld [smem:$0x0];
	_ =	sdelay $0x2  }
0xb8: {  	s31 =	sshll.u32 s1, $0xD;
	s1 =	sshrl.u32 s1, $0x2  }
0xb9: {  	s3 =	sand.u32 $0x4000, s31;
	s1 =	sadd.s32 s1, s30  }
0xba: {  	s0 =	sor.u32 s3, s0;
	s1 =	sshll.u32 s1, $0x11  }
0xbb: {  	s0 =	sor.u32 s1, s0  }
0xbc: {  	s0 =	sadd.s32 $0x8F2B, s0  }
0xbd: {  	[sflag:s0] =	ssyncadd.remote.s32 $0x1  }
0xbe: {  	_ =	sfence.sel $0xFFFF  }
0xbf: {  	[dreg:$0x0] =	wrdreg $0xFFFFFFFF;
	(pc) =	sbr.abs _section_cstart, $3  }
0xc0: {  	[dreg:$0x1] =	wrdreg $0xFFFFFFFF  }
0xc1: {  	_ =	task.clear_ibuf [dreg:s6], $0x2FFFF;
	_ =	strace $0x9FFFFFFF  }
0xc2: {  	(tm) =	ssettm $0x7FFFFFFF  }
0xc3: {  	_ =	shalt  }
tec
execute0_lowered:
.L_overlay_start_1:
0x0: {  	(tag) =	ssettag $0x1  }
0x1: {  	s1 =	srdreg.scid  }
0x2: {  	s0 =	stileid.u32;
	s4 =	rddreg [dreg:$0x0]  }
0x3: {  	s2 =	rddreg [dreg:$0x1];
	s3 =	simm.s32 $0x0;
	s6 =	smul.u32 $0x5000, s0  }
0x4: {  	s12 =	simm.s32 $0x2800;
	s13 =	simm.s32 $0x1;
	s30 =	smul.u32 $0x2800, s0  }
0x5: {  	s5 =	sand.u32 $0x1, s1;
	s1 =	rddreg [dreg:$0x2];
	s9 =	smul.u32 $0xA000, s0  }
0x6: {  	s14 =	simm.s32 $0x80;
	[smem:$0x7FF] =	sst s3;
	s7 =	smul.u32 $0x2800, s5  }
0x7: {  	s15 =	sshll.u32 s0, $0x6;
	s8 =	smul.u32 $0x28000, s5;
	s5 =	ssub.s32 $0x2, s5  }
0x8: {  	_ =	strace $0x80000047;
	s15 =	sor.u32 $0x1C01, s15;
	s10 =	sshrl.u32 s5, $0x1  }
0x9: {  	s31 =	sshrl.u32 s9, $0x2;
	s16 =	sadd.s32 s30, s2;
	s6 =	sadd.s32 s7, s6  }
0xa: {  	s8 =	sadd.s32 s30, s8;
	s10 =	ssub.s32 s5, s10;
	s16 =	sshrl.u32 s16, $0x3  }
0xb: {  	s6 =	sshrl.u32 s6, $0x3;
	s8 =	sshrl.u32 s8, $0x3;
	s7 =	smax.u32 s10, $0x1  }
0xc: {  	s6 =	sadd.s32 s6, s4;
	s8 =	sadd.s32 s8, s4;
	s4 =	sadd.s32 s31, s2  }
0xd: {  	v0 =	vimm.f32 $0.0e+00;
	vm0 =	vcmask $0x300;
	s5 =	sadd.s32 $0x3600, s6;
	s6 =	sadd.s32 $0xD600, s8;
	s8 =	sadd.s32 $0x800, s4  }
0xe: {  	v1 =	vsel vm0, $0x3F800000, v0;
	s9 =	sadd.s32 $0x1000, s4;
	s10 =	sadd.s32 $0x1800, s4;
	s11 =	sadd.s32 $0x2000, s4  }
.LBB2_1:
0xf: {  	s17 =	simm.s32 $0x40;
	s18 =	simm.s32 $0x0  }
.LBB2_2:
0x10: {  	p0 =	sne.s32 s17, $0x1FC0;
	[tilespmem:s18+$0x2800] =	vst v0;
	s18 =	smov.u32 s17;
	s17 =	sadd.s32 $0x40, s17  }
.Ltmp0:
0x11: {  	(pc) =	sbr.rel @p0 .LBB2_2-.Ltmp0, $2  }
0x12: {  	_ =	sdelay $0x2  }
0x13: {  	s18 =	sshra.s32 s18, $0x2  }
0x14: {  	[tilespmem:s18+$0x2800] =	vst v0  }
0x15: {  	[spmem:s4] =	stream.linear.scatter [tilespmem:s12], [sflag:$0x1], $0x800, $0x38;
	[tilespmem:$0x5800] =	vst v63  }
0x16: {  	_ =	swait.ge [sflag:s13], $0x800  }
0x17: {  	[sflag:s13] =	ssyncset.done $0x0  }
0x18: {  	[sflag:s13] =	ssyncadd.s32 $0xFFFFF800  }
0x19: {  	[spmem:s8] =	stream.linear.scatter [tilespmem:s12], [sflag:$0x1], $0x800, $0x38;
	[tilespmem:$0x5800] =	vst v63  }
0x1a: {  	_ =	swait.ge [sflag:s13], $0x800  }
0x1b: {  	[sflag:s13] =	ssyncset.done $0x0  }
0x1c: {  	[sflag:s13] =	ssyncadd.s32 $0xFFFFF800  }
0x1d: {  	[spmem:s9] =	stream.linear.scatter [tilespmem:s12], [sflag:$0x1], $0x800, $0x38;
	[tilespmem:$0x5800] =	vst v63  }
0x1e: {  	_ =	swait.ge [sflag:s13], $0x800  }
0x1f: {  	[sflag:s13] =	ssyncset.done $0x0  }
0x20: {  	[sflag:s13] =	ssyncadd.s32 $0xFFFFF800  }
0x21: {  	[spmem:s10] =	stream.linear.scatter [tilespmem:s12], [sflag:$0x1], $0x800, $0x38;
	[tilespmem:$0x5800] =	vst v63  }
0x22: {  	_ =	swait.ge [sflag:s13], $0x800  }
0x23: {  	[sflag:s13] =	ssyncset.done $0x0  }
0x24: {  	[sflag:s13] =	ssyncadd.s32 $0xFFFFF800  }
0x25: {  	[spmem:s11] =	stream.linear.scatter [tilespmem:s12], [sflag:$0x1], $0x800, $0x38;
	[tilespmem:$0x5800] =	vst v63  }
0x26: {  	_ =	swait.ge [sflag:s13], $0x800  }
0x27: {  	[sflag:s13] =	ssyncset.done $0x0  }
0x28: {  	s17 =	simm.s32 $0x40;
	s18 =	simm.s32 $0x0;
	[sflag:s13] =	ssyncadd.s32 $0xFFFFF800  }
.LBB2_4:
0x29: {  	p0 =	sne.s32 s17, $0x1FC0;
	[tilespmem:s18+$0x2800] =	vst v1;
	s18 =	smov.u32 s17;
	s17 =	sadd.s32 $0x40, s17  }
.Ltmp1:
0x2a: {  	(pc) =	sbr.rel @p0 .LBB2_4-.Ltmp1, $2  }
0x2b: {  	_ =	sdelay $0x2  }
0x2c: {  	s18 =	sshra.s32 s18, $0x2  }
0x2d: {  	[tilespmem:s18+$0x2800] =	vst v1;
	s17 =	simm.s32 $0x0  }
0x2e: {  	[tilespmem:s17], [sflag:$0x1] =	stream.linear.gather [hbm4b:s5+s17], $0x2800, $0x38;
	[tilespmem:$0x5800] =	vst v63  }
0x2f: {  	_ =	swait.ge [sflag:s13], $0x2800  }
0x30: {  	[sflag:s13] =	ssyncset.done $0x0  }
0x31: {  	[sflag:s13] =	ssyncadd.s32 $0xFFFFD800  }
0x32: {  	s31 =	simm.s32 $0x0;
	[bflag:$0x0] =	sbarrier.arrive $0xFFFF  }
0x33: {  	[spmem:s2] =	stream.indirect.scatter.add.f32 [tilespmem:s12], [sflag:$0x1], $0x10, s31, s14, $0xb8;
	[tilespmem:$0x5800] =	vst v63  }
0x34: {  	_ =	swait.ge [sflag:s13], $0x800  }
0x35: {  	s17 =	simm.s32 $0x200;
	[sflag:s13] =	ssyncset.done $0x0  }
.LBB2_6:
0x36: {  	s18 =	sshra.s32 s17, $0x2;
	[sflag:s13] =	ssyncadd.s32 $0xFFFFF800;
	p0 =	sne.s32 s17, $0x9E00  }
0x37: {  	[spmem:s2] =	stream.indirect.scatter.add.f32 [tilespmem:s12], [sflag:$0x1], $0x10, s18, s14, $0xb8;
	[tilespmem:$0x5800] =	vst v63  }
.Ltmp2:
0x38: {  	_ = 	snop;
	(pc) =	sbr.rel @p0 .LBB2_6-.Ltmp2, $4  }
0x39: {  	_ = 	snop  }
0x3a: {  	s17 =	sadd.s32 $0x200, s17  }
0x3b: {  	_ =	swait.ge [sflag:s13], $0x800  }
0x3c: {  	[sflag:s13] =	ssyncset.done $0x0  }
0x3d: {  	s3 =	sadd.s32 $0x1, s3  }
0x3e: {  	[sflag:s13] =	ssyncadd.s32 $0xFFFFF800;
	p0 =	sne.s32 s3, s7  }
.Ltmp3:
0x3f: {  	[bflag:$0x0] =	sbarrier.arrive $0xFFFF;
	(pc) =	sbr.rel @p0 .LBB2_1-.Ltmp3, $4  }
0x40: {  	[hbm:s6], [sflag:s15] =	dma.local [spmem:s16], $0x500  }
0x41: {  	_ =	swait.ge [sflag:s13], $0x500  }
0x42: {  	[sflag:s13] =	ssyncset.done $0x0  }
0x43: {  	[sflag:s13] =	ssyncadd.s32 $0xFFFFFB00  }
0x44: {  	_ =	sfence.sel $0x180000  }
0x45: {  	[bflag:$0x0] =	sbarrier.arrive $0xFFFF  }
0x46: {  	p0 =	sne.s32 s0, $0x0;
	_ =	strace $0x90000047  }
0x47: {  	s0 =	sadd.s32 @!p0 $0x100000, s1;
	[bflag:$0x2] =	sbarrier.arrive $0xFFFF  }
0x48: {  	[sflag:s0] =	ssyncadd.tile.s32 @!p0 $0x1;
	_ =	shalt  }
.Lfunc_end2:
_tile_overlayer_lowered:
.L_overlay_start_2:
0x49: {  	(tag) =	ssettag $0x2  }
0x4a: {  	s0 =	rddreg [dreg:$0x0];
	s2 =	stileid.u32  }
0x4b: {  	s1 =	rddreg [dreg:$0x1];
	p0 =	sne.s32 s2, $0x0  }
0x4c: {  	s3 =	rddreg [dreg:$0x2];
	[bflag:$0x3] =	sbarrier.arrive $0xFFFF;
	s2 =	simm.s32 @!p0 $0x1C01  }
0x4d: {  	[timem:s3], [sflag:s2] =	dma.local @!p0 [hbm:s0], s1  }
0x4e: {  	s0 =	simm.s32 @!p0 $0x1  }
0x4f: {  	_ =	swait.ge @!p0 [sflag:s0], s1  }
0x50: {  	s1 =	ssub.s32 @!p0 $0x0, s1;
	[sflag:s0] =	ssyncset.done @!p0 $0x0  }
0x51: {  	[sflag:s0] =	ssyncadd.s32 @!p0 s1  }
0x52: {  	[bflag:$0x3] =	sbarrier.arrive $0xFFFF  }
0x53: {  	_ =	shalt  }

// kernel: kernel.14.cloned.1.call-start
scs
__scs_entry_jumppad:
0x0: {  	(pc) =	sbr.rel $0x88, $3  }
0x1: {  	(tag) =	ssettag $0x0;
	lr =	simm.s32 $0x1  }
0x2: {  	[smem:$0x3F94] =	sst lr;
	_ =	strace $0xD0000000  }
0x3: {  	_ = 	snop  }
0x4: {  	_ = 	snop  }
0x5: {  	_ = 	snop  }
0x6: {  	_ = 	snop  }
0x7: {  	_ = 	snop  }
__scs_overlays_trampoline_lowered:
0x8: {  	[smem:$0x3FA3] =	sst s0  }
0x9: {  	[smem:$0x3FA4] =	sst s1  }
0xa: {  	[smem:$0x3FA5] =	sst s2  }
0xb: {  	[smem:$0x3FA6] =	sst s3  }
0xc: {  	[smem:$0x3FA7] =	sst s4  }
0xd: {  	[smem:$0x3FA8] =	sst s5  }
0xe: {  	[smem:$0x3FA9] =	sst s6  }
0xf: {  	[smem:$0x3FAA] =	sst s7  }
0x10: {  	[smem:$0x3FAB] =	sst s8  }
0x11: {  	[smem:$0x3FAC] =	sst s9;
	s0 =	simm.s32 @!p0 $0x0  }
0x12: {  	s1 =	sld [smem:$0x3F92];
	s0 =	simm.s32 @p0 $0x1  }
0x13: {  	[smem:$0x3FAD] =	sst s0;
	s0 =	simm.s32 @!p1 $0x0  }
0x14: {  	s2 =	sld [smem:$0x3F91];
	s0 =	simm.s32 @p1 $0x1  }
0x15: {  	[smem:$0x3FAE] =	sst s0;
	s0 =	simm.s32 @!p2 $0x0  }
0x16: {  	s3 =	sld [smem:$0x3FDB];
	s0 =	simm.s32 @p2 $0x1  }
0x17: {  	s4 =	simm.s32 $0x1BF5;
	[smem:$0x3FB0] =	sst s0  }
0x18: {  	s0 =	sld [smem:$0x3F93];
	_ =	swait.ge [sflag:s4], $0x0  }
0x19: {  	s7 =	sld [smem:$0x3F94]  }
0x1a: {  	s8 =	sadd.s32 $0xFFFFE003, lr  }
0x1b: {  	s9 =	sadd.s32 $0xFFFFFEF7, lr;
	s5 =	simm.s32 $0xFFFFFFFF;
	p2 =	slt.u32 s8, $0xFFFFF086  }
0x1c: {  	p1 =	slt.u32 s9, $0xF7A;
	s5 =	simm.s32 @!p2 $0x0  }
0x1d: {  	s5 =	simm.s32 @p1 $0x1;
	p0 =	seq.s32 s7, s2  }
0x1e: {  	s7 =	smul.u32 @!p0 $0xF7A, s2;
	p2 =	seq.s32 @!p0 s5, $0x0  }
0x1f: {  	s9 =	smul.u32 $0xF7A, s1;
	s8 =	simm.s32 @!p0 $0x1BF5;
	p2 =	por !p2, p0  }
0x20: {  	[sflag:s8] =	ssyncset.s32 @!p0 $0xFFFFF086;
	s6 =	sadd.s32 @!p0 s3, s7;
	s7 =	simm.s32 @!p0 $0x108  }
0x21: {  	s3 =	sadd.s32 s3, s9;
	s6 =	sadd.s32 @!p0 $0x88, s6;
	s7 =	simm.s32 @p2 $0x1082  }
0x22: {  	[simem:s7], [sflag:s8] =	dma.local @!p0 [hbm:s6], $0xF7A  }
0x23: {  	s9 =	sor.u32 $0xD0000000, s2;
	s6 =	simm.s32 $0x108;
	_ =	swait.ge @!p0 [sflag:s8], $0x0  }
0x24: {  	s3 =	sadd.s32 $0x88, s3;
	s6 =	simm.s32 @!p1 $0x1082;
	[sflag:s4] =	ssyncset.s32 $0xFFFFF086  }
0x25: {  	[simem:s6], [sflag:s4] =	dma.local [hbm:s3], $0xF7A  }
0x26: {  	[smem:$0x3F94] =	sst s1;
	(tag) =	ssettag s2;
	_ =	strace s9  }
0x27: {  	s1 =	sld [smem:$0x3FA4]  }
0x28: {  	s2 =	sld [smem:$0x3FA5]  }
0x29: {  	s4 =	sld [smem:$0x3FA7]  }
0x2a: {  	p0 =	seq.s32 s5, $0x0;
	s5 =	sld [smem:$0x3FA8]  }
0x2b: {  	s6 =	sld [smem:$0x3FA9]  }
0x2c: {  	s7 =	sld [smem:$0x3FAA]  }
0x2d: {  	s3 =	simm.s32 $0x108;
	s8 =	sld [smem:$0x3FAB]  }
0x2e: {  	s3 =	simm.s32 @!p0 $0x1082;
	s9 =	sld [smem:$0x3FAC]  }
0x2f: {  	lr =	sadd.s32 s0, s3;
	s0 =	sld [smem:$0x3FA3]  }
0x30: {  	s3 =	sld [smem:$0x3FA6]  }
0x31: {  	[smem:$0x3FAF] =	sst s10  }
0x32: {  	s10 =	sld [smem:$0x3FAD];
	_ =	sdelay $0x3  }
0x33: {  	p0 =	seq.s32 s10, $0x1;
	s10 =	sld [smem:$0x3FAF];
	_ =	sdelay $0x3  }
0x34: {  	[smem:$0x3FAF] =	sst s10  }
0x35: {  	s10 =	sld [smem:$0x3FAE];
	_ =	sdelay $0x3  }
0x36: {  	p1 =	seq.s32 s10, $0x1;
	s10 =	sld [smem:$0x3FAF];
	_ =	sdelay $0x3  }
0x37: {  	[smem:$0x3FAF] =	sst s10  }
0x38: {  	s10 =	sld [smem:$0x3FB0]  }
0x39: {  	_ = 	snop;
	(pc) =	sbr.ind lr, $3  }
0x3a: {  	_ = 	snop  }
0x3b: {  	_ = 	snop  }
0x3c: {  	p2 =	seq.s32 s10, $0x1;
	s10 =	sld [smem:$0x3FAF]  }
0x3d: {  	_ =	shalt  }
0x3e: {  	_ =	shalt  }
0x3f: {  	_ =	shalt  }
0x40: {  	_ =	shalt  }
0x41: {  	_ =	shalt  }
0x42: {  	_ =	shalt  }
0x43: {  	_ =	shalt  }
0x44: {  	_ =	shalt  }
0x45: {  	_ =	shalt  }
0x46: {  	_ =	shalt  }
0x47: {  	_ =	shalt  }
0x48: {  	_ =	shalt  }
0x49: {  	_ =	shalt  }
0x4a: {  	_ =	shalt  }
0x4b: {  	_ =	shalt  }
0x4c: {  	_ =	shalt  }
0x4d: {  	_ =	shalt  }
0x4e: {  	_ =	shalt  }
0x4f: {  	_ =	shalt  }
0x50: {  	_ =	shalt  }
0x51: {  	_ =	shalt  }
0x52: {  	_ =	shalt  }
0x53: {  	_ =	shalt  }
0x54: {  	_ =	shalt  }
0x55: {  	_ =	shalt  }
0x56: {  	_ =	shalt  }
0x57: {  	_ =	shalt  }
0x58: {  	_ =	shalt  }
0x59: {  	_ =	shalt  }
0x5a: {  	_ =	shalt  }
0x5b: {  	_ =	shalt  }
0x5c: {  	_ =	shalt  }
0x5d: {  	_ =	shalt  }
0x5e: {  	_ =	shalt  }
0x5f: {  	_ =	shalt  }
0x60: {  	_ =	shalt  }
0x61: {  	_ =	shalt  }
0x62: {  	_ =	shalt  }
0x63: {  	_ =	shalt  }
0x64: {  	_ =	shalt  }
0x65: {  	_ =	shalt  }
0x66: {  	_ =	shalt  }
0x67: {  	_ =	shalt  }
0x68: {  	_ =	shalt  }
0x69: {  	_ =	shalt  }
0x6a: {  	_ =	shalt  }
0x6b: {  	_ =	shalt  }
0x6c: {  	_ =	shalt  }
0x6d: {  	_ =	shalt  }
0x6e: {  	_ =	shalt  }
0x6f: {  	_ =	shalt  }
0x70: {  	_ =	shalt  }
0x71: {  	_ =	shalt  }
0x72: {  	_ =	shalt  }
0x73: {  	_ =	shalt  }
0x74: {  	_ =	shalt  }
0x75: {  	_ =	shalt  }
0x76: {  	_ =	shalt  }
0x77: {  	_ =	shalt  }
0x78: {  	_ =	shalt  }
0x79: {  	_ =	shalt  }
0x7a: {  	_ =	shalt  }
0x7b: {  	_ =	shalt  }
0x7c: {  	_ =	shalt  }
0x7d: {  	_ =	shalt  }
0x7e: {  	_ =	shalt  }
0x7f: {  	_ =	shalt  }
0x80: {  	_ =	shalt  }
0x81: {  	_ =	shalt  }
0x82: {  	_ =	shalt  }
0x83: {  	_ =	shalt  }
0x84: {  	_ =	shalt  }
0x85: {  	_ =	shalt  }
0x86: {  	_ =	shalt  }
0x87: {  	_ =	shalt  }
.Lfunc_end0:
.L_simem_size_0:
called_computation.1_lowered:
.L_overlay_start_0:
0x88: {  	s2 =	sld [smem:$0x3FD9]  }
0x89: {  	s3 =	sld [smem:$0x3FFE];
	_ =	sdelay $0x1  }
0x8a: {  	s1 =	srdreg.scid  }
0x8b: {  	s0 =	sand.u32 $0x1, s1  }
0x8c: {  	s16 =	sshll.u32 s0, $0xA;
	s2 =	sadd.s32 s3, s2  }
0x8d: {  	s2 =	sadd.s32 s2, s16  }
0x8e: {  	[smem:$0x3FBB] =	sst s2  }
0x8f: {  	_ = 	snop  }
0x90: {  	(tm) =	ssettm $0x1  }
0x91: {  	s17 =	sld [smem:$0x3FFB];
	_ =	sdelay $0x3  }
0x92: {  	_ =	strace s17  }
0x93: {  	s2 =	sld [smem:$0x3FFC];
	_ =	sdelay $0x3  }
0x94: {  	_ =	strace s2  }
0x95: {  	s2 =	sld [smem:$0x3FFD];
	_ =	sdelay $0x3  }
0x96: {  	_ =	strace s2  }
0x97: {  	_ =	strace $0x8FFFFFFF  }
0x98: {  	s18 =	sld [smem:$0x3FDB];
	_ =	sdelay $0x1  }
0x99: {  	s19 =	simm.s32 $_scs_section_size  }
0x9a: {  	s4 =	simm.s32 $_size__tile_overlayer_lowered;
	s5 =	simm.s32 $_tile_overlayer_lowered  }
0x9b: {  	s22 =	simm.s32 $0x1BFF;
	s21 =	sshll.u32 s5, $0x1;
	s2 =	sadd.s32 s19, s18  }
0x9c: {  	s6 =	simm.s32 $0x0;
	s20 =	sshll.u32 s4, $0x1;
	s4 =	sadd.s32 s21, s2  }
0x9d: {  	[timem:s6], [sflag:s22] =	dma.local [hbm:s4], s20  }
0x9e: {  	_ =	swait.ge [sflag:s22], s20  }
0x9f: {  	s3 =	ssub.s32 $0x0, s20;
	[sflag:s22] =	ssyncset.done $0x0  }
0xa0: {  	[sflag:s22] =	ssyncadd.s32 s3;
	_ =	sdelay $0x1  }
0xa1: {  	s23 =	simm.s32 $0x1B8B  }
0xa2: {  	_ =	swait.ge [sflag:s23], $0x1  }
0xa3: {  	[sflag:s23] =	ssyncset.done $0x0  }
0xa4: {  	s25 =	simm.s32 $0x1B8E;
	s24 =	sld [smem:$0x3FFE];
	[sflag:s23] =	ssyncadd.s32 $0xFFFFFFFF  }
0xa5: {  	s26 =	simm.s32 $execute0_lowered;
	[smem:$0x3FD2] =	sst s25  }
0xa6: {  	s4 =	sshll.u32 s26, $0x1;
	_ =	strace $0x80000049;
	[dreg:$0x1] =	wrdreg $0xFFFFFFFF  }
0xa7: {  	s28 =	simm.s32 $_size_execute0_lowered;
	s2 =	sadd.s32 s2, s4;
	[dreg:$0x0] =	wrdreg $0x0  }
0xa8: {  	s4 =	sshll.u32 s28, $0x1;
	[dreg:$0x2] =	wrdreg s2  }
0xa9: {  	[dreg:$0x3] =	wrdreg s4  }
0xaa: {  	[dreg:$0x4] =	wrdreg $0xC0  }
0xab: {  	_ =	task [dreg:s6], $0x5FFFF  }
0xac: {  	[dreg:$0x1] =	wrdreg $0xFFFFFFFF  }
0xad: {  	[dreg:$0x0] =	wrdreg $0x60  }
0xae: {  	[dreg:$0x2] =	wrdreg s24  }
0xaf: {  	[dreg:$0x3] =	wrdreg $0xFE200  }
0xb0: {  	[dreg:$0x4] =	wrdreg $0xB0000  }
0xb1: {  	[dreg:$0x5] =	wrdreg $0x9  }
0xb2: {  	_ =	task.clear_ibuf [dreg:s6], $0x6FFFF;
	_ =	strace $0x90000049  }
0xb3: {  	s29 =	simm.s32 $0x9;
	_ =	strace $0x8000004B  }
0xb4: {  	_ =	swait.ge [sflag:s29], $0x1  }
0xb5: {  	[sflag:s29] =	ssyncadd.s32 $0xFFFFFFFF  }
0xb6: {  	_ =	strace $0x9000004B  }
0xb7: {  	_ =	sfence  }
0xb8: {  	s30 =	sld [smem:$0x0];
	_ =	sdelay $0x2  }
0xb9: {  	s31 =	sshll.u32 s1, $0xD;
	s1 =	sshrl.u32 s1, $0x2  }
0xba: {  	s3 =	sand.u32 $0x4000, s31;
	s1 =	sadd.s32 s1, s30  }
0xbb: {  	s0 =	sor.u32 s3, s0;
	s1 =	sshll.u32 s1, $0x11  }
0xbc: {  	s0 =	sor.u32 s1, s0  }
0xbd: {  	s0 =	sadd.s32 $0x8F2B, s0  }
0xbe: {  	[sflag:s0] =	ssyncadd.remote.s32 $0x1  }
0xbf: {  	_ =	sfence.sel $0xFFFF  }
0xc0: {  	[dreg:$0x0] =	wrdreg $0xFFFFFFFF;
	(pc) =	sbr.abs _section_cstart, $3  }
0xc1: {  	[dreg:$0x1] =	wrdreg $0xFFFFFFFF  }
0xc2: {  	_ =	task.clear_ibuf [dreg:s6], $0x2FFFF;
	_ =	strace $0x9FFFFFFF  }
0xc3: {  	(tm) =	ssettm $0x7FFFFFFF  }
tec
execute0_lowered:
.L_overlay_start_1:
0x0: {  	(tag) =	ssettag $0x1  }
0x1: {  	s11 =	rddreg [dreg:$0x0]  }
0x2: {  	s2 =	rddreg [dreg:$0x1]  }
0x3: {  	s3 =	rddreg [dreg:$0x2]  }
0x4: {  	s0 =	rddreg [dreg:$0x3]  }
0x5: {  	s1 =	stileid.u32;
	s5 =	srdreg.scid;
	s4 =	simm.s32 $0x0  }
0x6: {  	s20 =	simm.s32 $0xA000;
	s21 =	simm.s32 $0x1;
	s15 =	smul.u32 $0x5000, s1  }
0x7: {  	s22 =	simm.s32 $0x5000;
	s23 =	simm.s32 $0x80;
	s6 =	smul.u32 $0xA00, s1  }
0x8: {  	s7 =	sand.u32 $0x1, s5;
	[smem:$0x7FF] =	sst s4;
	s29 =	smul.u32 $0x14000, s1  }
0x9: {  	s8 =	smul.u32 $0x50000, s7;
	_ =	strace $0x8000004A;
	s31 =	ssub.s32 $0x2, s7  }
0xa: {  	p3 =	seq.s32 s7, $0x1;
	s28 =	sshrl.u32 s15, $0x3;
	s13 =	sadd.s32 s6, s11  }
0xb: {  	s9 =	sshrl.u32 s31, $0x1;
	s5 =	sshrl.u32 s29, $0x2;
	s24 =	sadd.s32 s15, s2  }
0xc: {  	p1 =	seq.s32 @p3 s1, $0xF;
	p4 =	seq.s32 @!p3 s1, $0xF;
	s10 =	sadd.s32 s28, s11  }
0xd: {  	s30 =	sadd.s32 s15, s8;
	s16 =	ssub.s32 s31, s9;
	s5 =	sadd.s32 s5, s2  }
0xe: {  	s8 =	sadd.s32 $0x4B000, s3;
	s9 =	sadd.s32 $0x51E00, s11;
	s12 =	sadd.s32 $0x17600, s13  }
0xf: {  	s13 =	sadd.s32 $0x3600, s13;
	p0 =	por !p1, !p3;
	p1 =	por p1, !p3  }
0x10: {  	p2 =	por !p4, p3;
	p3 =	por p4, p3;
	s24 =	sshrl.u32 s24, $0x3  }
0x11: {  	s6 =	sshrl.u32 s30, $0x3;
	s7 =	sadd.s32 $0x48800, s10;
	s10 =	sadd.s32 $0xD600, s10  }
0x12: {  	s17 =	sadd.s32 $0x2000, s5;
	s18 =	sadd.s32 $0x3000, s5;
	s19 =	sadd.s32 $0x4000, s5  }
0x13: {  	s14 =	sadd.s32 s6, s11;
	s6 =	sadd.s32 s15, s3;
	s11 =	sadd.s32 $0x16C00, s11  }
0x14: {  	v0 =	vimm.f32 $0.0e+00;
	s15 =	smax.u32 s16, $0x1;
	s16 =	sadd.s32 $0x1000, s5;
	s14 =	sadd.s32 $0x52600, s14  }
.LBB2_1:
0x15: {  	s25 =	simm.s32 $0x80;
	s26 =	simm.s32 $0x0  }
.LBB2_2:
0x16: {  	p4 =	sne.s32 s25, $0x3F80;
	[tilespmem:s26+$0xA000] =	vst v0;
	s28 =	smov.u32 s25;
	s25 =	sadd.s32 $0x80, s25  }
.Ltmp0:
0x17: {  	[tilespmem:s26+$0xA010] =	vst v0;
	(pc) =	sbr.rel @p4 .LBB2_2-.Ltmp0, $2  }
0x18: {  	_ =	sdelay $0x2  }
0x19: {  	s26 =	sshra.s32 s28, $0x2  }
0x1a: {  	[tilespmem:s26+$0xA000] =	vst v0  }
0x1b: {  	[tilespmem:s26+$0xA010] =	vst v0  }
0x1c: {  	[spmem:s5] =	stream.linear.scatter [tilespmem:s20], [sflag:$0x1], $0x1000, $0x38;
	[tilespmem:$0x14E20] =	vst v63  }
0x1d: {  	_ =	swait.ge [sflag:s21], $0x1000  }
0x1e: {  	[sflag:s21] =	ssyncset.done $0x0  }
0x1f: {  	[sflag:s21] =	ssyncadd.s32 $0xFFFFF000  }
0x20: {  	[spmem:s16] =	stream.linear.scatter [tilespmem:s20], [sflag:$0x1], $0x1000, $0x38;
	[tilespmem:$0x14E20] =	vst v63  }
0x21: {  	_ =	swait.ge [sflag:s21], $0x1000  }
0x22: {  	[sflag:s21] =	ssyncset.done $0x0  }
0x23: {  	[sflag:s21] =	ssyncadd.s32 $0xFFFFF000  }
0x24: {  	[spmem:s17] =	stream.linear.scatter [tilespmem:s20], [sflag:$0x1], $0x1000, $0x38;
	[tilespmem:$0x14E20] =	vst v63  }
0x25: {  	_ =	swait.ge [sflag:s21], $0x1000  }
0x26: {  	[sflag:s21] =	ssyncset.done $0x0  }
0x27: {  	[sflag:s21] =	ssyncadd.s32 $0xFFFFF000  }
0x28: {  	[spmem:s18] =	stream.linear.scatter [tilespmem:s20], [sflag:$0x1], $0x1000, $0x38;
	[tilespmem:$0x14E20] =	vst v63  }
0x29: {  	_ =	swait.ge [sflag:s21], $0x1000  }
0x2a: {  	[sflag:s21] =	ssyncset.done $0x0  }
0x2b: {  	[sflag:s21] =	ssyncadd.s32 $0xFFFFF000  }
0x2c: {  	[spmem:s19] =	stream.linear.scatter [tilespmem:s20], [sflag:$0x1], $0x1000, $0x38;
	[tilespmem:$0x14E20] =	vst v63  }
0x2d: {  	_ =	swait.ge [sflag:s21], $0x1000  }
0x2e: {  	[sflag:s21] =	ssyncset.done $0x0  }
0x2f: {  	s25 =	sshrl.u32 @!p0 s8, $0x3;
	s26 =	simm.s32 @!p0 $0x1FC1;
	[sflag:s21] =	ssyncadd.s32 $0xFFFFF000  }
0x30: {  	[spmem:s25], [sflag:s26] =	dma.local @!p0 [hbm:s11], $0x640  }
0x31: {  	s25 =	simm.s32 @!p0 $0x1  }
0x32: {  	_ =	swait.ge @!p0 [sflag:s25], $0x640  }
0x33: {  	s26 =	sshll.u32 @!p1 s1, $0x6;
	[sflag:s25] =	ssyncset.done @!p0 $0x0  }
0x34: {  	[sflag:s25] =	ssyncadd.s32 @!p0 $0xFFFFF9C0;
	s25 =	sor.u32 @!p1 $0x1C01, s26;
	s26 =	sshrl.u32 @!p1 s6, $0x3  }
0x35: {  	[spmem:s26], [sflag:s25] =	dma.local @!p1 [hbm:s10], $0xA00  }
0x36: {  	s25 =	simm.s32 @!p1 $0x1  }
0x37: {  	_ =	swait.ge @!p1 [sflag:s25], $0xA00  }
0x38: {  	[sflag:s25] =	ssyncset.done @!p1 $0x0  }
0x39: {  	s26 =	simm.s32 @!p2 $0x1FC1;
	[sflag:s25] =	ssyncadd.s32 @!p1 $0xFFFFF600;
	s25 =	sshrl.u32 @!p2 s8, $0x3  }
0x3a: {  	[spmem:s25], [sflag:s26] =	dma.local @!p2 [hbm:s9], $0x640  }
0x3b: {  	s25 =	simm.s32 @!p2 $0x1  }
0x3c: {  	_ =	swait.ge @!p2 [sflag:s25], $0x640  }
0x3d: {  	s26 =	sshll.u32 @!p3 s1, $0x6;
	[sflag:s25] =	ssyncset.done @!p2 $0x0  }
0x3e: {  	[sflag:s25] =	ssyncadd.s32 @!p2 $0xFFFFF9C0;
	s25 =	sor.u32 @!p3 $0x1C01, s26;
	s26 =	sshrl.u32 @!p3 s6, $0x3  }
0x3f: {  	[spmem:s26], [sflag:s25] =	dma.local @!p3 [hbm:s7], $0xA00  }
0x40: {  	s25 =	simm.s32 @!p3 $0x1  }
0x41: {  	_ =	swait.ge @!p3 [sflag:s25], $0xA00  }
0x42: {  	[sflag:s25] =	ssyncset.done @!p3 $0x0  }
0x43: {  	s29 =	simm.s32 $0x0;
	[sflag:s25] =	ssyncadd.s32 @!p3 $0xFFFFF600  }
0x44: {  	[tilespmem:s29], [sflag:$0x1] =	stream.linear.gather [hbm4b:s12+s29], $0x5000, $0x38;
	[tilespmem:$0x14E20] =	vst v63  }
0x45: {  	_ =	swait.ge [sflag:s21], $0x5000  }
0x46: {  	[sflag:s21] =	ssyncset.done $0x0  }
0x47: {  	[sflag:s21] =	ssyncadd.s32 $0xFFFFB000  }
0x48: {  	[tilespmem:s22], [sflag:$0x1] =	stream.linear.gather [hbm4b:s13+s29], $0x5000, $0x38;
	[tilespmem:$0x14E20] =	vst v63  }
0x49: {  	_ =	swait.ge [sflag:s21], $0x5000  }
0x4a: {  	[sflag:s21] =	ssyncset.done $0x0  }
0x4b: {  	[sflag:s21] =	ssyncadd.s32 $0xFFFFB000  }
0x4c: {  	s30 =	simm.s32 $0x0;
	[bflag:$0x0] =	sbarrier.arrive $0xFFFF  }
0x4d: {  	[tilespmem:s20], [sflag:$0x1] =	stream.indirect.gather [spmem:s3], $0x20, s30, s23, $0xb8;
	[tilespmem:$0x14E20] =	vst v63  }
0x4e: {  	_ =	swait.ge [sflag:s21], $0x1000  }
0x4f: {  	[sflag:s21] =	ssyncset.done $0x0  }
0x50: {  	s31 =	simm.s32 $0x5000;
	[sflag:s21] =	ssyncadd.s32 $0xFFFFF000  }
0x51: {  	[spmem:s2] =	stream.indirect.scatter.add.f32 [tilespmem:s20], [sflag:$0x1], $0x20, s31, s23, $0xb8;
	[tilespmem:$0x14E20] =	vst v63  }
0x52: {  	_ =	swait.ge [sflag:s21], $0x1000  }
0x53: {  	s26 =	simm.s32 $0x400;
	s25 =	simm.s32 $0x200;
	[sflag:s21] =	ssyncset.done $0x0  }
.LBB2_4:
0x54: {  	s28 =	sshra.s32 s25, $0x2  }
0x55: {  	[sflag:s21] =	ssyncadd.s32 $0xFFFFF000;
	s25 =	smov.u32 s26;
	s29 =	sadd.s32 $0x200, s26  }
0x56: {  	[tilespmem:s20], [sflag:$0x1] =	stream.indirect.gather [spmem:s3], $0x20, s28, s23, $0xb8;
	[tilespmem:$0x14E20] =	vst v63  }
0x57: {  	p4 =	sne.s32 s26, $0x13E00;
	_ =	swait.ge [sflag:s21], $0x1000  }
.Ltmp1:
0x58: {  	[sflag:s21] =	ssyncset.done $0x0;
	(pc) =	sbr.rel @p4 .LBB2_4-.Ltmp1, $4  }
0x59: {  	s26 =	sadd.s32 $0x5000, s28;
	[sflag:s21] =	ssyncadd.s32 $0xFFFFF000  }
0x5a: {  	[spmem:s2] =	stream.indirect.scatter.add.f32 [tilespmem:s20], [sflag:$0x1], $0x20, s26, s23, $0xb8;
	[tilespmem:$0x14E20] =	vst v63  }
0x5b: {  	_ =	swait.ge [sflag:s21], $0x1000  }
0x5c: {  	s26 =	smov.u32 s29;
	[sflag:s21] =	ssyncset.done $0x0  }
0x5d: {  	s25 =	sshra.s32 s25, $0x2;
	[sflag:s21] =	ssyncadd.s32 $0xFFFFF000  }
0x5e: {  	[tilespmem:s20], [sflag:$0x1] =	stream.indirect.gather [spmem:s3], $0x20, s25, s23, $0xb8;
	[tilespmem:$0x14E20] =	vst v63  }
0x5f: {  	_ =	swait.ge [sflag:s21], $0x1000  }
0x60: {  	[sflag:s21] =	ssyncset.done $0x0  }
0x61: {  	s25 =	sadd.s32 $0x5000, s25;
	[sflag:s21] =	ssyncadd.s32 $0xFFFFF000  }
0x62: {  	[spmem:s2] =	stream.indirect.scatter.add.f32 [tilespmem:s20], [sflag:$0x1], $0x20, s25, s23, $0xb8;
	[tilespmem:$0x14E20] =	vst v63  }
0x63: {  	_ =	swait.ge [sflag:s21], $0x1000  }
0x64: {  	s4 =	sadd.s32 $0x1, s4;
	[sflag:s21] =	ssyncset.done $0x0  }
0x65: {  	s31 =	sshll.u32 s1, $0x6;
	p4 =	sne.s32 s4, s15;
	[sflag:s21] =	ssyncadd.s32 $0xFFFFF000  }
.Ltmp2:
0x66: {  	s25 =	sor.u32 $0x1C01, s31;
	[bflag:$0x0] =	sbarrier.arrive $0xFFFF;
	(pc) =	sbr.rel @p4 .LBB2_1-.Ltmp2, $4  }
0x67: {  	[hbm:s14], [sflag:s25] =	dma.local [spmem:s24], $0xA00  }
0x68: {  	_ =	swait.ge [sflag:s21], $0xA00  }
0x69: {  	[sflag:s21] =	ssyncset.done $0x0  }
0x6a: {  	[sflag:s21] =	ssyncadd.s32 $0xFFFFF600  }
0x6b: {  	_ =	sfence.sel $0x180000  }
0x6c: {  	[bflag:$0x0] =	sbarrier.arrive $0xFFFF  }
0x6d: {  	p0 =	sne.s32 s1, $0x0;
	_ =	strace $0x9000004A  }
0x6e: {  	s0 =	sadd.s32 @!p0 $0x100000, s0;
	[bflag:$0x2] =	sbarrier.arrive $0xFFFF  }
0x6f: {  	[sflag:s0] =	ssyncadd.tile.s32 @!p0 $0x1;
	_ =	shalt  }
.Lfunc_end2:
_tile_overlayer_lowered:
.L_overlay_start_2:
0x70: {  	(tag) =	ssettag $0x2  }
0x71: {  	s0 =	rddreg [dreg:$0x0];
	s2 =	stileid.u32  }
0x72: {  	s1 =	rddreg [dreg:$0x1];
	p0 =	sne.s32 s2, $0x0  }
0x73: {  	s3 =	rddreg [dreg:$0x2];
	[bflag:$0x3] =	sbarrier.arrive $0xFFFF;
	s2 =	simm.s32 @!p0 $0x1C01  }
0x74: {  	[timem:s3], [sflag:s2] =	dma.local @!p0 [hbm:s0], s1  }
0x75: {  	s0 =	simm.s32 @!p0 $0x1  }
0x76: {  	_ =	swait.ge @!p0 [sflag:s0], s1  }
0x77: {  	s1 =	ssub.s32 @!p0 $0x0, s1;
	[sflag:s0] =	ssyncset.done @!p0 $0x0  }
0x78: {  	[sflag:s0] =	ssyncadd.s32 @!p0 s1  }
0x79: {  	[bflag:$0x3] =	sbarrier.arrive $0xFFFF  }
0x7a: {  	_ =	shalt  }

// kernel: kernel.17.cloned.1.call-start
scs
__scs_entry_jumppad:
0x0: {  	(pc) =	sbr.rel $0x88, $3  }
0x1: {  	(tag) =	ssettag $0x0;
	lr =	simm.s32 $0x1  }
0x2: {  	[smem:$0x3F94] =	sst lr;
	_ =	strace $0xD0000000  }
0x3: {  	_ = 	snop  }
0x4: {  	_ = 	snop  }
0x5: {  	_ = 	snop  }
0x6: {  	_ = 	snop  }
0x7: {  	_ = 	snop  }
__scs_overlays_trampoline_lowered:
0x8: {  	[smem:$0x3FA3] =	sst s0  }
0x9: {  	[smem:$0x3FA4] =	sst s1  }
0xa: {  	[smem:$0x3FA5] =	sst s2  }
0xb: {  	[smem:$0x3FA6] =	sst s3  }
0xc: {  	[smem:$0x3FA7] =	sst s4  }
0xd: {  	[smem:$0x3FA8] =	sst s5  }
0xe: {  	[smem:$0x3FA9] =	sst s6  }
0xf: {  	[smem:$0x3FAA] =	sst s7  }
0x10: {  	[smem:$0x3FAB] =	sst s8  }
0x11: {  	[smem:$0x3FAC] =	sst s9;
	s0 =	simm.s32 @!p0 $0x0  }
0x12: {  	s1 =	sld [smem:$0x3F92];
	s0 =	simm.s32 @p0 $0x1  }
0x13: {  	[smem:$0x3FAD] =	sst s0;
	s0 =	simm.s32 @!p1 $0x0  }
0x14: {  	s2 =	sld [smem:$0x3F91];
	s0 =	simm.s32 @p1 $0x1  }
0x15: {  	[smem:$0x3FAE] =	sst s0;
	s0 =	simm.s32 @!p2 $0x0  }
0x16: {  	s3 =	sld [smem:$0x3FDB];
	s0 =	simm.s32 @p2 $0x1  }
0x17: {  	s4 =	simm.s32 $0x1BF5;
	[smem:$0x3FB0] =	sst s0  }
0x18: {  	s0 =	sld [smem:$0x3F93];
	_ =	swait.ge [sflag:s4], $0x0  }
0x19: {  	s7 =	sld [smem:$0x3F94]  }
0x1a: {  	s8 =	sadd.s32 $0xFFFFE003, lr  }
0x1b: {  	s9 =	sadd.s32 $0xFFFFFEF7, lr;
	s5 =	simm.s32 $0xFFFFFFFF;
	p2 =	slt.u32 s8, $0xFFFFF086  }
0x1c: {  	p1 =	slt.u32 s9, $0xF7A;
	s5 =	simm.s32 @!p2 $0x0  }
0x1d: {  	s5 =	simm.s32 @p1 $0x1;
	p0 =	seq.s32 s7, s2  }
0x1e: {  	s7 =	smul.u32 @!p0 $0xF7A, s2;
	p2 =	seq.s32 @!p0 s5, $0x0  }
0x1f: {  	s9 =	smul.u32 $0xF7A, s1;
	s8 =	simm.s32 @!p0 $0x1BF5;
	p2 =	por !p2, p0  }
0x20: {  	[sflag:s8] =	ssyncset.s32 @!p0 $0xFFFFF086;
	s6 =	sadd.s32 @!p0 s3, s7;
	s7 =	simm.s32 @!p0 $0x108  }
0x21: {  	s3 =	sadd.s32 s3, s9;
	s6 =	sadd.s32 @!p0 $0x88, s6;
	s7 =	simm.s32 @p2 $0x1082  }
0x22: {  	[simem:s7], [sflag:s8] =	dma.local @!p0 [hbm:s6], $0xF7A  }
0x23: {  	s9 =	sor.u32 $0xD0000000, s2;
	s6 =	simm.s32 $0x108;
	_ =	swait.ge @!p0 [sflag:s8], $0x0  }
0x24: {  	s3 =	sadd.s32 $0x88, s3;
	s6 =	simm.s32 @!p1 $0x1082;
	[sflag:s4] =	ssyncset.s32 $0xFFFFF086  }
0x25: {  	[simem:s6], [sflag:s4] =	dma.local [hbm:s3], $0xF7A  }
0x26: {  	[smem:$0x3F94] =	sst s1;
	(tag) =	ssettag s2;
	_ =	strace s9  }
0x27: {  	s1 =	sld [smem:$0x3FA4]  }
0x28: {  	s2 =	sld [smem:$0x3FA5]  }
0x29: {  	s4 =	sld [smem:$0x3FA7]  }
0x2a: {  	p0 =	seq.s32 s5, $0x0;
	s5 =	sld [smem:$0x3FA8]  }
0x2b: {  	s6 =	sld [smem:$0x3FA9]  }
0x2c: {  	s7 =	sld [smem:$0x3FAA]  }
0x2d: {  	s3 =	simm.s32 $0x108;
	s8 =	sld [smem:$0x3FAB]  }
0x2e: {  	s3 =	simm.s32 @!p0 $0x1082;
	s9 =	sld [smem:$0x3FAC]  }
0x2f: {  	lr =	sadd.s32 s0, s3;
	s0 =	sld [smem:$0x3FA3]  }
0x30: {  	s3 =	sld [smem:$0x3FA6]  }
0x31: {  	[smem:$0x3FAF] =	sst s10  }
0x32: {  	s10 =	sld [smem:$0x3FAD];
	_ =	sdelay $0x3  }
0x33: {  	p0 =	seq.s32 s10, $0x1;
	s10 =	sld [smem:$0x3FAF];
	_ =	sdelay $0x3  }
0x34: {  	[smem:$0x3FAF] =	sst s10  }
0x35: {  	s10 =	sld [smem:$0x3FAE];
	_ =	sdelay $0x3  }
0x36: {  	p1 =	seq.s32 s10, $0x1;
	s10 =	sld [smem:$0x3FAF];
	_ =	sdelay $0x3  }
0x37: {  	[smem:$0x3FAF] =	sst s10  }
0x38: {  	s10 =	sld [smem:$0x3FB0]  }
0x39: {  	_ = 	snop;
	(pc) =	sbr.ind lr, $3  }
0x3a: {  	_ = 	snop  }
0x3b: {  	_ = 	snop  }
0x3c: {  	p2 =	seq.s32 s10, $0x1;
	s10 =	sld [smem:$0x3FAF]  }
0x3d: {  	_ =	shalt  }
0x3e: {  	_ =	shalt  }
0x3f: {  	_ =	shalt  }
0x40: {  	_ =	shalt  }
0x41: {  	_ =	shalt  }
0x42: {  	_ =	shalt  }
0x43: {  	_ =	shalt  }
0x44: {  	_ =	shalt  }
0x45: {  	_ =	shalt  }
0x46: {  	_ =	shalt  }
0x47: {  	_ =	shalt  }
0x48: {  	_ =	shalt  }
0x49: {  	_ =	shalt  }
0x4a: {  	_ =	shalt  }
0x4b: {  	_ =	shalt  }
0x4c: {  	_ =	shalt  }
0x4d: {  	_ =	shalt  }
0x4e: {  	_ =	shalt  }
0x4f: {  	_ =	shalt  }
0x50: {  	_ =	shalt  }
0x51: {  	_ =	shalt  }
0x52: {  	_ =	shalt  }
0x53: {  	_ =	shalt  }
0x54: {  	_ =	shalt  }
0x55: {  	_ =	shalt  }
0x56: {  	_ =	shalt  }
0x57: {  	_ =	shalt  }
0x58: {  	_ =	shalt  }
0x59: {  	_ =	shalt  }
0x5a: {  	_ =	shalt  }
0x5b: {  	_ =	shalt  }
0x5c: {  	_ =	shalt  }
0x5d: {  	_ =	shalt  }
0x5e: {  	_ =	shalt  }
0x5f: {  	_ =	shalt  }
0x60: {  	_ =	shalt  }
0x61: {  	_ =	shalt  }
0x62: {  	_ =	shalt  }
0x63: {  	_ =	shalt  }
0x64: {  	_ =	shalt  }
0x65: {  	_ =	shalt  }
0x66: {  	_ =	shalt  }
0x67: {  	_ =	shalt  }
0x68: {  	_ =	shalt  }
0x69: {  	_ =	shalt  }
0x6a: {  	_ =	shalt  }
0x6b: {  	_ =	shalt  }
0x6c: {  	_ =	shalt  }
0x6d: {  	_ =	shalt  }
0x6e: {  	_ =	shalt  }
0x6f: {  	_ =	shalt  }
0x70: {  	_ =	shalt  }
0x71: {  	_ =	shalt  }
0x72: {  	_ =	shalt  }
0x73: {  	_ =	shalt  }
0x74: {  	_ =	shalt  }
0x75: {  	_ =	shalt  }
0x76: {  	_ =	shalt  }
0x77: {  	_ =	shalt  }
0x78: {  	_ =	shalt  }
0x79: {  	_ =	shalt  }
0x7a: {  	_ =	shalt  }
0x7b: {  	_ =	shalt  }
0x7c: {  	_ =	shalt  }
0x7d: {  	_ =	shalt  }
0x7e: {  	_ =	shalt  }
0x7f: {  	_ =	shalt  }
0x80: {  	_ =	shalt  }
0x81: {  	_ =	shalt  }
0x82: {  	_ =	shalt  }
0x83: {  	_ =	shalt  }
0x84: {  	_ =	shalt  }
0x85: {  	_ =	shalt  }
0x86: {  	_ =	shalt  }
0x87: {  	_ =	shalt  }
.Lfunc_end0:
.L_simem_size_0:
called_computation.2_lowered:
.L_overlay_start_0:
0x88: {  	s2 =	sld [smem:$0x3FD9]  }
0x89: {  	s3 =	sld [smem:$0x3FFE];
	_ =	sdelay $0x1  }
0x8a: {  	s1 =	srdreg.scid  }
0x8b: {  	s0 =	sand.u32 $0x1, s1  }
0x8c: {  	s16 =	sshll.u32 s0, $0xA;
	s2 =	sadd.s32 s3, s2  }
0x8d: {  	s2 =	sadd.s32 s2, s16  }
0x8e: {  	[smem:$0x3FBB] =	sst s2  }
0x8f: {  	_ = 	snop  }
0x90: {  	(tm) =	ssettm $0x1  }
0x91: {  	s17 =	sld [smem:$0x3FFB];
	_ =	sdelay $0x3  }
0x92: {  	_ =	strace s17  }
0x93: {  	s2 =	sld [smem:$0x3FFC];
	_ =	sdelay $0x3  }
0x94: {  	_ =	strace s2  }
0x95: {  	s2 =	sld [smem:$0x3FFD];
	_ =	sdelay $0x3  }
0x96: {  	_ =	strace s2  }
0x97: {  	_ =	strace $0x8FFFFFFF  }
0x98: {  	s18 =	sld [smem:$0x3FDB];
	_ =	sdelay $0x1  }
0x99: {  	s19 =	simm.s32 $_scs_section_size  }
0x9a: {  	s4 =	simm.s32 $_size__tile_overlayer_lowered;
	s5 =	simm.s32 $_tile_overlayer_lowered  }
0x9b: {  	s22 =	simm.s32 $0x1BFF;
	s21 =	sshll.u32 s5, $0x1;
	s2 =	sadd.s32 s19, s18  }
0x9c: {  	s6 =	simm.s32 $0x0;
	s20 =	sshll.u32 s4, $0x1;
	s4 =	sadd.s32 s21, s2  }
0x9d: {  	[timem:s6], [sflag:s22] =	dma.local [hbm:s4], s20  }
0x9e: {  	_ =	swait.ge [sflag:s22], s20  }
0x9f: {  	s3 =	ssub.s32 $0x0, s20;
	[sflag:s22] =	ssyncset.done $0x0  }
0xa0: {  	[sflag:s22] =	ssyncadd.s32 s3;
	_ =	sdelay $0x1  }
0xa1: {  	s23 =	simm.s32 $0x1B8B  }
0xa2: {  	_ =	swait.ge [sflag:s23], $0x1  }
0xa3: {  	[sflag:s23] =	ssyncset.done $0x0  }
0xa4: {  	s25 =	simm.s32 $0x1B8E;
	s24 =	sld [smem:$0x3FFE];
	[sflag:s23] =	ssyncadd.s32 $0xFFFFFFFF  }
0xa5: {  	s26 =	simm.s32 $execute0_lowered;
	[smem:$0x3FD2] =	sst s25  }
0xa6: {  	s4 =	sshll.u32 s26, $0x1;
	_ =	strace $0x8000004C;
	[dreg:$0x1] =	wrdreg $0xFFFFFFFF  }
0xa7: {  	s28 =	simm.s32 $_size_execute0_lowered;
	s2 =	sadd.s32 s2, s4;
	[dreg:$0x0] =	wrdreg $0x0  }
0xa8: {  	s4 =	sshll.u32 s28, $0x1;
	[dreg:$0x2] =	wrdreg s2  }
0xa9: {  	[dreg:$0x3] =	wrdreg s4  }
0xaa: {  	[dreg:$0x4] =	wrdreg $0xC0  }
0xab: {  	_ =	task [dreg:s6], $0x5FFFF  }
0xac: {  	[dreg:$0x1] =	wrdreg $0xFFFFFFFF  }
0xad: {  	[dreg:$0x0] =	wrdreg $0x60  }
0xae: {  	[dreg:$0x2] =	wrdreg s24  }
0xaf: {  	[dreg:$0x3] =	wrdreg $0xFE200  }
0xb0: {  	[dreg:$0x4] =	wrdreg $0xB0000  }
0xb1: {  	[dreg:$0x5] =	wrdreg $0x9  }
0xb2: {  	_ =	task.clear_ibuf [dreg:s6], $0x6FFFF;
	_ =	strace $0x9000004C  }
0xb3: {  	s29 =	simm.s32 $0x9;
	_ =	strace $0x8000004E  }
0xb4: {  	_ =	swait.ge [sflag:s29], $0x1  }
0xb5: {  	[sflag:s29] =	ssyncadd.s32 $0xFFFFFFFF  }
0xb6: {  	_ =	strace $0x9000004E  }
0xb7: {  	_ =	sfence  }
0xb8: {  	s30 =	sld [smem:$0x0];
	_ =	sdelay $0x2  }
0xb9: {  	s31 =	sshll.u32 s1, $0xD;
	s1 =	sshrl.u32 s1, $0x2  }
0xba: {  	s3 =	sand.u32 $0x4000, s31;
	s1 =	sadd.s32 s1, s30  }
0xbb: {  	s0 =	sor.u32 s3, s0;
	s1 =	sshll.u32 s1, $0x11  }
0xbc: {  	s0 =	sor.u32 s1, s0  }
0xbd: {  	s0 =	sadd.s32 $0x8F2B, s0  }
0xbe: {  	[sflag:s0] =	ssyncadd.remote.s32 $0x1  }
0xbf: {  	_ =	sfence.sel $0xFFFF  }
0xc0: {  	[dreg:$0x0] =	wrdreg $0xFFFFFFFF;
	(pc) =	sbr.abs _section_cstart, $3  }
0xc1: {  	[dreg:$0x1] =	wrdreg $0xFFFFFFFF  }
0xc2: {  	_ =	task.clear_ibuf [dreg:s6], $0x2FFFF;
	_ =	strace $0x9FFFFFFF  }
0xc3: {  	(tm) =	ssettm $0x7FFFFFFF  }
tec
execute0_lowered:
.L_overlay_start_1:
0x0: {  	(tag) =	ssettag $0x1  }
0x1: {  	s11 =	rddreg [dreg:$0x0]  }
0x2: {  	s2 =	rddreg [dreg:$0x1]  }
0x3: {  	s3 =	rddreg [dreg:$0x2]  }
0x4: {  	s0 =	rddreg [dreg:$0x3]  }
0x5: {  	s1 =	stileid.u32;
	s5 =	srdreg.scid;
	s4 =	simm.s32 $0x0  }
0x6: {  	s20 =	simm.s32 $0xA000;
	s21 =	simm.s32 $0x1;
	s15 =	smul.u32 $0x5000, s1  }
0x7: {  	s22 =	simm.s32 $0x5000;
	s23 =	simm.s32 $0x80;
	s6 =	smul.u32 $0xA00, s1  }
0x8: {  	s7 =	sand.u32 $0x1, s5;
	[smem:$0x7FF] =	sst s4;
	s29 =	smul.u32 $0x14000, s1  }
0x9: {  	s8 =	smul.u32 $0x50000, s7;
	_ =	strace $0x8000004D;
	s31 =	ssub.s32 $0x2, s7  }
0xa: {  	p3 =	seq.s32 s7, $0x1;
	s28 =	sshrl.u32 s15, $0x3;
	s13 =	sadd.s32 s6, s11  }
0xb: {  	s9 =	sshrl.u32 s31, $0x1;
	s5 =	sshrl.u32 s29, $0x2;
	s24 =	sadd.s32 s15, s2  }
0xc: {  	p1 =	seq.s32 @p3 s1, $0xF;
	p4 =	seq.s32 @!p3 s1, $0xF;
	s10 =	sadd.s32 s28, s11  }
0xd: {  	s30 =	sadd.s32 s15, s8;
	s16 =	ssub.s32 s31, s9;
	s5 =	sadd.s32 s5, s2  }
0xe: {  	s8 =	sadd.s32 $0x4B000, s3;
	s9 =	sadd.s32 $0x51E00, s11;
	s12 =	sadd.s32 $0x17600, s13  }
0xf: {  	s13 =	sadd.s32 $0x3600, s13;
	p0 =	por !p1, !p3;
	p1 =	por p1, !p3  }
0x10: {  	p2 =	por !p4, p3;
	p3 =	por p4, p3;
	s24 =	sshrl.u32 s24, $0x3  }
0x11: {  	s6 =	sshrl.u32 s30, $0x3;
	s7 =	sadd.s32 $0x48800, s10;
	s10 =	sadd.s32 $0xD600, s10  }
0x12: {  	s17 =	sadd.s32 $0x2000, s5;
	s18 =	sadd.s32 $0x3000, s5;
	s19 =	sadd.s32 $0x4000, s5  }
0x13: {  	s14 =	sadd.s32 s6, s11;
	s6 =	sadd.s32 s15, s3;
	s11 =	sadd.s32 $0x16C00, s11  }
0x14: {  	v0 =	vimm.f32 $0.0e+00;
	s15 =	smax.u32 s16, $0x1;
	s16 =	sadd.s32 $0x1000, s5;
	s14 =	sadd.s32 $0x52600, s14  }
.LBB2_1:
0x15: {  	s25 =	simm.s32 $0x80;
	s26 =	simm.s32 $0x0  }
.LBB2_2:
0x16: {  	p4 =	sne.s32 s25, $0x3F80;
	[tilespmem:s26+$0xA000] =	vst v0;
	s28 =	smov.u32 s25;
	s25 =	sadd.s32 $0x80, s25  }
.Ltmp0:
0x17: {  	[tilespmem:s26+$0xA010] =	vst v0;
	(pc) =	sbr.rel @p4 .LBB2_2-.Ltmp0, $2  }
0x18: {  	_ =	sdelay $0x2  }
0x19: {  	s26 =	sshra.s32 s28, $0x2  }
0x1a: {  	[tilespmem:s26+$0xA000] =	vst v0  }
0x1b: {  	[tilespmem:s26+$0xA010] =	vst v0  }
0x1c: {  	[spmem:s5] =	stream.linear.scatter [tilespmem:s20], [sflag:$0x1], $0x1000, $0x38;
	[tilespmem:$0x14E20] =	vst v63  }
0x1d: {  	_ =	swait.ge [sflag:s21], $0x1000  }
0x1e: {  	[sflag:s21] =	ssyncset.done $0x0  }
0x1f: {  	[sflag:s21] =	ssyncadd.s32 $0xFFFFF000  }
0x20: {  	[spmem:s16] =	stream.linear.scatter [tilespmem:s20], [sflag:$0x1], $0x1000, $0x38;
	[tilespmem:$0x14E20] =	vst v63  }
0x21: {  	_ =	swait.ge [sflag:s21], $0x1000  }
0x22: {  	[sflag:s21] =	ssyncset.done $0x0  }
0x23: {  	[sflag:s21] =	ssyncadd.s32 $0xFFFFF000  }
0x24: {  	[spmem:s17] =	stream.linear.scatter [tilespmem:s20], [sflag:$0x1], $0x1000, $0x38;
	[tilespmem:$0x14E20] =	vst v63  }
0x25: {  	_ =	swait.ge [sflag:s21], $0x1000  }
0x26: {  	[sflag:s21] =	ssyncset.done $0x0  }
0x27: {  	[sflag:s21] =	ssyncadd.s32 $0xFFFFF000  }
0x28: {  	[spmem:s18] =	stream.linear.scatter [tilespmem:s20], [sflag:$0x1], $0x1000, $0x38;
	[tilespmem:$0x14E20] =	vst v63  }
0x29: {  	_ =	swait.ge [sflag:s21], $0x1000  }
0x2a: {  	[sflag:s21] =	ssyncset.done $0x0  }
0x2b: {  	[sflag:s21] =	ssyncadd.s32 $0xFFFFF000  }
0x2c: {  	[spmem:s19] =	stream.linear.scatter [tilespmem:s20], [sflag:$0x1], $0x1000, $0x38;
	[tilespmem:$0x14E20] =	vst v63  }
0x2d: {  	_ =	swait.ge [sflag:s21], $0x1000  }
0x2e: {  	[sflag:s21] =	ssyncset.done $0x0  }
0x2f: {  	s25 =	sshrl.u32 @!p0 s8, $0x3;
	s26 =	simm.s32 @!p0 $0x1FC1;
	[sflag:s21] =	ssyncadd.s32 $0xFFFFF000  }
0x30: {  	[spmem:s25], [sflag:s26] =	dma.local @!p0 [hbm:s11], $0x640  }
0x31: {  	s25 =	simm.s32 @!p0 $0x1  }
0x32: {  	_ =	swait.ge @!p0 [sflag:s25], $0x640  }
0x33: {  	s26 =	sshll.u32 @!p1 s1, $0x6;
	[sflag:s25] =	ssyncset.done @!p0 $0x0  }
0x34: {  	[sflag:s25] =	ssyncadd.s32 @!p0 $0xFFFFF9C0;
	s25 =	sor.u32 @!p1 $0x1C01, s26;
	s26 =	sshrl.u32 @!p1 s6, $0x3  }
0x35: {  	[spmem:s26], [sflag:s25] =	dma.local @!p1 [hbm:s10], $0xA00  }
0x36: {  	s25 =	simm.s32 @!p1 $0x1  }
0x37: {  	_ =	swait.ge @!p1 [sflag:s25], $0xA00  }
0x38: {  	[sflag:s25] =	ssyncset.done @!p1 $0x0  }
0x39: {  	s26 =	simm.s32 @!p2 $0x1FC1;
	[sflag:s25] =	ssyncadd.s32 @!p1 $0xFFFFF600;
	s25 =	sshrl.u32 @!p2 s8, $0x3  }
0x3a: {  	[spmem:s25], [sflag:s26] =	dma.local @!p2 [hbm:s9], $0x640  }
0x3b: {  	s25 =	simm.s32 @!p2 $0x1  }
0x3c: {  	_ =	swait.ge @!p2 [sflag:s25], $0x640  }
0x3d: {  	s26 =	sshll.u32 @!p3 s1, $0x6;
	[sflag:s25] =	ssyncset.done @!p2 $0x0  }
0x3e: {  	[sflag:s25] =	ssyncadd.s32 @!p2 $0xFFFFF9C0;
	s25 =	sor.u32 @!p3 $0x1C01, s26;
	s26 =	sshrl.u32 @!p3 s6, $0x3  }
0x3f: {  	[spmem:s26], [sflag:s25] =	dma.local @!p3 [hbm:s7], $0xA00  }
0x40: {  	s25 =	simm.s32 @!p3 $0x1  }
0x41: {  	_ =	swait.ge @!p3 [sflag:s25], $0xA00  }
0x42: {  	[sflag:s25] =	ssyncset.done @!p3 $0x0  }
0x43: {  	s29 =	simm.s32 $0x0;
	[sflag:s25] =	ssyncadd.s32 @!p3 $0xFFFFF600  }
0x44: {  	[tilespmem:s29], [sflag:$0x1] =	stream.linear.gather [hbm4b:s12+s29], $0x5000, $0x38;
	[tilespmem:$0x14E20] =	vst v63  }
0x45: {  	_ =	swait.ge [sflag:s21], $0x5000  }
0x46: {  	[sflag:s21] =	ssyncset.done $0x0  }
0x47: {  	[sflag:s21] =	ssyncadd.s32 $0xFFFFB000  }
0x48: {  	[tilespmem:s22], [sflag:$0x1] =	stream.linear.gather [hbm4b:s13+s29], $0x5000, $0x38;
	[tilespmem:$0x14E20] =	vst v63  }
0x49: {  	_ =	swait.ge [sflag:s21], $0x5000  }
0x4a: {  	[sflag:s21] =	ssyncset.done $0x0  }
0x4b: {  	[sflag:s21] =	ssyncadd.s32 $0xFFFFB000  }
0x4c: {  	s30 =	simm.s32 $0x0;
	[bflag:$0x0] =	sbarrier.arrive $0xFFFF  }
0x4d: {  	[tilespmem:s20], [sflag:$0x1] =	stream.indirect.gather [spmem:s3], $0x20, s30, s23, $0xb8;
	[tilespmem:$0x14E20] =	vst v63  }
0x4e: {  	_ =	swait.ge [sflag:s21], $0x1000  }
0x4f: {  	[sflag:s21] =	ssyncset.done $0x0  }
0x50: {  	s31 =	simm.s32 $0x5000;
	[sflag:s21] =	ssyncadd.s32 $0xFFFFF000  }
0x51: {  	[spmem:s2] =	stream.indirect.scatter.add.f32 [tilespmem:s20], [sflag:$0x1], $0x20, s31, s23, $0xb8;
	[tilespmem:$0x14E20] =	vst v63  }
0x52: {  	_ =	swait.ge [sflag:s21], $0x1000  }
0x53: {  	s26 =	simm.s32 $0x400;
	s25 =	simm.s32 $0x200;
	[sflag:s21] =	ssyncset.done $0x0  }
.LBB2_4:
0x54: {  	s28 =	sshra.s32 s25, $0x2  }
0x55: {  	[sflag:s21] =	ssyncadd.s32 $0xFFFFF000;
	s25 =	smov.u32 s26;
	s29 =	sadd.s32 $0x200, s26  }
0x56: {  	[tilespmem:s20], [sflag:$0x1] =	stream.indirect.gather [spmem:s3], $0x20, s28, s23, $0xb8;
	[tilespmem:$0x14E20] =	vst v63  }
0x57: {  	p4 =	sne.s32 s26, $0x13E00;
	_ =	swait.ge [sflag:s21], $0x1000  }
.Ltmp1:
0x58: {  	[sflag:s21] =	ssyncset.done $0x0;
	(pc) =	sbr.rel @p4 .LBB2_4-.Ltmp1, $4  }
0x59: {  	s26 =	sadd.s32 $0x5000, s28;
	[sflag:s21] =	ssyncadd.s32 $0xFFFFF000  }
0x5a: {  	[spmem:s2] =	stream.indirect.scatter.add.f32 [tilespmem:s20], [sflag:$0x1], $0x20, s26, s23, $0xb8;
	[tilespmem:$0x14E20] =	vst v63  }
0x5b: {  	_ =	swait.ge [sflag:s21], $0x1000  }
0x5c: {  	s26 =	smov.u32 s29;
	[sflag:s21] =	ssyncset.done $0x0  }
0x5d: {  	s25 =	sshra.s32 s25, $0x2;
	[sflag:s21] =	ssyncadd.s32 $0xFFFFF000  }
0x5e: {  	[tilespmem:s20], [sflag:$0x1] =	stream.indirect.gather [spmem:s3], $0x20, s25, s23, $0xb8;
	[tilespmem:$0x14E20] =	vst v63  }
0x5f: {  	_ =	swait.ge [sflag:s21], $0x1000  }
0x60: {  	[sflag:s21] =	ssyncset.done $0x0  }
0x61: {  	s25 =	sadd.s32 $0x5000, s25;
	[sflag:s21] =	ssyncadd.s32 $0xFFFFF000  }
0x62: {  	[spmem:s2] =	stream.indirect.scatter.add.f32 [tilespmem:s20], [sflag:$0x1], $0x20, s25, s23, $0xb8;
	[tilespmem:$0x14E20] =	vst v63  }
0x63: {  	_ =	swait.ge [sflag:s21], $0x1000  }
0x64: {  	s4 =	sadd.s32 $0x1, s4;
	[sflag:s21] =	ssyncset.done $0x0  }
0x65: {  	s31 =	sshll.u32 s1, $0x6;
	p4 =	sne.s32 s4, s15;
	[sflag:s21] =	ssyncadd.s32 $0xFFFFF000  }
.Ltmp2:
0x66: {  	s25 =	sor.u32 $0x1C01, s31;
	[bflag:$0x0] =	sbarrier.arrive $0xFFFF;
	(pc) =	sbr.rel @p4 .LBB2_1-.Ltmp2, $4  }
0x67: {  	[hbm:s14], [sflag:s25] =	dma.local [spmem:s24], $0xA00  }
0x68: {  	_ =	swait.ge [sflag:s21], $0xA00  }
0x69: {  	[sflag:s21] =	ssyncset.done $0x0  }
0x6a: {  	[sflag:s21] =	ssyncadd.s32 $0xFFFFF600  }
0x6b: {  	_ =	sfence.sel $0x180000  }
0x6c: {  	[bflag:$0x0] =	sbarrier.arrive $0xFFFF  }
0x6d: {  	p0 =	sne.s32 s1, $0x0;
	_ =	strace $0x9000004D  }
0x6e: {  	s0 =	sadd.s32 @!p0 $0x100000, s0;
	[bflag:$0x2] =	sbarrier.arrive $0xFFFF  }
0x6f: {  	[sflag:s0] =	ssyncadd.tile.s32 @!p0 $0x1;
	_ =	shalt  }
.Lfunc_end2:
_tile_overlayer_lowered:
.L_overlay_start_2:
0x70: {  	(tag) =	ssettag $0x2  }
0x71: {  	s0 =	rddreg [dreg:$0x0];
	s2 =	stileid.u32  }
0x72: {  	s1 =	rddreg [dreg:$0x1];
	p0 =	sne.s32 s2, $0x0  }
0x73: {  	s3 =	rddreg [dreg:$0x2];
	[bflag:$0x3] =	sbarrier.arrive $0xFFFF;
	s2 =	simm.s32 @!p0 $0x1C01  }
0x74: {  	[timem:s3], [sflag:s2] =	dma.local @!p0 [hbm:s0], s1  }
0x75: {  	s0 =	simm.s32 @!p0 $0x1  }
0x76: {  	_ =	swait.ge @!p0 [sflag:s0], s1  }
0x77: {  	s1 =	ssub.s32 @!p0 $0x0, s1;
	[sflag:s0] =	ssyncset.done @!p0 $0x0  }
0x78: {  	[sflag:s0] =	ssyncadd.s32 @!p0 s1  }
0x79: {  	[bflag:$0x3] =	sbarrier.arrive $0xFFFF  }
0x7a: {  	_ =	shalt  }

// kernel: kernel.20.cloned.1.call-start
scs
__scs_entry_jumppad:
0x0: {  	(pc) =	sbr.rel $0x88, $3  }
0x1: {  	(tag) =	ssettag $0x0;
	lr =	simm.s32 $0x1  }
0x2: {  	[smem:$0x3F94] =	sst lr;
	_ =	strace $0xD0000000  }
0x3: {  	_ = 	snop  }
0x4: {  	_ = 	snop  }
0x5: {  	_ = 	snop  }
0x6: {  	_ = 	snop  }
0x7: {  	_ = 	snop  }
__scs_overlays_trampoline_lowered:
0x8: {  	[smem:$0x3FA3] =	sst s0  }
0x9: {  	[smem:$0x3FA4] =	sst s1  }
0xa: {  	[smem:$0x3FA5] =	sst s2  }
0xb: {  	[smem:$0x3FA6] =	sst s3  }
0xc: {  	[smem:$0x3FA7] =	sst s4  }
0xd: {  	[smem:$0x3FA8] =	sst s5  }
0xe: {  	[smem:$0x3FA9] =	sst s6  }
0xf: {  	[smem:$0x3FAA] =	sst s7  }
0x10: {  	[smem:$0x3FAB] =	sst s8  }
0x11: {  	[smem:$0x3FAC] =	sst s9;
	s0 =	simm.s32 @!p0 $0x0  }
0x12: {  	s1 =	sld [smem:$0x3F92];
	s0 =	simm.s32 @p0 $0x1  }
0x13: {  	[smem:$0x3FAD] =	sst s0;
	s0 =	simm.s32 @!p1 $0x0  }
0x14: {  	s2 =	sld [smem:$0x3F91];
	s0 =	simm.s32 @p1 $0x1  }
0x15: {  	[smem:$0x3FAE] =	sst s0;
	s0 =	simm.s32 @!p2 $0x0  }
0x16: {  	s3 =	sld [smem:$0x3FDB];
	s0 =	simm.s32 @p2 $0x1  }
0x17: {  	s4 =	simm.s32 $0x1BF5;
	[smem:$0x3FB0] =	sst s0  }
0x18: {  	s0 =	sld [smem:$0x3F93];
	_ =	swait.ge [sflag:s4], $0x0  }
0x19: {  	s7 =	sld [smem:$0x3F94]  }
0x1a: {  	s8 =	sadd.s32 $0xFFFFE003, lr  }
0x1b: {  	s9 =	sadd.s32 $0xFFFFFEF7, lr;
	s5 =	simm.s32 $0xFFFFFFFF;
	p2 =	slt.u32 s8, $0xFFFFF086  }
0x1c: {  	p1 =	slt.u32 s9, $0xF7A;
	s5 =	simm.s32 @!p2 $0x0  }
0x1d: {  	s5 =	simm.s32 @p1 $0x1;
	p0 =	seq.s32 s7, s2  }
0x1e: {  	s7 =	smul.u32 @!p0 $0xF7A, s2;
	p2 =	seq.s32 @!p0 s5, $0x0  }
0x1f: {  	s9 =	smul.u32 $0xF7A, s1;
	s8 =	simm.s32 @!p0 $0x1BF5;
	p2 =	por !p2, p0  }
0x20: {  	[sflag:s8] =	ssyncset.s32 @!p0 $0xFFFFF086;
	s6 =	sadd.s32 @!p0 s3, s7;
	s7 =	simm.s32 @!p0 $0x108  }
0x21: {  	s3 =	sadd.s32 s3, s9;
	s6 =	sadd.s32 @!p0 $0x88, s6;
	s7 =	simm.s32 @p2 $0x1082  }
0x22: {  	[simem:s7], [sflag:s8] =	dma.local @!p0 [hbm:s6], $0xF7A  }
0x23: {  	s9 =	sor.u32 $0xD0000000, s2;
	s6 =	simm.s32 $0x108;
	_ =	swait.ge @!p0 [sflag:s8], $0x0  }
0x24: {  	s3 =	sadd.s32 $0x88, s3;
	s6 =	simm.s32 @!p1 $0x1082;
	[sflag:s4] =	ssyncset.s32 $0xFFFFF086  }
0x25: {  	[simem:s6], [sflag:s4] =	dma.local [hbm:s3], $0xF7A  }
0x26: {  	[smem:$0x3F94] =	sst s1;
	(tag) =	ssettag s2;
	_ =	strace s9  }
0x27: {  	s1 =	sld [smem:$0x3FA4]  }
0x28: {  	s2 =	sld [smem:$0x3FA5]  }
0x29: {  	s4 =	sld [smem:$0x3FA7]  }
0x2a: {  	p0 =	seq.s32 s5, $0x0;
	s5 =	sld [smem:$0x3FA8]  }
0x2b: {  	s6 =	sld [smem:$0x3FA9]  }
0x2c: {  	s7 =	sld [smem:$0x3FAA]  }
0x2d: {  	s3 =	simm.s32 $0x108;
	s8 =	sld [smem:$0x3FAB]  }
0x2e: {  	s3 =	simm.s32 @!p0 $0x1082;
	s9 =	sld [smem:$0x3FAC]  }
0x2f: {  	lr =	sadd.s32 s0, s3;
	s0 =	sld [smem:$0x3FA3]  }
0x30: {  	s3 =	sld [smem:$0x3FA6]  }
0x31: {  	[smem:$0x3FAF] =	sst s10  }
0x32: {  	s10 =	sld [smem:$0x3FAD];
	_ =	sdelay $0x3  }
0x33: {  	p0 =	seq.s32 s10, $0x1;
	s10 =	sld [smem:$0x3FAF];
	_ =	sdelay $0x3  }
0x34: {  	[smem:$0x3FAF] =	sst s10  }
0x35: {  	s10 =	sld [smem:$0x3FAE];
	_ =	sdelay $0x3  }
0x36: {  	p1 =	seq.s32 s10, $0x1;
	s10 =	sld [smem:$0x3FAF];
	_ =	sdelay $0x3  }
0x37: {  	[smem:$0x3FAF] =	sst s10  }
0x38: {  	s10 =	sld [smem:$0x3FB0]  }
0x39: {  	_ = 	snop;
	(pc) =	sbr.ind lr, $3  }
0x3a: {  	_ = 	snop  }
0x3b: {  	_ = 	snop  }
0x3c: {  	p2 =	seq.s32 s10, $0x1;
	s10 =	sld [smem:$0x3FAF]  }
0x3d: {  	_ =	shalt  }
0x3e: {  	_ =	shalt  }
0x3f: {  	_ =	shalt  }
0x40: {  	_ =	shalt  }
0x41: {  	_ =	shalt  }
0x42: {  	_ =	shalt  }
0x43: {  	_ =	shalt  }
0x44: {  	_ =	shalt  }
0x45: {  	_ =	shalt  }
0x46: {  	_ =	shalt  }
0x47: {  	_ =	shalt  }
0x48: {  	_ =	shalt  }
0x49: {  	_ =	shalt  }
0x4a: {  	_ =	shalt  }
0x4b: {  	_ =	shalt  }
0x4c: {  	_ =	shalt  }
0x4d: {  	_ =	shalt  }
0x4e: {  	_ =	shalt  }
0x4f: {  	_ =	shalt  }
0x50: {  	_ =	shalt  }
0x51: {  	_ =	shalt  }
0x52: {  	_ =	shalt  }
0x53: {  	_ =	shalt  }
0x54: {  	_ =	shalt  }
0x55: {  	_ =	shalt  }
0x56: {  	_ =	shalt  }
0x57: {  	_ =	shalt  }
0x58: {  	_ =	shalt  }
0x59: {  	_ =	shalt  }
0x5a: {  	_ =	shalt  }
0x5b: {  	_ =	shalt  }
0x5c: {  	_ =	shalt  }
0x5d: {  	_ =	shalt  }
0x5e: {  	_ =	shalt  }
0x5f: {  	_ =	shalt  }
0x60: {  	_ =	shalt  }
0x61: {  	_ =	shalt  }
0x62: {  	_ =	shalt  }
0x63: {  	_ =	shalt  }
0x64: {  	_ =	shalt  }
0x65: {  	_ =	shalt  }
0x66: {  	_ =	shalt  }
0x67: {  	_ =	shalt  }
0x68: {  	_ =	shalt  }
0x69: {  	_ =	shalt  }
0x6a: {  	_ =	shalt  }
0x6b: {  	_ =	shalt  }
0x6c: {  	_ =	shalt  }
0x6d: {  	_ =	shalt  }
0x6e: {  	_ =	shalt  }
0x6f: {  	_ =	shalt  }
0x70: {  	_ =	shalt  }
0x71: {  	_ =	shalt  }
0x72: {  	_ =	shalt  }
0x73: {  	_ =	shalt  }
0x74: {  	_ =	shalt  }
0x75: {  	_ =	shalt  }
0x76: {  	_ =	shalt  }
0x77: {  	_ =	shalt  }
0x78: {  	_ =	shalt  }
0x79: {  	_ =	shalt  }
0x7a: {  	_ =	shalt  }
0x7b: {  	_ =	shalt  }
0x7c: {  	_ =	shalt  }
0x7d: {  	_ =	shalt  }
0x7e: {  	_ =	shalt  }
0x7f: {  	_ =	shalt  }
0x80: {  	_ =	shalt  }
0x81: {  	_ =	shalt  }
0x82: {  	_ =	shalt  }
0x83: {  	_ =	shalt  }
0x84: {  	_ =	shalt  }
0x85: {  	_ =	shalt  }
0x86: {  	_ =	shalt  }
0x87: {  	_ =	shalt  }
.Lfunc_end0:
.L_simem_size_0:
called_computation.3_lowered:
.L_overlay_start_0:
0x88: {  	s2 =	sld [smem:$0x3FD9]  }
0x89: {  	s3 =	sld [smem:$0x3FFE];
	_ =	sdelay $0x1  }
0x8a: {  	s1 =	srdreg.scid  }
0x8b: {  	s0 =	sand.u32 $0x1, s1  }
0x8c: {  	s16 =	sshll.u32 s0, $0xA;
	s2 =	sadd.s32 s3, s2  }
0x8d: {  	s2 =	sadd.s32 s2, s16  }
0x8e: {  	[smem:$0x3FBB] =	sst s2  }
0x8f: {  	_ = 	snop  }
0x90: {  	(tm) =	ssettm $0x1  }
0x91: {  	s17 =	sld [smem:$0x3FFB];
	_ =	sdelay $0x3  }
0x92: {  	_ =	strace s17  }
0x93: {  	s2 =	sld [smem:$0x3FFC];
	_ =	sdelay $0x3  }
0x94: {  	_ =	strace s2  }
0x95: {  	s2 =	sld [smem:$0x3FFD];
	_ =	sdelay $0x3  }
0x96: {  	_ =	strace s2  }
0x97: {  	_ =	strace $0x8FFFFFFF  }
0x98: {  	s18 =	sld [smem:$0x3FDB];
	_ =	sdelay $0x1  }
0x99: {  	s19 =	simm.s32 $_scs_section_size  }
0x9a: {  	s4 =	simm.s32 $_size__tile_overlayer_lowered;
	s5 =	simm.s32 $_tile_overlayer_lowered  }
0x9b: {  	s22 =	simm.s32 $0x1BFF;
	s21 =	sshll.u32 s5, $0x1;
	s2 =	sadd.s32 s19, s18  }
0x9c: {  	s6 =	simm.s32 $0x0;
	s20 =	sshll.u32 s4, $0x1;
	s4 =	sadd.s32 s21, s2  }
0x9d: {  	[timem:s6], [sflag:s22] =	dma.local [hbm:s4], s20  }
0x9e: {  	_ =	swait.ge [sflag:s22], s20  }
0x9f: {  	s3 =	ssub.s32 $0x0, s20;
	[sflag:s22] =	ssyncset.done $0x0  }
0xa0: {  	[sflag:s22] =	ssyncadd.s32 s3;
	_ =	sdelay $0x1  }
0xa1: {  	s23 =	simm.s32 $0x1B8B  }
0xa2: {  	_ =	swait.ge [sflag:s23], $0x1  }
0xa3: {  	[sflag:s23] =	ssyncset.done $0x0  }
0xa4: {  	s25 =	simm.s32 $0x1B8E;
	s24 =	sld [smem:$0x3FFE];
	[sflag:s23] =	ssyncadd.s32 $0xFFFFFFFF  }
0xa5: {  	s26 =	simm.s32 $execute0_lowered;
	[smem:$0x3FD2] =	sst s25  }
0xa6: {  	s4 =	sshll.u32 s26, $0x1;
	_ =	strace $0x8000004F;
	[dreg:$0x1] =	wrdreg $0xFFFFFFFF  }
0xa7: {  	s28 =	simm.s32 $_size_execute0_lowered;
	s2 =	sadd.s32 s2, s4;
	[dreg:$0x0] =	wrdreg $0x0  }
0xa8: {  	s4 =	sshll.u32 s28, $0x1;
	[dreg:$0x2] =	wrdreg s2  }
0xa9: {  	[dreg:$0x3] =	wrdreg s4  }
0xaa: {  	[dreg:$0x4] =	wrdreg $0xC0  }
0xab: {  	_ =	task [dreg:s6], $0x5FFFF  }
0xac: {  	[dreg:$0x1] =	wrdreg $0xFFFFFFFF  }
0xad: {  	[dreg:$0x0] =	wrdreg $0x60  }
0xae: {  	[dreg:$0x2] =	wrdreg s24  }
0xaf: {  	[dreg:$0x3] =	wrdreg $0xFE200  }
0xb0: {  	[dreg:$0x4] =	wrdreg $0xB0000  }
0xb1: {  	[dreg:$0x5] =	wrdreg $0x9  }
0xb2: {  	_ =	task.clear_ibuf [dreg:s6], $0x6FFFF;
	_ =	strace $0x9000004F  }
0xb3: {  	s29 =	simm.s32 $0x9;
	_ =	strace $0x80000051  }
0xb4: {  	_ =	swait.ge [sflag:s29], $0x1  }
0xb5: {  	[sflag:s29] =	ssyncadd.s32 $0xFFFFFFFF  }
0xb6: {  	_ =	strace $0x90000051  }
0xb7: {  	_ =	sfence  }
0xb8: {  	s30 =	sld [smem:$0x0];
	_ =	sdelay $0x2  }
0xb9: {  	s31 =	sshll.u32 s1, $0xD;
	s1 =	sshrl.u32 s1, $0x2  }
0xba: {  	s3 =	sand.u32 $0x4000, s31;
	s1 =	sadd.s32 s1, s30  }
0xbb: {  	s0 =	sor.u32 s3, s0;
	s1 =	sshll.u32 s1, $0x11  }
0xbc: {  	s0 =	sor.u32 s1, s0  }
0xbd: {  	s0 =	sadd.s32 $0x8F2B, s0  }
0xbe: {  	[sflag:s0] =	ssyncadd.remote.s32 $0x1  }
0xbf: {  	_ =	sfence.sel $0xFFFF  }
0xc0: {  	[dreg:$0x0] =	wrdreg $0xFFFFFFFF;
	(pc) =	sbr.abs _section_cstart, $3  }
0xc1: {  	[dreg:$0x1] =	wrdreg $0xFFFFFFFF  }
0xc2: {  	_ =	task.clear_ibuf [dreg:s6], $0x2FFFF;
	_ =	strace $0x9FFFFFFF  }
0xc3: {  	(tm) =	ssettm $0x7FFFFFFF  }
tec
execute0_lowered:
.L_overlay_start_1:
0x0: {  	(tag) =	ssettag $0x1  }
0x1: {  	s11 =	rddreg [dreg:$0x0]  }
0x2: {  	s2 =	rddreg [dreg:$0x1]  }
0x3: {  	s3 =	rddreg [dreg:$0x2]  }
0x4: {  	s0 =	rddreg [dreg:$0x3]  }
0x5: {  	s1 =	stileid.u32;
	s5 =	srdreg.scid;
	s4 =	simm.s32 $0x0  }
0x6: {  	s20 =	simm.s32 $0xA000;
	s21 =	simm.s32 $0x1;
	s15 =	smul.u32 $0x5000, s1  }
0x7: {  	s22 =	simm.s32 $0x5000;
	s23 =	simm.s32 $0x80;
	s6 =	smul.u32 $0xA00, s1  }
0x8: {  	s7 =	sand.u32 $0x1, s5;
	[smem:$0x7FF] =	sst s4;
	s29 =	smul.u32 $0x14000, s1  }
0x9: {  	s8 =	smul.u32 $0x50000, s7;
	_ =	strace $0x80000050;
	s31 =	ssub.s32 $0x2, s7  }
0xa: {  	p3 =	seq.s32 s7, $0x1;
	s28 =	sshrl.u32 s15, $0x3;
	s13 =	sadd.s32 s6, s11  }
0xb: {  	s9 =	sshrl.u32 s31, $0x1;
	s5 =	sshrl.u32 s29, $0x2;
	s24 =	sadd.s32 s15, s2  }
0xc: {  	p1 =	seq.s32 @p3 s1, $0xF;
	p4 =	seq.s32 @!p3 s1, $0xF;
	s10 =	sadd.s32 s28, s11  }
0xd: {  	s30 =	sadd.s32 s15, s8;
	s16 =	ssub.s32 s31, s9;
	s5 =	sadd.s32 s5, s2  }
0xe: {  	s8 =	sadd.s32 $0x4B000, s3;
	s9 =	sadd.s32 $0x51E00, s11;
	s12 =	sadd.s32 $0x17600, s13  }
0xf: {  	s13 =	sadd.s32 $0x3600, s13;
	p0 =	por !p1, !p3;
	p1 =	por p1, !p3  }
0x10: {  	p2 =	por !p4, p3;
	p3 =	por p4, p3;
	s24 =	sshrl.u32 s24, $0x3  }
0x11: {  	s6 =	sshrl.u32 s30, $0x3;
	s7 =	sadd.s32 $0x48800, s10;
	s10 =	sadd.s32 $0xD600, s10  }
0x12: {  	s17 =	sadd.s32 $0x2000, s5;
	s18 =	sadd.s32 $0x3000, s5;
	s19 =	sadd.s32 $0x4000, s5  }
0x13: {  	s14 =	sadd.s32 s6, s11;
	s6 =	sadd.s32 s15, s3;
	s11 =	sadd.s32 $0x16C00, s11  }
0x14: {  	v0 =	vimm.f32 $0.0e+00;
	s15 =	smax.u32 s16, $0x1;
	s16 =	sadd.s32 $0x1000, s5;
	s14 =	sadd.s32 $0x52600, s14  }
.LBB2_1:
0x15: {  	s25 =	simm.s32 $0x80;
	s26 =	simm.s32 $0x0  }
.LBB2_2:
0x16: {  	p4 =	sne.s32 s25, $0x3F80;
	[tilespmem:s26+$0xA000] =	vst v0;
	s28 =	smov.u32 s25;
	s25 =	sadd.s32 $0x80, s25  }
.Ltmp0:
0x17: {  	[tilespmem:s26+$0xA010] =	vst v0;
	(pc) =	sbr.rel @p4 .LBB2_2-.Ltmp0, $2  }
0x18: {  	_ =	sdelay $0x2  }
0x19: {  	s26 =	sshra.s32 s28, $0x2  }
0x1a: {  	[tilespmem:s26+$0xA000] =	vst v0  }
0x1b: {  	[tilespmem:s26+$0xA010] =	vst v0  }
0x1c: {  	[spmem:s5] =	stream.linear.scatter [tilespmem:s20], [sflag:$0x1], $0x1000, $0x38;
	[tilespmem:$0x14E20] =	vst v63  }
0x1d: {  	_ =	swait.ge [sflag:s21], $0x1000  }
0x1e: {  	[sflag:s21] =	ssyncset.done $0x0  }
0x1f: {  	[sflag:s21] =	ssyncadd.s32 $0xFFFFF000  }
0x20: {  	[spmem:s16] =	stream.linear.scatter [tilespmem:s20], [sflag:$0x1], $0x1000, $0x38;
	[tilespmem:$0x14E20] =	vst v63  }
0x21: {  	_ =	swait.ge [sflag:s21], $0x1000  }
0x22: {  	[sflag:s21] =	ssyncset.done $0x0  }
0x23: {  	[sflag:s21] =	ssyncadd.s32 $0xFFFFF000  }
0x24: {  	[spmem:s17] =	stream.linear.scatter [tilespmem:s20], [sflag:$0x1], $0x1000, $0x38;
	[tilespmem:$0x14E20] =	vst v63  }
0x25: {  	_ =	swait.ge [sflag:s21], $0x1000  }
0x26: {  	[sflag:s21] =	ssyncset.done $0x0  }
0x27: {  	[sflag:s21] =	ssyncadd.s32 $0xFFFFF000  }
0x28: {  	[spmem:s18] =	stream.linear.scatter [tilespmem:s20], [sflag:$0x1], $0x1000, $0x38;
	[tilespmem:$0x14E20] =	vst v63  }
0x29: {  	_ =	swait.ge [sflag:s21], $0x1000  }
0x2a: {  	[sflag:s21] =	ssyncset.done $0x0  }
0x2b: {  	[sflag:s21] =	ssyncadd.s32 $0xFFFFF000  }
0x2c: {  	[spmem:s19] =	stream.linear.scatter [tilespmem:s20], [sflag:$0x1], $0x1000, $0x38;
	[tilespmem:$0x14E20] =	vst v63  }
0x2d: {  	_ =	swait.ge [sflag:s21], $0x1000  }
0x2e: {  	[sflag:s21] =	ssyncset.done $0x0  }
0x2f: {  	s25 =	sshrl.u32 @!p0 s8, $0x3;
	s26 =	simm.s32 @!p0 $0x1FC1;
	[sflag:s21] =	ssyncadd.s32 $0xFFFFF000  }
0x30: {  	[spmem:s25], [sflag:s26] =	dma.local @!p0 [hbm:s11], $0x640  }
0x31: {  	s25 =	simm.s32 @!p0 $0x1  }
0x32: {  	_ =	swait.ge @!p0 [sflag:s25], $0x640  }
0x33: {  	s26 =	sshll.u32 @!p1 s1, $0x6;
	[sflag:s25] =	ssyncset.done @!p0 $0x0  }
0x34: {  	[sflag:s25] =	ssyncadd.s32 @!p0 $0xFFFFF9C0;
	s25 =	sor.u32 @!p1 $0x1C01, s26;
	s26 =	sshrl.u32 @!p1 s6, $0x3  }
0x35: {  	[spmem:s26], [sflag:s25] =	dma.local @!p1 [hbm:s10], $0xA00  }
0x36: {  	s25 =	simm.s32 @!p1 $0x1  }
0x37: {  	_ =	swait.ge @!p1 [sflag:s25], $0xA00  }
0x38: {  	[sflag:s25] =	ssyncset.done @!p1 $0x0  }
0x39: {  	s26 =	simm.s32 @!p2 $0x1FC1;
	[sflag:s25] =	ssyncadd.s32 @!p1 $0xFFFFF600;
	s25 =	sshrl.u32 @!p2 s8, $0x3  }
0x3a: {  	[spmem:s25], [sflag:s26] =	dma.local @!p2 [hbm:s9], $0x640  }
0x3b: {  	s25 =	simm.s32 @!p2 $0x1  }
0x3c: {  	_ =	swait.ge @!p2 [sflag:s25], $0x640  }
0x3d: {  	s26 =	sshll.u32 @!p3 s1, $0x6;
	[sflag:s25] =	ssyncset.done @!p2 $0x0  }
0x3e: {  	[sflag:s25] =	ssyncadd.s32 @!p2 $0xFFFFF9C0;
	s25 =	sor.u32 @!p3 $0x1C01, s26;
	s26 =	sshrl.u32 @!p3 s6, $0x3  }
0x3f: {  	[spmem:s26], [sflag:s25] =	dma.local @!p3 [hbm:s7], $0xA00  }
0x40: {  	s25 =	simm.s32 @!p3 $0x1  }
0x41: {  	_ =	swait.ge @!p3 [sflag:s25], $0xA00  }
0x42: {  	[sflag:s25] =	ssyncset.done @!p3 $0x0  }
0x43: {  	s29 =	simm.s32 $0x0;
	[sflag:s25] =	ssyncadd.s32 @!p3 $0xFFFFF600  }
0x44: {  	[tilespmem:s29], [sflag:$0x1] =	stream.linear.gather [hbm4b:s12+s29], $0x5000, $0x38;
	[tilespmem:$0x14E20] =	vst v63  }
0x45: {  	_ =	swait.ge [sflag:s21], $0x5000  }
0x46: {  	[sflag:s21] =	ssyncset.done $0x0  }
0x47: {  	[sflag:s21] =	ssyncadd.s32 $0xFFFFB000  }
0x48: {  	[tilespmem:s22], [sflag:$0x1] =	stream.linear.gather [hbm4b:s13+s29], $0x5000, $0x38;
	[tilespmem:$0x14E20] =	vst v63  }
0x49: {  	_ =	swait.ge [sflag:s21], $0x5000  }
0x4a: {  	[sflag:s21] =	ssyncset.done $0x0  }
0x4b: {  	[sflag:s21] =	ssyncadd.s32 $0xFFFFB000  }
0x4c: {  	s30 =	simm.s32 $0x0;
	[bflag:$0x0] =	sbarrier.arrive $0xFFFF  }
0x4d: {  	[tilespmem:s20], [sflag:$0x1] =	stream.indirect.gather [spmem:s3], $0x20, s30, s23, $0xb8;
	[tilespmem:$0x14E20] =	vst v63  }
0x4e: {  	_ =	swait.ge [sflag:s21], $0x1000  }
0x4f: {  	[sflag:s21] =	ssyncset.done $0x0  }
0x50: {  	s31 =	simm.s32 $0x5000;
	[sflag:s21] =	ssyncadd.s32 $0xFFFFF000  }
0x51: {  	[spmem:s2] =	stream.indirect.scatter.add.f32 [tilespmem:s20], [sflag:$0x1], $0x20, s31, s23, $0xb8;
	[tilespmem:$0x14E20] =	vst v63  }
0x52: {  	_ =	swait.ge [sflag:s21], $0x1000  }
0x53: {  	s26 =	simm.s32 $0x400;
	s25 =	simm.s32 $0x200;
	[sflag:s21] =	ssyncset.done $0x0  }
.LBB2_4:
0x54: {  	s28 =	sshra.s32 s25, $0x2  }
0x55: {  	[sflag:s21] =	ssyncadd.s32 $0xFFFFF000;
	s25 =	smov.u32 s26;
	s29 =	sadd.s32 $0x200, s26  }
0x56: {  	[tilespmem:s20], [sflag:$0x1] =	stream.indirect.gather [spmem:s3], $0x20, s28, s23, $0xb8;
	[tilespmem:$0x14E20] =	vst v63  }
0x57: {  	p4 =	sne.s32 s26, $0x13E00;
	_ =	swait.ge [sflag:s21], $0x1000  }
.Ltmp1:
0x58: {  	[sflag:s21] =	ssyncset.done $0x0;
	(pc) =	sbr.rel @p4 .LBB2_4-.Ltmp1, $4  }
0x59: {  	s26 =	sadd.s32 $0x5000, s28;
	[sflag:s21] =	ssyncadd.s32 $0xFFFFF000  }
0x5a: {  	[spmem:s2] =	stream.indirect.scatter.add.f32 [tilespmem:s20], [sflag:$0x1], $0x20, s26, s23, $0xb8;
	[tilespmem:$0x14E20] =	vst v63  }
0x5b: {  	_ =	swait.ge [sflag:s21], $0x1000  }
0x5c: {  	s26 =	smov.u32 s29;
	[sflag:s21] =	ssyncset.done $0x0  }
0x5d: {  	s25 =	sshra.s32 s25, $0x2;
	[sflag:s21] =	ssyncadd.s32 $0xFFFFF000  }
0x5e: {  	[tilespmem:s20], [sflag:$0x1] =	stream.indirect.gather [spmem:s3], $0x20, s25, s23, $0xb8;
	[tilespmem:$0x14E20] =	vst v63  }
0x5f: {  	_ =	swait.ge [sflag:s21], $0x1000  }
0x60: {  	[sflag:s21] =	ssyncset.done $0x0  }
0x61: {  	s25 =	sadd.s32 $0x5000, s25;
	[sflag:s21] =	ssyncadd.s32 $0xFFFFF000  }
0x62: {  	[spmem:s2] =	stream.indirect.scatter.add.f32 [tilespmem:s20], [sflag:$0x1], $0x20, s25, s23, $0xb8;
	[tilespmem:$0x14E20] =	vst v63  }
0x63: {  	_ =	swait.ge [sflag:s21], $0x1000  }
0x64: {  	s4 =	sadd.s32 $0x1, s4;
	[sflag:s21] =	ssyncset.done $0x0  }
0x65: {  	s31 =	sshll.u32 s1, $0x6;
	p4 =	sne.s32 s4, s15;
	[sflag:s21] =	ssyncadd.s32 $0xFFFFF000  }
.Ltmp2:
0x66: {  	s25 =	sor.u32 $0x1C01, s31;
	[bflag:$0x0] =	sbarrier.arrive $0xFFFF;
	(pc) =	sbr.rel @p4 .LBB2_1-.Ltmp2, $4  }
0x67: {  	[hbm:s14], [sflag:s25] =	dma.local [spmem:s24], $0xA00  }
0x68: {  	_ =	swait.ge [sflag:s21], $0xA00  }
0x69: {  	[sflag:s21] =	ssyncset.done $0x0  }
0x6a: {  	[sflag:s21] =	ssyncadd.s32 $0xFFFFF600  }
0x6b: {  	_ =	sfence.sel $0x180000  }
0x6c: {  	[bflag:$0x0] =	sbarrier.arrive $0xFFFF  }
0x6d: {  	p0 =	sne.s32 s1, $0x0;
	_ =	strace $0x90000050  }
0x6e: {  	s0 =	sadd.s32 @!p0 $0x100000, s0;
	[bflag:$0x2] =	sbarrier.arrive $0xFFFF  }
0x6f: {  	[sflag:s0] =	ssyncadd.tile.s32 @!p0 $0x1;
	_ =	shalt  }
.Lfunc_end2:
_tile_overlayer_lowered:
.L_overlay_start_2:
0x70: {  	(tag) =	ssettag $0x2  }
0x71: {  	s0 =	rddreg [dreg:$0x0];
	s2 =	stileid.u32  }
0x72: {  	s1 =	rddreg [dreg:$0x1];
	p0 =	sne.s32 s2, $0x0  }
0x73: {  	s3 =	rddreg [dreg:$0x2];
	[bflag:$0x3] =	sbarrier.arrive $0xFFFF;
	s2 =	simm.s32 @!p0 $0x1C01  }
0x74: {  	[timem:s3], [sflag:s2] =	dma.local @!p0 [hbm:s0], s1  }
0x75: {  	s0 =	simm.s32 @!p0 $0x1  }
0x76: {  	_ =	swait.ge @!p0 [sflag:s0], s1  }
0x77: {  	s1 =	ssub.s32 @!p0 $0x0, s1;
	[sflag:s0] =	ssyncset.done @!p0 $0x0  }
0x78: {  	[sflag:s0] =	ssyncadd.s32 @!p0 s1  }
0x79: {  	[bflag:$0x3] =	sbarrier.arrive $0xFFFF  }
0x7a: {  	_ =	shalt  }

</sc_bundles>
